<compile_context>
chip_gen: v7x
topology: tpu7x:2x2x1
jax: 0.10.2.dev20260603
libtpu: 0.0.44.dev20260713+nightly
codegen_flags: <defaults>
</compile_context>

<pallas_src>
import jax
import jax.numpy as jnp
from jax import lax
from jax.experimental import pallas as pl
from jax.experimental.pallas import tpu as pltpu
from jax.experimental.pallas import tpu_sc as plsc

N_NODES = 10000
N_EDGES = 320000
D_NODE = 128
D_EDGE = 16
MSG = 32

NC = 2
NS = 16
NW = NC * NS

C_EDGES = 512
CQ = C_EDGES // 4
SUB = 128
R_CHUNK = C_EDGES // SUB
N_CHUNK = 20
EPW = C_EDGES * N_CHUNK
N_EDGES_PAD = NW * EPW
N_IDX_ROWS = N_EDGES_PAD // SUB
N_NODES_PAD = 10016
NPZ = 624


def _proj_nodes_body(x_ref, w0_ref, w1_ref, p0_ref, p1_ref):
    x = x_ref[...]
    zt = jnp.zeros((N_NODES_PAD - N_NODES, MSG), jnp.float32)
    p0_ref[pl.ds(0, N_NODES), :] = jnp.dot(
        x, w0_ref[...], preferred_element_type=jnp.float32
    )
    p0_ref[pl.ds(N_NODES, N_NODES_PAD - N_NODES), :] = zt
    p1_ref[pl.ds(0, N_NODES), :] = jnp.dot(
        x, w1_ref[...], preferred_element_type=jnp.float32
    )
    p1_ref[pl.ds(N_NODES, N_NODES_PAD - N_NODES), :] = zt


def _proj_nodes(x, w0T, w1T):
    return pl.pallas_call(
        _proj_nodes_body,
        out_shape=[
            jax.ShapeDtypeStruct((N_NODES_PAD, MSG), jnp.float32),
            jax.ShapeDtypeStruct((N_NODES_PAD, MSG), jnp.float32),
        ],
    )(x, w0T, w1T)


E_BLK = 16384


def _proj_edges_body(efT_ref, wc_ref, b1_ref, ep_ref):
    res = (
        lax.dot_general(
            efT_ref[...], wc_ref[...],
            (((0,), (0,)), ((), ())),
            preferred_element_type=jnp.float32,
        )
        + b1_ref[...]
    )
    packed = [
        jnp.concatenate(
            [
                res[C_EDGES * t + CQ * u:C_EDGES * t + CQ * (u + 1)]
                for u in range(4)
            ],
            axis=1,
        )
        for t in range(E_BLK // C_EDGES)
    ]
    ep_ref[...] = jnp.concatenate(packed, axis=0)


def _proj_edges(efTp, wcT, b1r):
    grid = N_EDGES_PAD // E_BLK
    return pl.pallas_call(
        _proj_edges_body,
        grid=(grid,),
        in_specs=[
            pl.BlockSpec((D_EDGE, E_BLK), lambda i: (0, i)),
            pl.BlockSpec((D_EDGE, MSG), lambda i: (0, 0)),
            pl.BlockSpec((1, MSG), lambda i: (0, 0)),
        ],
        out_specs=pl.BlockSpec((E_BLK // 4, 4 * MSG), lambda i: (i, 0)),
        out_shape=jax.ShapeDtypeStruct((N_EDGES_PAD // 4, 4 * MSG), jnp.float32),
    )(efTp, wcT, b1r)


def _sc_body(p0_hbm, p1_hbm, ep_hbm, i0_hbm, i1_hbm, out_hbm,
             i0_v0, i0_v1, i1_v0, i1_v1, ep_v0, ep_v1,
             g0_v0, g0_v1, g1_v0, g1_v1, acc_sh,
             sem0, sem1, sems0, sems1):
    cid = lax.axis_index("c")
    sid = lax.axis_index("s")
    wid = sid * NC + cid
    i0_v = (i0_v0, i0_v1)
    i1_v = (i1_v0, i1_v1)
    ep_v = (ep_v0, ep_v1)
    g0_v = (g0_v0, g0_v1)
    g1_v = (g1_v0, g1_v1)
    sem = (sem0, sem1)
    sems = (sems0, sems1)

    def zrow(r, carry):
        g0_v0[r, pl.ds(0, 16)] = jnp.zeros((16,), jnp.float32)
        g0_v0[r, pl.ds(16, 16)] = jnp.zeros((16,), jnp.float32)
        return carry

    lax.fori_loop(0, C_EDGES, zrow, 0)
    pltpu.sync_copy(
        g0_v0, acc_sh.at[pl.ds(sid * NPZ, C_EDGES)]
    )
    pltpu.sync_copy(
        g0_v0.at[pl.ds(0, NPZ - C_EDGES)],
        acc_sh.at[pl.ds(sid * NPZ + C_EDGES, NPZ - C_EDGES)],
    )

    @pl.when(sid == NS - 1)
    def _zero_tail():
        pltpu.sync_copy(
            g0_v0.at[pl.ds(0, 32)], acc_sh.at[pl.ds(NS * NPZ, 32)]
        )

    plsc.subcore_barrier()

    def _start(slot, jc):
        rbase = jc * R_CHUNK
        pltpu.sync_copy(i0_hbm.at[pl.ds(rbase, R_CHUNK)], i0_v[slot])
        pltpu.sync_copy(i1_hbm.at[pl.ds(rbase, R_CHUNK)], i1_v[slot])
        pltpu.async_copy(ep_hbm.at[pl.ds(jc * CQ, CQ)], ep_v[slot], sem[slot])
        for j in range(R_CHUNK):
            dst = pl.ds(j * SUB, SUB)
            pltpu.async_copy(p0_hbm.at[i0_v[slot].at[j]],
                             g0_v[slot].at[dst], sem[slot])
            pltpu.async_copy(p1_hbm.at[i1_v[slot].at[j]],
                             g1_v[slot].at[dst], sem[slot])

    def _drain_scatters(slot):
        for j in range(R_CHUNK):
            pltpu.make_async_copy(
                g0_v[slot].at[pl.ds(j * SUB, SUB)],
                acc_sh.at[i0_v[slot].at[j]],
                sems[slot],
            ).wait()

    def _process(slot, jc):
        pltpu.make_async_copy(
            ep_hbm.at[pl.ds(jc * CQ, CQ)], ep_v[slot], sem[slot]
        ).wait()
        for j in range(R_CHUNK):
            dst = pl.ds(j * SUB, SUB)
            pltpu.make_async_copy(
                p0_hbm.at[i0_v[slot].at[j]], g0_v[slot].at[dst], sem[slot]
            ).wait()
            pltpu.make_async_copy(
                p1_hbm.at[i1_v[slot].at[j]], g1_v[slot].at[dst], sem[slot]
            ).wait()

        @plsc.parallel_loop(0, CQ, unroll=8)
        def rowf(q):
            for u in range(4):
                for off in (0, 16):
                    s = pl.ds(off, 16)
                    se = pl.ds(32 * u + off, 16)
                    g0_v[slot][q + CQ * u, s] = jnp.maximum(
                        g0_v[slot][q + CQ * u, s]
                        + g1_v[slot][q + CQ * u, s]
                        + ep_v[slot][q, se],
                        0.0,
                    )
        for j in range(R_CHUNK):
            pltpu.async_copy(
                g0_v[slot].at[pl.ds(j * SUB, SUB)],
                acc_sh.at[i0_v[slot].at[j]],
                sems[slot],
                add=True,
            )

    jc0 = wid * N_CHUNK
    _start(0, jc0)

    def pair(pi, carry):
        jc_a = jc0 + 2 * pi

        @pl.when(pi > 0)
        def _ds1():
            _drain_scatters(1)

        _start(1, jc_a + 1)
        _process(0, jc_a)

        @pl.when(pi < N_CHUNK // 2 - 1)
        def _next():
            _drain_scatters(0)
            _start(0, jc_a + 2)

        _process(1, jc_a + 1)
        return carry

    lax.fori_loop(0, N_CHUNK // 2, pair, 0)
    _drain_scatters(0)
    _drain_scatters(1)
    plsc.subcore_barrier()
    pltpu.sync_copy(
        acc_sh.at[pl.ds(sid * NPZ, NPZ)], out_hbm.at[cid, pl.ds(sid * NPZ, NPZ)]
    )

    @pl.when(sid == NS - 1)
    def _write_tail():
        pltpu.sync_copy(
            acc_sh.at[pl.ds(NS * NPZ, 16)], out_hbm.at[cid, pl.ds(NS * NPZ, 16)]
        )


def _sc_gather_scatter(P0, P1, EP, i0, i1):
    mesh = plsc.VectorSubcoreMesh(core_axis_name="c", subcore_axis_name="s")
    return pl.kernel(
        _sc_body,
        out_type=jax.ShapeDtypeStruct((NC, N_NODES, MSG), jnp.float32),
        mesh=mesh,
        compiler_params=pltpu.CompilerParams(use_tc_tiling_on_sc=False),
        scratch_types=[
            pltpu.VMEM((R_CHUNK, SUB), jnp.int32),
            pltpu.VMEM((R_CHUNK, SUB), jnp.int32),
            pltpu.VMEM((R_CHUNK, SUB), jnp.int32),
            pltpu.VMEM((R_CHUNK, SUB), jnp.int32),
            pltpu.VMEM((CQ, 4 * MSG), jnp.float32),
            pltpu.VMEM((CQ, 4 * MSG), jnp.float32),
            pltpu.VMEM((C_EDGES, MSG), jnp.float32),
            pltpu.VMEM((C_EDGES, MSG), jnp.float32),
            pltpu.VMEM((C_EDGES, MSG), jnp.float32),
            pltpu.VMEM((C_EDGES, MSG), jnp.float32),
            pltpu.VMEM_SHARED((N_NODES_PAD, MSG), jnp.float32),
            pltpu.SemaphoreType.DMA,
            pltpu.SemaphoreType.DMA,
            pltpu.SemaphoreType.DMA,
            pltpu.SemaphoreType.DMA,
        ],
    )(P0, P1, EP, i0, i1)


def _final_body(x_ref, part_ref, w2a_ref, w2b_ref, b2_ref, out_ref):
    acc = part_ref[0] + part_ref[1]
    o = (
        jnp.dot(x_ref[...], w2a_ref[...], preferred_element_type=jnp.float32)
        + jnp.dot(acc, w2b_ref[...], preferred_element_type=jnp.float32)
        + b2_ref[...]
    )
    out_ref[...] = jnp.maximum(o, 0.0)


def _final(x, part, w2aT, w2bT, b2r):
    blk = 1000
    grid = N_NODES // blk
    return pl.pallas_call(
        _final_body,
        grid=(grid,),
        in_specs=[
            pl.BlockSpec((blk, D_NODE), lambda i: (i, 0)),
            pl.BlockSpec((NC, blk, MSG), lambda i: (0, i, 0)),
            pl.BlockSpec((D_NODE, D_NODE), lambda i: (0, 0)),
            pl.BlockSpec((MSG, D_NODE), lambda i: (0, 0)),
            pl.BlockSpec((1, D_NODE), lambda i: (0, 0)),
        ],
        out_specs=pl.BlockSpec((blk, D_NODE), lambda i: (i, 0)),
        out_shape=jax.ShapeDtypeStruct((N_NODES, D_NODE), jnp.float32),
    )(x, part, w2aT, w2bT, b2r)


def kernel(node_features, edge_node_indices, edge_features, W1, b1, W2, b2):
    x = node_features
    n0 = edge_node_indices[0].astype(jnp.int32)
    n1 = edge_node_indices[1].astype(jnp.int32)
    w0T = W1[:, :D_NODE].T
    w1T = W1[:, D_NODE:2 * D_NODE].T
    wcT = W1[:, 2 * D_NODE:].T
    w2aT = W2[:, :D_NODE].T
    w2bT = W2[:, D_NODE:].T
    b1r = b1.reshape(1, MSG)
    b2r = b2.reshape(1, D_NODE)

    P0, P1 = _proj_nodes(x, w0T, w1T)

    EP = _proj_edges(edge_features.T, wcT, b1r)

    trash = N_NODES + jnp.arange(N_EDGES_PAD - N_EDGES, dtype=jnp.int32) % 16

    def _prep_idx(idx):
        a = jnp.concatenate([idx, trash])
        return a.reshape(N_IDX_ROWS, SUB)

    part = _sc_gather_scatter(P0, P1, EP, _prep_idx(n0), _prep_idx(n1))
    return _final(x, part, w2aT, w2bT, b2r)

# --- scband reference (transcript-rebuilt; emitter-appended) ---
"""Pipeline reference for scband-vanilla-convolutional-layer-4836133175447 (READ-ONLY COPY).

The authoritative reference and input builder live on the scoring server;
editing this copy changes nothing except your own understanding.
"""

import jax, jax.numpy as jnp
import numpy as np

N_NODES = 10000
N_EDGES = 320000
D_NODE = 128
D_EDGE = 16
MSG = 32


def setup_inputs(seed: int = 0) -> dict:
    key = jax.random.key(seed)
    ks = jax.random.split(key, 8)
    node_features = jax.random.normal(ks[0], (N_NODES, D_NODE), dtype=jnp.float32)
    edge_node_indices = jax.random.randint(ks[1], (2, N_EDGES), 0, N_NODES, dtype=jnp.int64 if jax.config.jax_enable_x64 else jnp.int32)
    edge_features = jax.random.normal(ks[2], (N_EDGES, D_EDGE), dtype=jnp.float32)
    edge_in = 2 * D_NODE + D_EDGE
    node_in = D_NODE + MSG
    # Kaiming-uniform-ish init like torch nn.Linear defaults
    W1 = jax.random.uniform(ks[3], (MSG, edge_in), dtype=jnp.float32, minval=-1.0, maxval=1.0) / np.sqrt(edge_in)
    b1 = jax.random.uniform(ks[4], (MSG,), dtype=jnp.float32, minval=-1.0, maxval=1.0) / np.sqrt(edge_in)
    W2 = jax.random.uniform(ks[5], (D_NODE, node_in), dtype=jnp.float32, minval=-1.0, maxval=1.0) / np.sqrt(node_in)
    b2 = jax.random.uniform(ks[6], (D_NODE,), dtype=jnp.float32, minval=-1.0, maxval=1.0) / np.sqrt(node_in)
    return {
        "node_features": node_features,
        "edge_node_indices": edge_node_indices,
        "edge_features": edge_features,
        "W1": W1, "b1": b1, "W2": W2, "b2": b2,
    }


def reference(node_features, edge_node_indices, edge_features, W1, b1, W2, b2):
    node0_indices = edge_node_indices[0]
    node1_indices = edge_node_indices[1]
    node0_features = jnp.take(node_features, node0_indices, axis=0)
    node1_features = jnp.take(node_features, node1_indices, axis=0)
    message_input = jnp.concatenate([node0_features, node1_features, edge_features], axis=1)
    messages_per_neighbour = jax.nn.relu(message_input @ W1.T + b1)
    message_sums_per_node = jnp.zeros((node_features.shape[0], messages_per_neighbour.shape[1]), dtype=messages_per_neighbour.dtype).at[node0_indices].add(messages_per_neighbour)
    node_input = jnp.concatenate([node_features, message_sums_per_node], axis=1)
    return jax.nn.relu(node_input @ W2.T + b2)

if __name__ == "__main__":
    import jax
    _d = setup_inputs()
    print(jax.jit(kernel)(*tuple(_d.values())))

</pallas_src>

<mosaic_0001>
#map = affine_map<(d0, d1) -> (0, 0)>
#map1 = affine_map<(d0, d1) -> (0, 0, 0)>
module attributes {stable_mosaic.version = 14 : i64} {
  func.func @_sc_body(%arg0: i32, %arg1: i32, %arg2: memref<10016x32xf32, #tpu.memory_space<hbm>>, %arg3: memref<10016x32xf32, #tpu.memory_space<hbm>>, %arg4: memref<81920x128xf32, #tpu.memory_space<hbm>>, %arg5: memref<2560x128xi32, #tpu.memory_space<hbm>>, %arg6: memref<2560x128xi32, #tpu.memory_space<hbm>>, %arg7: memref<2x10000x32xf32, #tpu.memory_space<hbm>>, %arg8: memref<4x128xi32, #tpu.memory_space<vmem>>, %arg9: memref<4x128xi32, #tpu.memory_space<vmem>>, %arg10: memref<4x128xi32, #tpu.memory_space<vmem>>, %arg11: memref<4x128xi32, #tpu.memory_space<vmem>>, %arg12: memref<128x128xf32, #tpu.memory_space<vmem>>, %arg13: memref<128x128xf32, #tpu.memory_space<vmem>>, %arg14: memref<512x32xf32, #tpu.memory_space<vmem>>, %arg15: memref<512x32xf32, #tpu.memory_space<vmem>>, %arg16: memref<512x32xf32, #tpu.memory_space<vmem>>, %arg17: memref<512x32xf32, #tpu.memory_space<vmem>>, %arg18: memref<10016x32xf32, #tpu.memory_space<vmem_shared>>, %arg19: memref<!tpu.dma_semaphore, #tpu.memory_space<semaphore_mem>>, %arg20: memref<!tpu.dma_semaphore, #tpu.memory_space<semaphore_mem>>, %arg21: memref<!tpu.dma_semaphore, #tpu.memory_space<semaphore_mem>>, %arg22: memref<!tpu.dma_semaphore, #tpu.memory_space<semaphore_mem>>) attributes {dimension_semantics = [#tpu.dimension_semantics<core_parallel>, #tpu.dimension_semantics<subcore_parallel>], iteration_bounds = array<i64: 2, 16>, scalar_prefetch = 0 : i64, scratch_operands = 15 : i64, tpu.core_type = #tpu.core_type<sc_vector_subcore>, window_params = [{transform_indices = #map}, {transform_indices = #map}, {transform_indices = #map}, {transform_indices = #map}, {transform_indices = #map}, {transform_indices = #map1}]} {
    %mul3A = arith.constant 2 : i32
    %mul3A_0 = arith.muli %arg1, %mul3A : i32
    %add3A = arith.addi %mul3A_0, %arg0 : i32
    %scan3A = arith.constant 0 : i32
    %scan3A_1 = arith.constant 0 : i32
    %scan3A_2 = arith.constant 512 : i32
    %scan3A_3 = arith.addi %scan3A_1, %scan3A_2 : i32
    %scan3A_4 = arith.constant 1 : i32
    scf.for %scan3A_198 = %scan3A_1 to %scan3A_3 step %scan3A_4  : i32 {
      %broadcast_in_dim3A = arith.constant 0.000000e+00 : f32
      %broadcast_in_dim3A_199 = vector.broadcast %broadcast_in_dim3A : f32 to vector<16xf32>
      %swap3A = arith.index_cast %scan3A_198 : i32 to index
      %swap3A_200 = arith.constant 0 : index
      %swap3A_201 = tpu.vector_load %arg14[%swap3A, %swap3A_200] {strides = array<i32>} : memref<512x32xf32, #tpu.memory_space<vmem>>, vector<1x16xf32>,
      %swap3A_202 = vector.shape_cast %swap3A_201 : vector<1x16xf32> to vector<16xf32>
      %swap3A_203 = vector.shape_cast %broadcast_in_dim3A_199 : vector<16xf32> to vector<1x16xf32>
      tpu.vector_store %arg14[%swap3A, %swap3A_200], %swap3A_203 {strides = array<i32>} : memref<512x32xf32, #tpu.memory_space<vmem>>, vector<1x16xf32>,
      %broadcast_in_dim3A_204 = arith.constant 0.000000e+00 : f32
      %broadcast_in_dim3A_205 = vector.broadcast %broadcast_in_dim3A_204 : f32 to vector<16xf32>
      %swap3A_206 = arith.index_cast %scan3A_198 : i32 to index
      %swap3A_207 = arith.constant 16 : index
      %swap3A_208 = tpu.vector_load %arg14[%swap3A_206, %swap3A_207] {strides = array<i32>} : memref<512x32xf32, #tpu.memory_space<vmem>>, vector<1x16xf32>,
      %swap3A_209 = vector.shape_cast %swap3A_208 : vector<1x16xf32> to vector<16xf32>
      %swap3A_210 = vector.shape_cast %broadcast_in_dim3A_205 : vector<16xf32> to vector<1x16xf32>
      tpu.vector_store %arg14[%swap3A_206, %swap3A_207], %swap3A_210 {strides = array<i32>} : memref<512x32xf32, #tpu.memory_space<vmem>>, vector<1x16xf32>,
    }
    %scan3A_5 = arith.constant 512 : i32
    %mul3A_6 = arith.constant 624 : i32
    %mul3A_7 = arith.muli %arg1, %mul3A_6 : i32
    "tpu.region"() ({
      %run_scoped3A = tpu.sem_alloc : memref<!tpu.dma_semaphore, #tpu.memory_space<semaphore_mem>>
      %dma_start3A_198 = arith.constant 0 : i32
      %dma_start3A_199 = tpu.memref_slice %arg18[%mul3A_7, %dma_start3A_198] : memref<10016x32xf32, #tpu.memory_space<vmem_shared>> -> memref<512x32xf32, #tpu.memory_space<vmem_shared>>
      %dma_start3A_200 = arith.constant 0 : i32
      %dma_start3A_201 = tpu.memref_slice %arg18[%mul3A_7, %dma_start3A_200] : memref<10016x32xf32, #tpu.memory_space<vmem_shared>> -> memref<512x32xf32, #tpu.memory_space<vmem_shared>>
      tpu.enqueue_dma source(%arg14 : memref<512x32xf32, #tpu.memory_space<vmem>>) target(%dma_start3A_201 : memref<512x32xf32, #tpu.memory_space<vmem_shared>>) target_semaphore(%run_scoped3A : memref<!tpu.dma_semaphore, #tpu.memory_space<semaphore_mem>>)
      %dma_wait3A_202 = arith.constant 0 : i32
      %dma_wait3A_203 = tpu.memref_slice %arg18[%mul3A_7, %dma_wait3A_202] : memref<10016x32xf32, #tpu.memory_space<vmem_shared>> -> memref<512x32xf32, #tpu.memory_space<vmem_shared>>
      %dma_wait3A_204 = arith.constant 0 : i32
      %dma_wait3A_205 = tpu.memref_slice %arg18[%mul3A_7, %dma_wait3A_204] : memref<10016x32xf32, #tpu.memory_space<vmem_shared>> -> memref<512x32xf32, #tpu.memory_space<vmem_shared>>
      tpu.wait_dma2 semaphore(%run_scoped3A : memref<!tpu.dma_semaphore, #tpu.memory_space<semaphore_mem>>) src(%arg14 : memref<512x32xf32, #tpu.memory_space<vmem>>) dst(%dma_wait3A_205 : memref<512x32xf32, #tpu.memory_space<vmem_shared>>)
      tpu.yield
    }) : () -> ()
    %mul3A_8 = arith.constant 624 : i32
    %mul3A_9 = arith.muli %arg1, %mul3A_8 : i32
    %add3A_10 = arith.constant 512 : i32
    %add3A_11 = arith.addi %mul3A_9, %add3A_10 : i32
    "tpu.region"() ({
      %run_scoped3A = tpu.sem_alloc : memref<!tpu.dma_semaphore, #tpu.memory_space<semaphore_mem>>
      %dma_start3A_198 = arith.constant 0 : i32
      %dma_start3A_199 = arith.constant 0 : i32
      %dma_start3A_200 = tpu.memref_slice %arg14[%dma_start3A_198, %dma_start3A_199] : memref<512x32xf32, #tpu.memory_space<vmem>> -> memref<112x32xf32, #tpu.memory_space<vmem>>
      %dma_start3A_201 = arith.constant 0 : i32
      %dma_start3A_202 = tpu.memref_slice %arg18[%add3A_11, %dma_start3A_201] : memref<10016x32xf32, #tpu.memory_space<vmem_shared>> -> memref<112x32xf32, #tpu.memory_space<vmem_shared>>
      %dma_start3A_203 = arith.constant 0 : i32
      %dma_start3A_204 = tpu.memref_slice %arg18[%add3A_11, %dma_start3A_203] : memref<10016x32xf32, #tpu.memory_space<vmem_shared>> -> memref<112x32xf32, #tpu.memory_space<vmem_shared>>
      %dma_start3A_205 = arith.constant 0 : i32
      %dma_start3A_206 = arith.constant 0 : i32
      %dma_start3A_207 = tpu.memref_slice %arg14[%dma_start3A_205, %dma_start3A_206] : memref<512x32xf32, #tpu.memory_space<vmem>> -> memref<112x32xf32, #tpu.memory_space<vmem>>
      tpu.enqueue_dma source(%dma_start3A_207 : memref<112x32xf32, #tpu.memory_space<vmem>>) target(%dma_start3A_204 : memref<112x32xf32, #tpu.memory_space<vmem_shared>>) target_semaphore(%run_scoped3A : memref<!tpu.dma_semaphore, #tpu.memory_space<semaphore_mem>>)
      %dma_wait3A_208 = arith.constant 0 : i32
      %dma_wait3A_209 = arith.constant 0 : i32
      %dma_wait3A_210 = tpu.memref_slice %arg14[%dma_wait3A_208, %dma_wait3A_209] : memref<512x32xf32, #tpu.memory_space<vmem>> -> memref<112x32xf32, #tpu.memory_space<vmem>>
      %dma_wait3A_211 = arith.constant 0 : i32
      %dma_wait3A_212 = tpu.memref_slice %arg18[%add3A_11, %dma_wait3A_211] : memref<10016x32xf32, #tpu.memory_space<vmem_shared>> -> memref<112x32xf32, #tpu.memory_space<vmem_shared>>
      %dma_wait3A_213 = arith.constant 0 : i32
      %dma_wait3A_214 = tpu.memref_slice %arg18[%add3A_11, %dma_wait3A_213] : memref<10016x32xf32, #tpu.memory_space<vmem_shared>> -> memref<112x32xf32, #tpu.memory_space<vmem_shared>>
      %dma_wait3A_215 = arith.constant 0 : i32
      %dma_wait3A_216 = arith.constant 0 : i32
      %dma_wait3A_217 = tpu.memref_slice %arg14[%dma_wait3A_215, %dma_wait3A_216] : memref<512x32xf32, #tpu.memory_space<vmem>> -> memref<112x32xf32, #tpu.memory_space<vmem>>
      tpu.wait_dma2 semaphore(%run_scoped3A : memref<!tpu.dma_semaphore, #tpu.memory_space<semaphore_mem>>) src(%dma_wait3A_217 : memref<112x32xf32, #tpu.memory_space<vmem>>) dst(%dma_wait3A_214 : memref<112x32xf32, #tpu.memory_space<vmem_shared>>)
      tpu.yield
    }) : () -> ()
    %eq3A = arith.constant 15 : i32
    %eq3A_12 = arith.cmpi eq, %arg1, %eq3A : i32
    %convert_element_type3A = arith.extui %eq3A_12 : i1 to i32
    %cond3A = arith.constant 0 : i32
    %cond3A_13 = arith.cmpi ne, %convert_element_type3A, %cond3A : i32
    scf.if %cond3A_13 {
      "tpu.region"() ({
        %run_scoped3A = tpu.sem_alloc : memref<!tpu.dma_semaphore, #tpu.memory_space<semaphore_mem>>
        %dma_start3A_198 = arith.constant 0 : i32
        %dma_start3A_199 = arith.constant 0 : i32
        %dma_start3A_200 = tpu.memref_slice %arg14[%dma_start3A_198, %dma_start3A_199] : memref<512x32xf32, #tpu.memory_space<vmem>> -> memref<32x32xf32, #tpu.memory_space<vmem>>
        %dma_start3A_201 = arith.constant 9984 : i32
        %dma_start3A_202 = arith.constant 0 : i32
        %dma_start3A_203 = tpu.memref_slice %arg18[%dma_start3A_201, %dma_start3A_202] : memref<10016x32xf32, #tpu.memory_space<vmem_shared>> -> memref<32x32xf32, #tpu.memory_space<vmem_shared>>
        %dma_start3A_204 = arith.constant 9984 : i32
        %dma_start3A_205 = arith.constant 0 : i32
        %dma_start3A_206 = tpu.memref_slice %arg18[%dma_start3A_204, %dma_start3A_205] : memref<10016x32xf32, #tpu.memory_space<vmem_shared>> -> memref<32x32xf32, #tpu.memory_space<vmem_shared>>
        %dma_start3A_207 = arith.constant 0 : i32
        %dma_start3A_208 = arith.constant 0 : i32
        %dma_start3A_209 = tpu.memref_slice %arg14[%dma_start3A_207, %dma_start3A_208] : memref<512x32xf32, #tpu.memory_space<vmem>> -> memref<32x32xf32, #tpu.memory_space<vmem>>
        tpu.enqueue_dma source(%dma_start3A_209 : memref<32x32xf32, #tpu.memory_space<vmem>>) target(%dma_start3A_206 : memref<32x32xf32, #tpu.memory_space<vmem_shared>>) target_semaphore(%run_scoped3A : memref<!tpu.dma_semaphore, #tpu.memory_space<semaphore_mem>>)
        %dma_wait3A_210 = arith.constant 0 : i32
        %dma_wait3A_211 = arith.constant 0 : i32
        %dma_wait3A_212 = tpu.memref_slice %arg14[%dma_wait3A_210, %dma_wait3A_211] : memref<512x32xf32, #tpu.memory_space<vmem>> -> memref<32x32xf32, #tpu.memory_space<vmem>>
        %dma_wait3A_213 = arith.constant 9984 : i32
        %dma_wait3A_214 = arith.constant 0 : i32
        %dma_wait3A_215 = tpu.memref_slice %arg18[%dma_wait3A_213, %dma_wait3A_214] : memref<10016x32xf32, #tpu.memory_space<vmem_shared>> -> memref<32x32xf32, #tpu.memory_space<vmem_shared>>
        %dma_wait3A_216 = arith.constant 9984 : i32
        %dma_wait3A_217 = arith.constant 0 : i32
        %dma_wait3A_218 = tpu.memref_slice %arg18[%dma_wait3A_216, %dma_wait3A_217] : memref<10016x32xf32, #tpu.memory_space<vmem_shared>> -> memref<32x32xf32, #tpu.memory_space<vmem_shared>>
        %dma_wait3A_219 = arith.constant 0 : i32
        %dma_wait3A_220 = arith.constant 0 : i32
        %dma_wait3A_221 = tpu.memref_slice %arg14[%dma_wait3A_219, %dma_wait3A_220] : memref<512x32xf32, #tpu.memory_space<vmem>> -> memref<32x32xf32, #tpu.memory_space<vmem>>
        tpu.wait_dma2 semaphore(%run_scoped3A : memref<!tpu.dma_semaphore, #tpu.memory_space<semaphore_mem>>) src(%dma_wait3A_221 : memref<32x32xf32, #tpu.memory_space<vmem>>) dst(%dma_wait3A_218 : memref<32x32xf32, #tpu.memory_space<vmem_shared>>)
        tpu.yield
      }) : () -> ()
    } else {
    }
    %barrier3A = arith.constant 0 : index
    tpu.barrier barrier_id(%barrier3A)
    %mul3A_14 = arith.constant 20 : i32
    %mul3A_15 = arith.muli %add3A, %mul3A_14 : i32
    %mul3A_16 = arith.constant 4 : i32
    %mul3A_17 = arith.muli %mul3A_15, %mul3A_16 : i32
    "tpu.region"() ({
      %run_scoped3A = tpu.sem_alloc : memref<!tpu.dma_semaphore, #tpu.memory_space<semaphore_mem>>
      %dma_start3A_198 = arith.constant 0 : i32
      %dma_start3A_199 = tpu.memref_slice %arg5[%mul3A_17, %dma_start3A_198] : memref<2560x128xi32, #tpu.memory_space<hbm>> -> memref<4x128xi32, #tpu.memory_space<hbm>>
      %dma_start3A_200 = arith.constant 0 : i32
      %dma_start3A_201 = tpu.memref_slice %arg5[%mul3A_17, %dma_start3A_200] : memref<2560x128xi32, #tpu.memory_space<hbm>> -> memref<4x128xi32, #tpu.memory_space<hbm>>
      tpu.enqueue_dma source(%dma_start3A_201 : memref<4x128xi32, #tpu.memory_space<hbm>>) target(%arg8 : memref<4x128xi32, #tpu.memory_space<vmem>>) target_semaphore(%run_scoped3A : memref<!tpu.dma_semaphore, #tpu.memory_space<semaphore_mem>>)
      %dma_wait3A_202 = arith.constant 0 : i32
      %dma_wait3A_203 = tpu.memref_slice %arg5[%mul3A_17, %dma_wait3A_202] : memref<2560x128xi32, #tpu.memory_space<hbm>> -> memref<4x128xi32, #tpu.memory_space<hbm>>
      %dma_wait3A_204 = arith.constant 0 : i32
      %dma_wait3A_205 = tpu.memref_slice %arg5[%mul3A_17, %dma_wait3A_204] : memref<2560x128xi32, #tpu.memory_space<hbm>> -> memref<4x128xi32, #tpu.memory_space<hbm>>
      tpu.wait_dma2 semaphore(%run_scoped3A : memref<!tpu.dma_semaphore, #tpu.memory_space<semaphore_mem>>) src(%dma_wait3A_205 : memref<4x128xi32, #tpu.memory_space<hbm>>) dst(%arg8 : memref<4x128xi32, #tpu.memory_space<vmem>>)
      tpu.yield
    }) : () -> ()
    "tpu.region"() ({
      %run_scoped3A = tpu.sem_alloc : memref<!tpu.dma_semaphore, #tpu.memory_space<semaphore_mem>>
      %dma_start3A_198 = arith.constant 0 : i32
      %dma_start3A_199 = tpu.memref_slice %arg6[%mul3A_17, %dma_start3A_198] : memref<2560x128xi32, #tpu.memory_space<hbm>> -> memref<4x128xi32, #tpu.memory_space<hbm>>
      %dma_start3A_200 = arith.constant 0 : i32
      %dma_start3A_201 = tpu.memref_slice %arg6[%mul3A_17, %dma_start3A_200] : memref<2560x128xi32, #tpu.memory_space<hbm>> -> memref<4x128xi32, #tpu.memory_space<hbm>>
      tpu.enqueue_dma source(%dma_start3A_201 : memref<4x128xi32, #tpu.memory_space<hbm>>) target(%arg10 : memref<4x128xi32, #tpu.memory_space<vmem>>) target_semaphore(%run_scoped3A : memref<!tpu.dma_semaphore, #tpu.memory_space<semaphore_mem>>)
      %dma_wait3A_202 = arith.constant 0 : i32
      %dma_wait3A_203 = tpu.memref_slice %arg6[%mul3A_17, %dma_wait3A_202] : memref<2560x128xi32, #tpu.memory_space<hbm>> -> memref<4x128xi32, #tpu.memory_space<hbm>>
      %dma_wait3A_204 = arith.constant 0 : i32
      %dma_wait3A_205 = tpu.memref_slice %arg6[%mul3A_17, %dma_wait3A_204] : memref<2560x128xi32, #tpu.memory_space<hbm>> -> memref<4x128xi32, #tpu.memory_space<hbm>>
      tpu.wait_dma2 semaphore(%run_scoped3A : memref<!tpu.dma_semaphore, #tpu.memory_space<semaphore_mem>>) src(%dma_wait3A_205 : memref<4x128xi32, #tpu.memory_space<hbm>>) dst(%arg10 : memref<4x128xi32, #tpu.memory_space<vmem>>)
      tpu.yield
    }) : () -> ()
    %mul3A_18 = arith.constant 128 : i32
    %mul3A_19 = arith.muli %mul3A_15, %mul3A_18 : i32
    %dma_start3A = arith.constant 0 : i32
    %dma_start3A_20 = tpu.memref_slice %arg4[%mul3A_19, %dma_start3A] : memref<81920x128xf32, #tpu.memory_space<hbm>> -> memref<128x128xf32, #tpu.memory_space<hbm>>
    %dma_start3A_21 = arith.constant 0 : i32
    %dma_start3A_22 = tpu.memref_slice %arg4[%mul3A_19, %dma_start3A_21] : memref<81920x128xf32, #tpu.memory_space<hbm>> -> memref<128x128xf32, #tpu.memory_space<hbm>>
    tpu.enqueue_dma source(%dma_start3A_22 : memref<128x128xf32, #tpu.memory_space<hbm>>) target(%arg12 : memref<128x128xf32, #tpu.memory_space<vmem>>) target_semaphore(%arg19 : memref<!tpu.dma_semaphore, #tpu.memory_space<semaphore_mem>>)
    %dma_start3A_23 = arith.constant 0 : i32
    %dma_start3A_24 = arith.constant 0 : i32
    %dma_start3A_25 = arith.constant 0 : i32
    %dma_start3A_26 = tpu.memref_slice %arg14[%dma_start3A_24, %dma_start3A_25] : memref<512x32xf32, #tpu.memory_space<vmem>> -> memref<128x32xf32, #tpu.memory_space<vmem>>
    %dma_start3A_27 = arith.constant 0 : i32
    %dma_start3A_28 = tpu.memref_slice %arg8[%dma_start3A_23, %dma_start3A_27] : memref<4x128xi32, #tpu.memory_space<vmem>> -> memref<1x128xi32, #tpu.memory_space<vmem>>
    %dma_start3A_29 = tpu.memref_squeeze %dma_start3A_28 : memref<1x128xi32, #tpu.memory_space<vmem>> -> memref<128xi32, #tpu.memory_space<vmem>>
    %dma_start3A_30 = arith.constant 0 : i32
    %dma_start3A_31 = arith.constant 0 : i32
    %dma_start3A_32 = tpu.memref_slice %arg2[%dma_start3A_30, %dma_start3A_31] : memref<10016x32xf32, #tpu.memory_space<hbm>> -> memref<10016x32xf32, #tpu.memory_space<hbm>>
    tpu.enqueue_indirect_dma source(%dma_start3A_32 : memref<10016x32xf32, #tpu.memory_space<hbm>>) target(%dma_start3A_26 : memref<128x32xf32, #tpu.memory_space<vmem>>) offsets(%dma_start3A_29 : memref<128xi32, #tpu.memory_space<vmem>>) semaphore(%arg19 : memref<!tpu.dma_semaphore, #tpu.memory_space<semaphore_mem>>)
    %dma_start3A_33 = arith.constant 0 : i32
    %dma_start3A_34 = arith.constant 0 : i32
    %dma_start3A_35 = arith.constant 0 : i32
    %dma_start3A_36 = tpu.memref_slice %arg16[%dma_start3A_34, %dma_start3A_35] : memref<512x32xf32, #tpu.memory_space<vmem>> -> memref<128x32xf32, #tpu.memory_space<vmem>>
    %dma_start3A_37 = arith.constant 0 : i32
    %dma_start3A_38 = tpu.memref_slice %arg10[%dma_start3A_33, %dma_start3A_37] : memref<4x128xi32, #tpu.memory_space<vmem>> -> memref<1x128xi32, #tpu.memory_space<vmem>>
    %dma_start3A_39 = tpu.memref_squeeze %dma_start3A_38 : memref<1x128xi32, #tpu.memory_space<vmem>> -> memref<128xi32, #tpu.memory_space<vmem>>
    %dma_start3A_40 = arith.constant 0 : i32
    %dma_start3A_41 = arith.constant 0 : i32
    %dma_start3A_42 = tpu.memref_slice %arg3[%dma_start3A_40, %dma_start3A_41] : memref<10016x32xf32, #tpu.memory_space<hbm>> -> memref<10016x32xf32, #tpu.memory_space<hbm>>
    tpu.enqueue_indirect_dma source(%dma_start3A_42 : memref<10016x32xf32, #tpu.memory_space<hbm>>) target(%dma_start3A_36 : memref<128x32xf32, #tpu.memory_space<vmem>>) offsets(%dma_start3A_39 : memref<128xi32, #tpu.memory_space<vmem>>) semaphore(%arg19 : memref<!tpu.dma_semaphore, #tpu.memory_space<semaphore_mem>>)
    %dma_start3A_43 = arith.constant 1 : i32
    %dma_start3A_44 = arith.constant 128 : i32
    %dma_start3A_45 = arith.constant 0 : i32
    %dma_start3A_46 = tpu.memref_slice %arg14[%dma_start3A_44, %dma_start3A_45] : memref<512x32xf32, #tpu.memory_space<vmem>> -> memref<128x32xf32, #tpu.memory_space<vmem>>
    %dma_start3A_47 = arith.constant 0 : i32
    %dma_start3A_48 = tpu.memref_slice %arg8[%dma_start3A_43, %dma_start3A_47] : memref<4x128xi32, #tpu.memory_space<vmem>> -> memref<1x128xi32, #tpu.memory_space<vmem>>
    %dma_start3A_49 = tpu.memref_squeeze %dma_start3A_48 : memref<1x128xi32, #tpu.memory_space<vmem>> -> memref<128xi32, #tpu.memory_space<vmem>>
    %dma_start3A_50 = arith.constant 0 : i32
    %dma_start3A_51 = arith.constant 0 : i32
    %dma_start3A_52 = tpu.memref_slice %arg2[%dma_start3A_50, %dma_start3A_51] : memref<10016x32xf32, #tpu.memory_space<hbm>> -> memref<10016x32xf32, #tpu.memory_space<hbm>>
    tpu.enqueue_indirect_dma source(%dma_start3A_52 : memref<10016x32xf32, #tpu.memory_space<hbm>>) target(%dma_start3A_46 : memref<128x32xf32, #tpu.memory_space<vmem>>) offsets(%dma_start3A_49 : memref<128xi32, #tpu.memory_space<vmem>>) semaphore(%arg19 : memref<!tpu.dma_semaphore, #tpu.memory_space<semaphore_mem>>)
    %dma_start3A_53 = arith.constant 1 : i32
    %dma_start3A_54 = arith.constant 128 : i32
    %dma_start3A_55 = arith.constant 0 : i32
    %dma_start3A_56 = tpu.memref_slice %arg16[%dma_start3A_54, %dma_start3A_55] : memref<512x32xf32, #tpu.memory_space<vmem>> -> memref<128x32xf32, #tpu.memory_space<vmem>>
    %dma_start3A_57 = arith.constant 0 : i32
    %dma_start3A_58 = tpu.memref_slice %arg10[%dma_start3A_53, %dma_start3A_57] : memref<4x128xi32, #tpu.memory_space<vmem>> -> memref<1x128xi32, #tpu.memory_space<vmem>>
    %dma_start3A_59 = tpu.memref_squeeze %dma_start3A_58 : memref<1x128xi32, #tpu.memory_space<vmem>> -> memref<128xi32, #tpu.memory_space<vmem>>
    %dma_start3A_60 = arith.constant 0 : i32
    %dma_start3A_61 = arith.constant 0 : i32
    %dma_start3A_62 = tpu.memref_slice %arg3[%dma_start3A_60, %dma_start3A_61] : memref<10016x32xf32, #tpu.memory_space<hbm>> -> memref<10016x32xf32, #tpu.memory_space<hbm>>
    tpu.enqueue_indirect_dma source(%dma_start3A_62 : memref<10016x32xf32, #tpu.memory_space<hbm>>) target(%dma_start3A_56 : memref<128x32xf32, #tpu.memory_space<vmem>>) offsets(%dma_start3A_59 : memref<128xi32, #tpu.memory_space<vmem>>) semaphore(%arg19 : memref<!tpu.dma_semaphore, #tpu.memory_space<semaphore_mem>>)
    %dma_start3A_63 = arith.constant 2 : i32
    %dma_start3A_64 = arith.constant 256 : i32
    %dma_start3A_65 = arith.constant 0 : i32
    %dma_start3A_66 = tpu.memref_slice %arg14[%dma_start3A_64, %dma_start3A_65] : memref<512x32xf32, #tpu.memory_space<vmem>> -> memref<128x32xf32, #tpu.memory_space<vmem>>
    %dma_start3A_67 = arith.constant 0 : i32
    %dma_start3A_68 = tpu.memref_slice %arg8[%dma_start3A_63, %dma_start3A_67] : memref<4x128xi32, #tpu.memory_space<vmem>> -> memref<1x128xi32, #tpu.memory_space<vmem>>
    %dma_start3A_69 = tpu.memref_squeeze %dma_start3A_68 : memref<1x128xi32, #tpu.memory_space<vmem>> -> memref<128xi32, #tpu.memory_space<vmem>>
    %dma_start3A_70 = arith.constant 0 : i32
    %dma_start3A_71 = arith.constant 0 : i32
    %dma_start3A_72 = tpu.memref_slice %arg2[%dma_start3A_70, %dma_start3A_71] : memref<10016x32xf32, #tpu.memory_space<hbm>> -> memref<10016x32xf32, #tpu.memory_space<hbm>>
    tpu.enqueue_indirect_dma source(%dma_start3A_72 : memref<10016x32xf32, #tpu.memory_space<hbm>>) target(%dma_start3A_66 : memref<128x32xf32, #tpu.memory_space<vmem>>) offsets(%dma_start3A_69 : memref<128xi32, #tpu.memory_space<vmem>>) semaphore(%arg19 : memref<!tpu.dma_semaphore, #tpu.memory_space<semaphore_mem>>)
    %dma_start3A_73 = arith.constant 2 : i32
    %dma_start3A_74 = arith.constant 256 : i32
    %dma_start3A_75 = arith.constant 0 : i32
    %dma_start3A_76 = tpu.memref_slice %arg16[%dma_start3A_74, %dma_start3A_75] : memref<512x32xf32, #tpu.memory_space<vmem>> -> memref<128x32xf32, #tpu.memory_space<vmem>>
    %dma_start3A_77 = arith.constant 0 : i32
    %dma_start3A_78 = tpu.memref_slice %arg10[%dma_start3A_73, %dma_start3A_77] : memref<4x128xi32, #tpu.memory_space<vmem>> -> memref<1x128xi32, #tpu.memory_space<vmem>>
    %dma_start3A_79 = tpu.memref_squeeze %dma_start3A_78 : memref<1x128xi32, #tpu.memory_space<vmem>> -> memref<128xi32, #tpu.memory_space<vmem>>
    %dma_start3A_80 = arith.constant 0 : i32
    %dma_start3A_81 = arith.constant 0 : i32
    %dma_start3A_82 = tpu.memref_slice %arg3[%dma_start3A_80, %dma_start3A_81] : memref<10016x32xf32, #tpu.memory_space<hbm>> -> memref<10016x32xf32, #tpu.memory_space<hbm>>
    tpu.enqueue_indirect_dma source(%dma_start3A_82 : memref<10016x32xf32, #tpu.memory_space<hbm>>) target(%dma_start3A_76 : memref<128x32xf32, #tpu.memory_space<vmem>>) offsets(%dma_start3A_79 : memref<128xi32, #tpu.memory_space<vmem>>) semaphore(%arg19 : memref<!tpu.dma_semaphore, #tpu.memory_space<semaphore_mem>>)
    %dma_start3A_83 = arith.constant 3 : i32
    %dma_start3A_84 = arith.constant 384 : i32
    %dma_start3A_85 = arith.constant 0 : i32
    %dma_start3A_86 = tpu.memref_slice %arg14[%dma_start3A_84, %dma_start3A_85] : memref<512x32xf32, #tpu.memory_space<vmem>> -> memref<128x32xf32, #tpu.memory_space<vmem>>
    %dma_start3A_87 = arith.constant 0 : i32
    %dma_start3A_88 = tpu.memref_slice %arg8[%dma_start3A_83, %dma_start3A_87] : memref<4x128xi32, #tpu.memory_space<vmem>> -> memref<1x128xi32, #tpu.memory_space<vmem>>
    %dma_start3A_89 = tpu.memref_squeeze %dma_start3A_88 : memref<1x128xi32, #tpu.memory_space<vmem>> -> memref<128xi32, #tpu.memory_space<vmem>>
    %dma_start3A_90 = arith.constant 0 : i32
    %dma_start3A_91 = arith.constant 0 : i32
    %dma_start3A_92 = tpu.memref_slice %arg2[%dma_start3A_90, %dma_start3A_91] : memref<10016x32xf32, #tpu.memory_space<hbm>> -> memref<10016x32xf32, #tpu.memory_space<hbm>>
    tpu.enqueue_indirect_dma source(%dma_start3A_92 : memref<10016x32xf32, #tpu.memory_space<hbm>>) target(%dma_start3A_86 : memref<128x32xf32, #tpu.memory_space<vmem>>) offsets(%dma_start3A_89 : memref<128xi32, #tpu.memory_space<vmem>>) semaphore(%arg19 : memref<!tpu.dma_semaphore, #tpu.memory_space<semaphore_mem>>)
    %dma_start3A_93 = arith.constant 3 : i32
    %dma_start3A_94 = arith.constant 384 : i32
    %dma_start3A_95 = arith.constant 0 : i32
    %dma_start3A_96 = tpu.memref_slice %arg16[%dma_start3A_94, %dma_start3A_95] : memref<512x32xf32, #tpu.memory_space<vmem>> -> memref<128x32xf32, #tpu.memory_space<vmem>>
    %dma_start3A_97 = arith.constant 0 : i32
    %dma_start3A_98 = tpu.memref_slice %arg10[%dma_start3A_93, %dma_start3A_97] : memref<4x128xi32, #tpu.memory_space<vmem>> -> memref<1x128xi32, #tpu.memory_space<vmem>>
    %dma_start3A_99 = tpu.memref_squeeze %dma_start3A_98 : memref<1x128xi32, #tpu.memory_space<vmem>> -> memref<128xi32, #tpu.memory_space<vmem>>
    %dma_start3A_100 = arith.constant 0 : i32
    %dma_start3A_101 = arith.constant 0 : i32
    %dma_start3A_102 = tpu.memref_slice %arg3[%dma_start3A_100, %dma_start3A_101] : memref<10016x32xf32, #tpu.memory_space<hbm>> -> memref<10016x32xf32, #tpu.memory_space<hbm>>
    tpu.enqueue_indirect_dma source(%dma_start3A_102 : memref<10016x32xf32, #tpu.memory_space<hbm>>) target(%dma_start3A_96 : memref<128x32xf32, #tpu.memory_space<vmem>>) offsets(%dma_start3A_99 : memref<128xi32, #tpu.memory_space<vmem>>) semaphore(%arg19 : memref<!tpu.dma_semaphore, #tpu.memory_space<semaphore_mem>>)
    %scan3A_103 = arith.constant 0 : i32
    %scan3A_104 = arith.constant 0 : i32
    %scan3A_105 = arith.constant 10 : i32
    %scan3A_106 = arith.addi %scan3A_104, %scan3A_105 : i32
    %scan3A_107 = arith.constant 1 : i32
    scf.for %scan3A_198 = %scan3A_104 to %scan3A_106 step %scan3A_107  : i32 {
      %mul3A_199 = arith.constant 2 : i32
      %mul3A_200 = arith.muli %mul3A_199, %scan3A_198 : i32
      %add3A_201 = arith.addi %mul3A_15, %mul3A_200 : i32
      %gt3A = arith.constant 0 : i32
      %gt3A_202 = arith.cmpi sgt, %scan3A_198, %gt3A : i32
      %convert_element_type3A_203 = arith.extui %gt3A_202 : i1 to i32
      %cond3A_204 = arith.constant 0 : i32
      %cond3A_205 = arith.cmpi ne, %convert_element_type3A_203, %cond3A_204 : i32
      scf.if %cond3A_205 {
        %dma_wait3A_559 = arith.constant 0 : i32
        %dma_wait3A_560 = arith.constant 0 : i32
        %dma_wait3A_561 = arith.constant 0 : i32
        %dma_wait3A_562 = tpu.memref_slice %arg15[%dma_wait3A_560, %dma_wait3A_561] : memref<512x32xf32, #tpu.memory_space<vmem>> -> memref<128x32xf32, #tpu.memory_space<vmem>>
        %dma_wait3A_563 = arith.constant 0 : i32
        %dma_wait3A_564 = tpu.memref_slice %arg9[%dma_wait3A_559, %dma_wait3A_563] : memref<4x128xi32, #tpu.memory_space<vmem>> -> memref<1x128xi32, #tpu.memory_space<vmem>>
        %dma_wait3A_565 = tpu.memref_squeeze %dma_wait3A_564 : memref<1x128xi32, #tpu.memory_space<vmem>> -> memref<128xi32, #tpu.memory_space<vmem>>
        %dma_wait3A_566 = arith.constant 0 : i32
        %dma_wait3A_567 = arith.constant 0 : i32
        %dma_wait3A_568 = tpu.memref_slice %arg18[%dma_wait3A_566, %dma_wait3A_567] : memref<10016x32xf32, #tpu.memory_space<vmem_shared>> -> memref<10016x32xf32, #tpu.memory_space<vmem_shared>>
        tpu.wait_indirect_dma semaphore(%arg22 : memref<!tpu.dma_semaphore, #tpu.memory_space<semaphore_mem>>) src(%dma_wait3A_562 : memref<128x32xf32, #tpu.memory_space<vmem>>) dst(%dma_wait3A_568 : memref<10016x32xf32, #tpu.memory_space<vmem_shared>>)
        %dma_wait3A_569 = arith.constant 1 : i32
        %dma_wait3A_570 = arith.constant 128 : i32
        %dma_wait3A_571 = arith.constant 0 : i32
        %dma_wait3A_572 = tpu.memref_slice %arg15[%dma_wait3A_570, %dma_wait3A_571] : memref<512x32xf32, #tpu.memory_space<vmem>> -> memref<128x32xf32, #tpu.memory_space<vmem>>
        %dma_wait3A_573 = arith.constant 0 : i32
        %dma_wait3A_574 = tpu.memref_slice %arg9[%dma_wait3A_569, %dma_wait3A_573] : memref<4x128xi32, #tpu.memory_space<vmem>> -> memref<1x128xi32, #tpu.memory_space<vmem>>
        %dma_wait3A_575 = tpu.memref_squeeze %dma_wait3A_574 : memref<1x128xi32, #tpu.memory_space<vmem>> -> memref<128xi32, #tpu.memory_space<vmem>>
        %dma_wait3A_576 = arith.constant 0 : i32
        %dma_wait3A_577 = arith.constant 0 : i32
        %dma_wait3A_578 = tpu.memref_slice %arg18[%dma_wait3A_576, %dma_wait3A_577] : memref<10016x32xf32, #tpu.memory_space<vmem_shared>> -> memref<10016x32xf32, #tpu.memory_space<vmem_shared>>
        tpu.wait_indirect_dma semaphore(%arg22 : memref<!tpu.dma_semaphore, #tpu.memory_space<semaphore_mem>>) src(%dma_wait3A_572 : memref<128x32xf32, #tpu.memory_space<vmem>>) dst(%dma_wait3A_578 : memref<10016x32xf32, #tpu.memory_space<vmem_shared>>)
        %dma_wait3A_579 = arith.constant 2 : i32
        %dma_wait3A_580 = arith.constant 256 : i32
        %dma_wait3A_581 = arith.constant 0 : i32
        %dma_wait3A_582 = tpu.memref_slice %arg15[%dma_wait3A_580, %dma_wait3A_581] : memref<512x32xf32, #tpu.memory_space<vmem>> -> memref<128x32xf32, #tpu.memory_space<vmem>>
        %dma_wait3A_583 = arith.constant 0 : i32
        %dma_wait3A_584 = tpu.memref_slice %arg9[%dma_wait3A_579, %dma_wait3A_583] : memref<4x128xi32, #tpu.memory_space<vmem>> -> memref<1x128xi32, #tpu.memory_space<vmem>>
        %dma_wait3A_585 = tpu.memref_squeeze %dma_wait3A_584 : memref<1x128xi32, #tpu.memory_space<vmem>> -> memref<128xi32, #tpu.memory_space<vmem>>
        %dma_wait3A_586 = arith.constant 0 : i32
        %dma_wait3A_587 = arith.constant 0 : i32
        %dma_wait3A_588 = tpu.memref_slice %arg18[%dma_wait3A_586, %dma_wait3A_587] : memref<10016x32xf32, #tpu.memory_space<vmem_shared>> -> memref<10016x32xf32, #tpu.memory_space<vmem_shared>>
        tpu.wait_indirect_dma semaphore(%arg22 : memref<!tpu.dma_semaphore, #tpu.memory_space<semaphore_mem>>) src(%dma_wait3A_582 : memref<128x32xf32, #tpu.memory_space<vmem>>) dst(%dma_wait3A_588 : memref<10016x32xf32, #tpu.memory_space<vmem_shared>>)
        %dma_wait3A_589 = arith.constant 3 : i32
        %dma_wait3A_590 = arith.constant 384 : i32
        %dma_wait3A_591 = arith.constant 0 : i32
        %dma_wait3A_592 = tpu.memref_slice %arg15[%dma_wait3A_590, %dma_wait3A_591] : memref<512x32xf32, #tpu.memory_space<vmem>> -> memref<128x32xf32, #tpu.memory_space<vmem>>
        %dma_wait3A_593 = arith.constant 0 : i32
        %dma_wait3A_594 = tpu.memref_slice %arg9[%dma_wait3A_589, %dma_wait3A_593] : memref<4x128xi32, #tpu.memory_space<vmem>> -> memref<1x128xi32, #tpu.memory_space<vmem>>
        %dma_wait3A_595 = tpu.memref_squeeze %dma_wait3A_594 : memref<1x128xi32, #tpu.memory_space<vmem>> -> memref<128xi32, #tpu.memory_space<vmem>>
        %dma_wait3A_596 = arith.constant 0 : i32
        %dma_wait3A_597 = arith.constant 0 : i32
        %dma_wait3A_598 = tpu.memref_slice %arg18[%dma_wait3A_596, %dma_wait3A_597] : memref<10016x32xf32, #tpu.memory_space<vmem_shared>> -> memref<10016x32xf32, #tpu.memory_space<vmem_shared>>
        tpu.wait_indirect_dma semaphore(%arg22 : memref<!tpu.dma_semaphore, #tpu.memory_space<semaphore_mem>>) src(%dma_wait3A_592 : memref<128x32xf32, #tpu.memory_space<vmem>>) dst(%dma_wait3A_598 : memref<10016x32xf32, #tpu.memory_space<vmem_shared>>)
      } else {
      }
      %add3A_206 = arith.constant 1 : i32
      %add3A_207 = arith.addi %add3A_201, %add3A_206 : i32
      %mul3A_208 = arith.constant 4 : i32
      %mul3A_209 = arith.muli %add3A_207, %mul3A_208 : i32
      "tpu.region"() ({
        %run_scoped3A = tpu.sem_alloc : memref<!tpu.dma_semaphore, #tpu.memory_space<semaphore_mem>>
        %dma_start3A_559 = arith.constant 0 : i32
        %dma_start3A_560 = tpu.memref_slice %arg5[%mul3A_209, %dma_start3A_559] : memref<2560x128xi32, #tpu.memory_space<hbm>> -> memref<4x128xi32, #tpu.memory_space<hbm>>
        %dma_start3A_561 = arith.constant 0 : i32
        %dma_start3A_562 = tpu.memref_slice %arg5[%mul3A_209, %dma_start3A_561] : memref<2560x128xi32, #tpu.memory_space<hbm>> -> memref<4x128xi32, #tpu.memory_space<hbm>>
        tpu.enqueue_dma source(%dma_start3A_562 : memref<4x128xi32, #tpu.memory_space<hbm>>) target(%arg9 : memref<4x128xi32, #tpu.memory_space<vmem>>) target_semaphore(%run_scoped3A : memref<!tpu.dma_semaphore, #tpu.memory_space<semaphore_mem>>)
        %dma_wait3A_563 = arith.constant 0 : i32
        %dma_wait3A_564 = tpu.memref_slice %arg5[%mul3A_209, %dma_wait3A_563] : memref<2560x128xi32, #tpu.memory_space<hbm>> -> memref<4x128xi32, #tpu.memory_space<hbm>>
        %dma_wait3A_565 = arith.constant 0 : i32
        %dma_wait3A_566 = tpu.memref_slice %arg5[%mul3A_209, %dma_wait3A_565] : memref<2560x128xi32, #tpu.memory_space<hbm>> -> memref<4x128xi32, #tpu.memory_space<hbm>>
        tpu.wait_dma2 semaphore(%run_scoped3A : memref<!tpu.dma_semaphore, #tpu.memory_space<semaphore_mem>>) src(%dma_wait3A_566 : memref<4x128xi32, #tpu.memory_space<hbm>>) dst(%arg9 : memref<4x128xi32, #tpu.memory_space<vmem>>)
        tpu.yield
      }) : () -> ()
      "tpu.region"() ({
        %run_scoped3A = tpu.sem_alloc : memref<!tpu.dma_semaphore, #tpu.memory_space<semaphore_mem>>
        %dma_start3A_559 = arith.constant 0 : i32
        %dma_start3A_560 = tpu.memref_slice %arg6[%mul3A_209, %dma_start3A_559] : memref<2560x128xi32, #tpu.memory_space<hbm>> -> memref<4x128xi32, #tpu.memory_space<hbm>>
        %dma_start3A_561 = arith.constant 0 : i32
        %dma_start3A_562 = tpu.memref_slice %arg6[%mul3A_209, %dma_start3A_561] : memref<2560x128xi32, #tpu.memory_space<hbm>> -> memref<4x128xi32, #tpu.memory_space<hbm>>
        tpu.enqueue_dma source(%dma_start3A_562 : memref<4x128xi32, #tpu.memory_space<hbm>>) target(%arg11 : memref<4x128xi32, #tpu.memory_space<vmem>>) target_semaphore(%run_scoped3A : memref<!tpu.dma_semaphore, #tpu.memory_space<semaphore_mem>>)
        %dma_wait3A_563 = arith.constant 0 : i32
        %dma_wait3A_564 = tpu.memref_slice %arg6[%mul3A_209, %dma_wait3A_563] : memref<2560x128xi32, #tpu.memory_space<hbm>> -> memref<4x128xi32, #tpu.memory_space<hbm>>
        %dma_wait3A_565 = arith.constant 0 : i32
        %dma_wait3A_566 = tpu.memref_slice %arg6[%mul3A_209, %dma_wait3A_565] : memref<2560x128xi32, #tpu.memory_space<hbm>> -> memref<4x128xi32, #tpu.memory_space<hbm>>
        tpu.wait_dma2 semaphore(%run_scoped3A : memref<!tpu.dma_semaphore, #tpu.memory_space<semaphore_mem>>) src(%dma_wait3A_566 : memref<4x128xi32, #tpu.memory_space<hbm>>) dst(%arg11 : memref<4x128xi32, #tpu.memory_space<vmem>>)
        tpu.yield
      }) : () -> ()
      %mul3A_210 = arith.constant 128 : i32
      %mul3A_211 = arith.muli %add3A_207, %mul3A_210 : i32
      %dma_start3A_212 = arith.constant 0 : i32
      %dma_start3A_213 = tpu.memref_slice %arg4[%mul3A_211, %dma_start3A_212] : memref<81920x128xf32, #tpu.memory_space<hbm>> -> memref<128x128xf32, #tpu.memory_space<hbm>>
      %dma_start3A_214 = arith.constant 0 : i32
      %dma_start3A_215 = tpu.memref_slice %arg4[%mul3A_211, %dma_start3A_214] : memref<81920x128xf32, #tpu.memory_space<hbm>> -> memref<128x128xf32, #tpu.memory_space<hbm>>
      tpu.enqueue_dma source(%dma_start3A_215 : memref<128x128xf32, #tpu.memory_space<hbm>>) target(%arg13 : memref<128x128xf32, #tpu.memory_space<vmem>>) target_semaphore(%arg20 : memref<!tpu.dma_semaphore, #tpu.memory_space<semaphore_mem>>)
      %dma_start3A_216 = arith.constant 0 : i32
      %dma_start3A_217 = arith.constant 0 : i32
      %dma_start3A_218 = arith.constant 0 : i32
      %dma_start3A_219 = tpu.memref_slice %arg15[%dma_start3A_217, %dma_start3A_218] : memref<512x32xf32, #tpu.memory_space<vmem>> -> memref<128x32xf32, #tpu.memory_space<vmem>>
      %dma_start3A_220 = arith.constant 0 : i32
      %dma_start3A_221 = tpu.memref_slice %arg9[%dma_start3A_216, %dma_start3A_220] : memref<4x128xi32, #tpu.memory_space<vmem>> -> memref<1x128xi32, #tpu.memory_space<vmem>>
      %dma_start3A_222 = tpu.memref_squeeze %dma_start3A_221 : memref<1x128xi32, #tpu.memory_space<vmem>> -> memref<128xi32, #tpu.memory_space<vmem>>
      %dma_start3A_223 = arith.constant 0 : i32
      %dma_start3A_224 = arith.constant 0 : i32
      %dma_start3A_225 = tpu.memref_slice %arg2[%dma_start3A_223, %dma_start3A_224] : memref<10016x32xf32, #tpu.memory_space<hbm>> -> memref<10016x32xf32, #tpu.memory_space<hbm>>
      tpu.enqueue_indirect_dma source(%dma_start3A_225 : memref<10016x32xf32, #tpu.memory_space<hbm>>) target(%dma_start3A_219 : memref<128x32xf32, #tpu.memory_space<vmem>>) offsets(%dma_start3A_222 : memref<128xi32, #tpu.memory_space<vmem>>) semaphore(%arg20 : memref<!tpu.dma_semaphore, #tpu.memory_space<semaphore_mem>>)
      %dma_start3A_226 = arith.constant 0 : i32
      %dma_start3A_227 = arith.constant 0 : i32
      %dma_start3A_228 = arith.constant 0 : i32
      %dma_start3A_229 = tpu.memref_slice %arg17[%dma_start3A_227, %dma_start3A_228] : memref<512x32xf32, #tpu.memory_space<vmem>> -> memref<128x32xf32, #tpu.memory_space<vmem>>
      %dma_start3A_230 = arith.constant 0 : i32
      %dma_start3A_231 = tpu.memref_slice %arg11[%dma_start3A_226, %dma_start3A_230] : memref<4x128xi32, #tpu.memory_space<vmem>> -> memref<1x128xi32, #tpu.memory_space<vmem>>
      %dma_start3A_232 = tpu.memref_squeeze %dma_start3A_231 : memref<1x128xi32, #tpu.memory_space<vmem>> -> memref<128xi32, #tpu.memory_space<vmem>>
      %dma_start3A_233 = arith.constant 0 : i32
      %dma_start3A_234 = arith.constant 0 : i32
      %dma_start3A_235 = tpu.memref_slice %arg3[%dma_start3A_233, %dma_start3A_234] : memref<10016x32xf32, #tpu.memory_space<hbm>> -> memref<10016x32xf32, #tpu.memory_space<hbm>>
      tpu.enqueue_indirect_dma source(%dma_start3A_235 : memref<10016x32xf32, #tpu.memory_space<hbm>>) target(%dma_start3A_229 : memref<128x32xf32, #tpu.memory_space<vmem>>) offsets(%dma_start3A_232 : memref<128xi32, #tpu.memory_space<vmem>>) semaphore(%arg20 : memref<!tpu.dma_semaphore, #tpu.memory_space<semaphore_mem>>)
      %dma_start3A_236 = arith.constant 1 : i32
      %dma_start3A_237 = arith.constant 128 : i32
      %dma_start3A_238 = arith.constant 0 : i32
      %dma_start3A_239 = tpu.memref_slice %arg15[%dma_start3A_237, %dma_start3A_238] : memref<512x32xf32, #tpu.memory_space<vmem>> -> memref<128x32xf32, #tpu.memory_space<vmem>>
      %dma_start3A_240 = arith.constant 0 : i32
      %dma_start3A_241 = tpu.memref_slice %arg9[%dma_start3A_236, %dma_start3A_240] : memref<4x128xi32, #tpu.memory_space<vmem>> -> memref<1x128xi32, #tpu.memory_space<vmem>>
      %dma_start3A_242 = tpu.memref_squeeze %dma_start3A_241 : memref<1x128xi32, #tpu.memory_space<vmem>> -> memref<128xi32, #tpu.memory_space<vmem>>
      %dma_start3A_243 = arith.constant 0 : i32
      %dma_start3A_244 = arith.constant 0 : i32
      %dma_start3A_245 = tpu.memref_slice %arg2[%dma_start3A_243, %dma_start3A_244] : memref<10016x32xf32, #tpu.memory_space<hbm>> -> memref<10016x32xf32, #tpu.memory_space<hbm>>
      tpu.enqueue_indirect_dma source(%dma_start3A_245 : memref<10016x32xf32, #tpu.memory_space<hbm>>) target(%dma_start3A_239 : memref<128x32xf32, #tpu.memory_space<vmem>>) offsets(%dma_start3A_242 : memref<128xi32, #tpu.memory_space<vmem>>) semaphore(%arg20 : memref<!tpu.dma_semaphore, #tpu.memory_space<semaphore_mem>>)
      %dma_start3A_246 = arith.constant 1 : i32
      %dma_start3A_247 = arith.constant 128 : i32
      %dma_start3A_248 = arith.constant 0 : i32
      %dma_start3A_249 = tpu.memref_slice %arg17[%dma_start3A_247, %dma_start3A_248] : memref<512x32xf32, #tpu.memory_space<vmem>> -> memref<128x32xf32, #tpu.memory_space<vmem>>
      %dma_start3A_250 = arith.constant 0 : i32
      %dma_start3A_251 = tpu.memref_slice %arg11[%dma_start3A_246, %dma_start3A_250] : memref<4x128xi32, #tpu.memory_space<vmem>> -> memref<1x128xi32, #tpu.memory_space<vmem>>
      %dma_start3A_252 = tpu.memref_squeeze %dma_start3A_251 : memref<1x128xi32, #tpu.memory_space<vmem>> -> memref<128xi32, #tpu.memory_space<vmem>>
      %dma_start3A_253 = arith.constant 0 : i32
      %dma_start3A_254 = arith.constant 0 : i32
      %dma_start3A_255 = tpu.memref_slice %arg3[%dma_start3A_253, %dma_start3A_254] : memref<10016x32xf32, #tpu.memory_space<hbm>> -> memref<10016x32xf32, #tpu.memory_space<hbm>>
      tpu.enqueue_indirect_dma source(%dma_start3A_255 : memref<10016x32xf32, #tpu.memory_space<hbm>>) target(%dma_start3A_249 : memref<128x32xf32, #tpu.memory_space<vmem>>) offsets(%dma_start3A_252 : memref<128xi32, #tpu.memory_space<vmem>>) semaphore(%arg20 : memref<!tpu.dma_semaphore, #tpu.memory_space<semaphore_mem>>)
      %dma_start3A_256 = arith.constant 2 : i32
      %dma_start3A_257 = arith.constant 256 : i32
      %dma_start3A_258 = arith.constant 0 : i32
      %dma_start3A_259 = tpu.memref_slice %arg15[%dma_start3A_257, %dma_start3A_258] : memref<512x32xf32, #tpu.memory_space<vmem>> -> memref<128x32xf32, #tpu.memory_space<vmem>>
      %dma_start3A_260 = arith.constant 0 : i32
      %dma_start3A_261 = tpu.memref_slice %arg9[%dma_start3A_256, %dma_start3A_260] : memref<4x128xi32, #tpu.memory_space<vmem>> -> memref<1x128xi32, #tpu.memory_space<vmem>>
      %dma_start3A_262 = tpu.memref_squeeze %dma_start3A_261 : memref<1x128xi32, #tpu.memory_space<vmem>> -> memref<128xi32, #tpu.memory_space<vmem>>
      %dma_start3A_263 = arith.constant 0 : i32
      %dma_start3A_264 = arith.constant 0 : i32
      %dma_start3A_265 = tpu.memref_slice %arg2[%dma_start3A_263, %dma_start3A_264] : memref<10016x32xf32, #tpu.memory_space<hbm>> -> memref<10016x32xf32, #tpu.memory_space<hbm>>
      tpu.enqueue_indirect_dma source(%dma_start3A_265 : memref<10016x32xf32, #tpu.memory_space<hbm>>) target(%dma_start3A_259 : memref<128x32xf32, #tpu.memory_space<vmem>>) offsets(%dma_start3A_262 : memref<128xi32, #tpu.memory_space<vmem>>) semaphore(%arg20 : memref<!tpu.dma_semaphore, #tpu.memory_space<semaphore_mem>>)
      %dma_start3A_266 = arith.constant 2 : i32
      %dma_start3A_267 = arith.constant 256 : i32
      %dma_start3A_268 = arith.constant 0 : i32
      %dma_start3A_269 = tpu.memref_slice %arg17[%dma_start3A_267, %dma_start3A_268] : memref<512x32xf32, #tpu.memory_space<vmem>> -> memref<128x32xf32, #tpu.memory_space<vmem>>
      %dma_start3A_270 = arith.constant 0 : i32
      %dma_start3A_271 = tpu.memref_slice %arg11[%dma_start3A_266, %dma_start3A_270] : memref<4x128xi32, #tpu.memory_space<vmem>> -> memref<1x128xi32, #tpu.memory_space<vmem>>
      %dma_start3A_272 = tpu.memref_squeeze %dma_start3A_271 : memref<1x128xi32, #tpu.memory_space<vmem>> -> memref<128xi32, #tpu.memory_space<vmem>>
      %dma_start3A_273 = arith.constant 0 : i32
      %dma_start3A_274 = arith.constant 0 : i32
      %dma_start3A_275 = tpu.memref_slice %arg3[%dma_start3A_273, %dma_start3A_274] : memref<10016x32xf32, #tpu.memory_space<hbm>> -> memref<10016x32xf32, #tpu.memory_space<hbm>>
      tpu.enqueue_indirect_dma source(%dma_start3A_275 : memref<10016x32xf32, #tpu.memory_space<hbm>>) target(%dma_start3A_269 : memref<128x32xf32, #tpu.memory_space<vmem>>) offsets(%dma_start3A_272 : memref<128xi32, #tpu.memory_space<vmem>>) semaphore(%arg20 : memref<!tpu.dma_semaphore, #tpu.memory_space<semaphore_mem>>)
      %dma_start3A_276 = arith.constant 3 : i32
      %dma_start3A_277 = arith.constant 384 : i32
      %dma_start3A_278 = arith.constant 0 : i32
      %dma_start3A_279 = tpu.memref_slice %arg15[%dma_start3A_277, %dma_start3A_278] : memref<512x32xf32, #tpu.memory_space<vmem>> -> memref<128x32xf32, #tpu.memory_space<vmem>>
      %dma_start3A_280 = arith.constant 0 : i32
      %dma_start3A_281 = tpu.memref_slice %arg9[%dma_start3A_276, %dma_start3A_280] : memref<4x128xi32, #tpu.memory_space<vmem>> -> memref<1x128xi32, #tpu.memory_space<vmem>>
      %dma_start3A_282 = tpu.memref_squeeze %dma_start3A_281 : memref<1x128xi32, #tpu.memory_space<vmem>> -> memref<128xi32, #tpu.memory_space<vmem>>
      %dma_start3A_283 = arith.constant 0 : i32
      %dma_start3A_284 = arith.constant 0 : i32
      %dma_start3A_285 = tpu.memref_slice %arg2[%dma_start3A_283, %dma_start3A_284] : memref<10016x32xf32, #tpu.memory_space<hbm>> -> memref<10016x32xf32, #tpu.memory_space<hbm>>
      tpu.enqueue_indirect_dma source(%dma_start3A_285 : memref<10016x32xf32, #tpu.memory_space<hbm>>) target(%dma_start3A_279 : memref<128x32xf32, #tpu.memory_space<vmem>>) offsets(%dma_start3A_282 : memref<128xi32, #tpu.memory_space<vmem>>) semaphore(%arg20 : memref<!tpu.dma_semaphore, #tpu.memory_space<semaphore_mem>>)
      %dma_start3A_286 = arith.constant 3 : i32
      %dma_start3A_287 = arith.constant 384 : i32
      %dma_start3A_288 = arith.constant 0 : i32
      %dma_start3A_289 = tpu.memref_slice %arg17[%dma_start3A_287, %dma_start3A_288] : memref<512x32xf32, #tpu.memory_space<vmem>> -> memref<128x32xf32, #tpu.memory_space<vmem>>
      %dma_start3A_290 = arith.constant 0 : i32
      %dma_start3A_291 = tpu.memref_slice %arg11[%dma_start3A_286, %dma_start3A_290] : memref<4x128xi32, #tpu.memory_space<vmem>> -> memref<1x128xi32, #tpu.memory_space<vmem>>
      %dma_start3A_292 = tpu.memref_squeeze %dma_start3A_291 : memref<1x128xi32, #tpu.memory_space<vmem>> -> memref<128xi32, #tpu.memory_space<vmem>>
      %dma_start3A_293 = arith.constant 0 : i32
      %dma_start3A_294 = arith.constant 0 : i32
      %dma_start3A_295 = tpu.memref_slice %arg3[%dma_start3A_293, %dma_start3A_294] : memref<10016x32xf32, #tpu.memory_space<hbm>> -> memref<10016x32xf32, #tpu.memory_space<hbm>>
      tpu.enqueue_indirect_dma source(%dma_start3A_295 : memref<10016x32xf32, #tpu.memory_space<hbm>>) target(%dma_start3A_289 : memref<128x32xf32, #tpu.memory_space<vmem>>) offsets(%dma_start3A_292 : memref<128xi32, #tpu.memory_space<vmem>>) semaphore(%arg20 : memref<!tpu.dma_semaphore, #tpu.memory_space<semaphore_mem>>)
      %mul3A_296 = arith.constant 128 : i32
      %mul3A_297 = arith.muli %add3A_201, %mul3A_296 : i32
      %dma_wait3A_298 = arith.constant 0 : i32
      %dma_wait3A_299 = tpu.memref_slice %arg4[%mul3A_297, %dma_wait3A_298] : memref<81920x128xf32, #tpu.memory_space<hbm>> -> memref<128x128xf32, #tpu.memory_space<hbm>>
      %dma_wait3A_300 = arith.constant 0 : i32
      %dma_wait3A_301 = tpu.memref_slice %arg4[%mul3A_297, %dma_wait3A_300] : memref<81920x128xf32, #tpu.memory_space<hbm>> -> memref<128x128xf32, #tpu.memory_space<hbm>>
      tpu.wait_dma2 semaphore(%arg19 : memref<!tpu.dma_semaphore, #tpu.memory_space<semaphore_mem>>) src(%dma_wait3A_301 : memref<128x128xf32, #tpu.memory_space<hbm>>) dst(%arg12 : memref<128x128xf32, #tpu.memory_space<vmem>>)
      %dma_wait3A_302 = arith.constant 0 : i32
      %dma_wait3A_303 = arith.constant 0 : i32
      %dma_wait3A_304 = arith.constant 0 : i32
      %dma_wait3A_305 = tpu.memref_slice %arg14[%dma_wait3A_303, %dma_wait3A_304] : memref<512x32xf32, #tpu.memory_space<vmem>> -> memref<128x32xf32, #tpu.memory_space<vmem>>
      %dma_wait3A_306 = arith.constant 0 : i32
      %dma_wait3A_307 = tpu.memref_slice %arg8[%dma_wait3A_302, %dma_wait3A_306] : memref<4x128xi32, #tpu.memory_space<vmem>> -> memref<1x128xi32, #tpu.memory_space<vmem>>
      %dma_wait3A_308 = tpu.memref_squeeze %dma_wait3A_307 : memref<1x128xi32, #tpu.memory_space<vmem>> -> memref<128xi32, #tpu.memory_space<vmem>>
      %dma_wait3A_309 = arith.constant 0 : i32
      %dma_wait3A_310 = arith.constant 0 : i32
      %dma_wait3A_311 = tpu.memref_slice %arg2[%dma_wait3A_309, %dma_wait3A_310] : memref<10016x32xf32, #tpu.memory_space<hbm>> -> memref<10016x32xf32, #tpu.memory_space<hbm>>
      tpu.wait_indirect_dma semaphore(%arg19 : memref<!tpu.dma_semaphore, #tpu.memory_space<semaphore_mem>>) src(%dma_wait3A_311 : memref<10016x32xf32, #tpu.memory_space<hbm>>) dst(%dma_wait3A_305 : memref<128x32xf32, #tpu.memory_space<vmem>>)
      %dma_wait3A_312 = arith.constant 0 : i32
      %dma_wait3A_313 = arith.constant 0 : i32
      %dma_wait3A_314 = arith.constant 0 : i32
      %dma_wait3A_315 = tpu.memref_slice %arg16[%dma_wait3A_313, %dma_wait3A_314] : memref<512x32xf32, #tpu.memory_space<vmem>> -> memref<128x32xf32, #tpu.memory_space<vmem>>
      %dma_wait3A_316 = arith.constant 0 : i32
      %dma_wait3A_317 = tpu.memref_slice %arg10[%dma_wait3A_312, %dma_wait3A_316] : memref<4x128xi32, #tpu.memory_space<vmem>> -> memref<1x128xi32, #tpu.memory_space<vmem>>
      %dma_wait3A_318 = tpu.memref_squeeze %dma_wait3A_317 : memref<1x128xi32, #tpu.memory_space<vmem>> -> memref<128xi32, #tpu.memory_space<vmem>>
      %dma_wait3A_319 = arith.constant 0 : i32
      %dma_wait3A_320 = arith.constant 0 : i32
      %dma_wait3A_321 = tpu.memref_slice %arg3[%dma_wait3A_319, %dma_wait3A_320] : memref<10016x32xf32, #tpu.memory_space<hbm>> -> memref<10016x32xf32, #tpu.memory_space<hbm>>
      tpu.wait_indirect_dma semaphore(%arg19 : memref<!tpu.dma_semaphore, #tpu.memory_space<semaphore_mem>>) src(%dma_wait3A_321 : memref<10016x32xf32, #tpu.memory_space<hbm>>) dst(%dma_wait3A_315 : memref<128x32xf32, #tpu.memory_space<vmem>>)
      %dma_wait3A_322 = arith.constant 1 : i32
      %dma_wait3A_323 = arith.constant 128 : i32
      %dma_wait3A_324 = arith.constant 0 : i32
      %dma_wait3A_325 = tpu.memref_slice %arg14[%dma_wait3A_323, %dma_wait3A_324] : memref<512x32xf32, #tpu.memory_space<vmem>> -> memref<128x32xf32, #tpu.memory_space<vmem>>
      %dma_wait3A_326 = arith.constant 0 : i32
      %dma_wait3A_327 = tpu.memref_slice %arg8[%dma_wait3A_322, %dma_wait3A_326] : memref<4x128xi32, #tpu.memory_space<vmem>> -> memref<1x128xi32, #tpu.memory_space<vmem>>
      %dma_wait3A_328 = tpu.memref_squeeze %dma_wait3A_327 : memref<1x128xi32, #tpu.memory_space<vmem>> -> memref<128xi32, #tpu.memory_space<vmem>>
      %dma_wait3A_329 = arith.constant 0 : i32
      %dma_wait3A_330 = arith.constant 0 : i32
      %dma_wait3A_331 = tpu.memref_slice %arg2[%dma_wait3A_329, %dma_wait3A_330] : memref<10016x32xf32, #tpu.memory_space<hbm>> -> memref<10016x32xf32, #tpu.memory_space<hbm>>
      tpu.wait_indirect_dma semaphore(%arg19 : memref<!tpu.dma_semaphore, #tpu.memory_space<semaphore_mem>>) src(%dma_wait3A_331 : memref<10016x32xf32, #tpu.memory_space<hbm>>) dst(%dma_wait3A_325 : memref<128x32xf32, #tpu.memory_space<vmem>>)
      %dma_wait3A_332 = arith.constant 1 : i32
      %dma_wait3A_333 = arith.constant 128 : i32
      %dma_wait3A_334 = arith.constant 0 : i32
      %dma_wait3A_335 = tpu.memref_slice %arg16[%dma_wait3A_333, %dma_wait3A_334] : memref<512x32xf32, #tpu.memory_space<vmem>> -> memref<128x32xf32, #tpu.memory_space<vmem>>
      %dma_wait3A_336 = arith.constant 0 : i32
      %dma_wait3A_337 = tpu.memref_slice %arg10[%dma_wait3A_332, %dma_wait3A_336] : memref<4x128xi32, #tpu.memory_space<vmem>> -> memref<1x128xi32, #tpu.memory_space<vmem>>
      %dma_wait3A_338 = tpu.memref_squeeze %dma_wait3A_337 : memref<1x128xi32, #tpu.memory_space<vmem>> -> memref<128xi32, #tpu.memory_space<vmem>>
      %dma_wait3A_339 = arith.constant 0 : i32
      %dma_wait3A_340 = arith.constant 0 : i32
      %dma_wait3A_341 = tpu.memref_slice %arg3[%dma_wait3A_339, %dma_wait3A_340] : memref<10016x32xf32, #tpu.memory_space<hbm>> -> memref<10016x32xf32, #tpu.memory_space<hbm>>
      tpu.wait_indirect_dma semaphore(%arg19 : memref<!tpu.dma_semaphore, #tpu.memory_space<semaphore_mem>>) src(%dma_wait3A_341 : memref<10016x32xf32, #tpu.memory_space<hbm>>) dst(%dma_wait3A_335 : memref<128x32xf32, #tpu.memory_space<vmem>>)
      %dma_wait3A_342 = arith.constant 2 : i32
      %dma_wait3A_343 = arith.constant 256 : i32
      %dma_wait3A_344 = arith.constant 0 : i32
      %dma_wait3A_345 = tpu.memref_slice %arg14[%dma_wait3A_343, %dma_wait3A_344] : memref<512x32xf32, #tpu.memory_space<vmem>> -> memref<128x32xf32, #tpu.memory_space<vmem>>
      %dma_wait3A_346 = arith.constant 0 : i32
      %dma_wait3A_347 = tpu.memref_slice %arg8[%dma_wait3A_342, %dma_wait3A_346] : memref<4x128xi32, #tpu.memory_space<vmem>> -> memref<1x128xi32, #tpu.memory_space<vmem>>
      %dma_wait3A_348 = tpu.memref_squeeze %dma_wait3A_347 : memref<1x128xi32, #tpu.memory_space<vmem>> -> memref<128xi32, #tpu.memory_space<vmem>>
      %dma_wait3A_349 = arith.constant 0 : i32
      %dma_wait3A_350 = arith.constant 0 : i32
      %dma_wait3A_351 = tpu.memref_slice %arg2[%dma_wait3A_349, %dma_wait3A_350] : memref<10016x32xf32, #tpu.memory_space<hbm>> -> memref<10016x32xf32, #tpu.memory_space<hbm>>
      tpu.wait_indirect_dma semaphore(%arg19 : memref<!tpu.dma_semaphore, #tpu.memory_space<semaphore_mem>>) src(%dma_wait3A_351 : memref<10016x32xf32, #tpu.memory_space<hbm>>) dst(%dma_wait3A_345 : memref<128x32xf32, #tpu.memory_space<vmem>>)
      %dma_wait3A_352 = arith.constant 2 : i32
      %dma_wait3A_353 = arith.constant 256 : i32
      %dma_wait3A_354 = arith.constant 0 : i32
      %dma_wait3A_355 = tpu.memref_slice %arg16[%dma_wait3A_353, %dma_wait3A_354] : memref<512x32xf32, #tpu.memory_space<vmem>> -> memref<128x32xf32, #tpu.memory_space<vmem>>
      %dma_wait3A_356 = arith.constant 0 : i32
      %dma_wait3A_357 = tpu.memref_slice %arg10[%dma_wait3A_352, %dma_wait3A_356] : memref<4x128xi32, #tpu.memory_space<vmem>> -> memref<1x128xi32, #tpu.memory_space<vmem>>
      %dma_wait3A_358 = tpu.memref_squeeze %dma_wait3A_357 : memref<1x128xi32, #tpu.memory_space<vmem>> -> memref<128xi32, #tpu.memory_space<vmem>>
      %dma_wait3A_359 = arith.constant 0 : i32
      %dma_wait3A_360 = arith.constant 0 : i32
      %dma_wait3A_361 = tpu.memref_slice %arg3[%dma_wait3A_359, %dma_wait3A_360] : memref<10016x32xf32, #tpu.memory_space<hbm>> -> memref<10016x32xf32, #tpu.memory_space<hbm>>
      tpu.wait_indirect_dma semaphore(%arg19 : memref<!tpu.dma_semaphore, #tpu.memory_space<semaphore_mem>>) src(%dma_wait3A_361 : memref<10016x32xf32, #tpu.memory_space<hbm>>) dst(%dma_wait3A_355 : memref<128x32xf32, #tpu.memory_space<vmem>>)
      %dma_wait3A_362 = arith.constant 3 : i32
      %dma_wait3A_363 = arith.constant 384 : i32
      %dma_wait3A_364 = arith.constant 0 : i32
      %dma_wait3A_365 = tpu.memref_slice %arg14[%dma_wait3A_363, %dma_wait3A_364] : memref<512x32xf32, #tpu.memory_space<vmem>> -> memref<128x32xf32, #tpu.memory_space<vmem>>
      %dma_wait3A_366 = arith.constant 0 : i32
      %dma_wait3A_367 = tpu.memref_slice %arg8[%dma_wait3A_362, %dma_wait3A_366] : memref<4x128xi32, #tpu.memory_space<vmem>> -> memref<1x128xi32, #tpu.memory_space<vmem>>
      %dma_wait3A_368 = tpu.memref_squeeze %dma_wait3A_367 : memref<1x128xi32, #tpu.memory_space<vmem>> -> memref<128xi32, #tpu.memory_space<vmem>>
      %dma_wait3A_369 = arith.constant 0 : i32
      %dma_wait3A_370 = arith.constant 0 : i32
      %dma_wait3A_371 = tpu.memref_slice %arg2[%dma_wait3A_369, %dma_wait3A_370] : memref<10016x32xf32, #tpu.memory_space<hbm>> -> memref<10016x32xf32, #tpu.memory_space<hbm>>
      tpu.wait_indirect_dma semaphore(%arg19 : memref<!tpu.dma_semaphore, #tpu.memory_space<semaphore_mem>>) src(%dma_wait3A_371 : memref<10016x32xf32, #tpu.memory_space<hbm>>) dst(%dma_wait3A_365 : memref<128x32xf32, #tpu.memory_space<vmem>>)
      %dma_wait3A_372 = arith.constant 3 : i32
      %dma_wait3A_373 = arith.constant 384 : i32
      %dma_wait3A_374 = arith.constant 0 : i32
      %dma_wait3A_375 = tpu.memref_slice %arg16[%dma_wait3A_373, %dma_wait3A_374] : memref<512x32xf32, #tpu.memory_space<vmem>> -> memref<128x32xf32, #tpu.memory_space<vmem>>
      %dma_wait3A_376 = arith.constant 0 : i32
      %dma_wait3A_377 = tpu.memref_slice %arg10[%dma_wait3A_372, %dma_wait3A_376] : memref<4x128xi32, #tpu.memory_space<vmem>> -> memref<1x128xi32, #tpu.memory_space<vmem>>
      %dma_wait3A_378 = tpu.memref_squeeze %dma_wait3A_377 : memref<1x128xi32, #tpu.memory_space<vmem>> -> memref<128xi32, #tpu.memory_space<vmem>>
      %dma_wait3A_379 = arith.constant 0 : i32
      %dma_wait3A_380 = arith.constant 0 : i32
      %dma_wait3A_381 = tpu.memref_slice %arg3[%dma_wait3A_379, %dma_wait3A_380] : memref<10016x32xf32, #tpu.memory_space<hbm>> -> memref<10016x32xf32, #tpu.memory_space<hbm>>
      tpu.wait_indirect_dma semaphore(%arg19 : memref<!tpu.dma_semaphore, #tpu.memory_space<semaphore_mem>>) src(%dma_wait3A_381 : memref<10016x32xf32, #tpu.memory_space<hbm>>) dst(%dma_wait3A_375 : memref<128x32xf32, #tpu.memory_space<vmem>>)
      %parallel_loop3A = arith.constant 0 : i32
      %parallel_loop3A_382 = arith.constant 128 : i32
      %parallel_loop3A_383 = arith.constant 1 : i32
      scf.for %parallel_loop3A_559 = %parallel_loop3A to %parallel_loop3A_382 step %parallel_loop3A_383  : i32 {
        %parallel_loop3A_560 = arith.constant 0 : i32
        %parallel_loop3A_561 = arith.addi %parallel_loop3A_559, %parallel_loop3A_560 : i32
        %parallel_loop3A_562 = arith.index_cast %parallel_loop3A_561 : i32 to index
        %parallel_loop3A_563 = arith.constant 0 : index
        %parallel_loop3A_564 = tpu.vector_load %arg14[%parallel_loop3A_562, %parallel_loop3A_563] {strides = array<i32>} : memref<512x32xf32, #tpu.memory_space<vmem>>, vector<1x16xf32>,
        %parallel_loop3A_565 = vector.shape_cast %parallel_loop3A_564 : vector<1x16xf32> to vector<16xf32>
        %parallel_loop3A_566 = arith.constant 0 : i32
        %parallel_loop3A_567 = arith.addi %parallel_loop3A_559, %parallel_loop3A_566 : i32
        %parallel_loop3A_568 = arith.index_cast %parallel_loop3A_567 : i32 to index
        %parallel_loop3A_569 = arith.constant 0 : index
        %parallel_loop3A_570 = tpu.vector_load %arg16[%parallel_loop3A_568, %parallel_loop3A_569] {strides = array<i32>} : memref<512x32xf32, #tpu.memory_space<vmem>>, vector<1x16xf32>,
        %parallel_loop3A_571 = vector.shape_cast %parallel_loop3A_570 : vector<1x16xf32> to vector<16xf32>
        %parallel_loop3A_572 = arith.addf %parallel_loop3A_565, %parallel_loop3A_571 : vector<16xf32>
        %parallel_loop3A_573 = arith.index_cast %parallel_loop3A_559 : i32 to index
        %parallel_loop3A_574 = arith.constant 0 : index
        %parallel_loop3A_575 = tpu.vector_load %arg12[%parallel_loop3A_573, %parallel_loop3A_574] {strides = array<i32>} : memref<128x128xf32, #tpu.memory_space<vmem>>, vector<1x16xf32>,
        %parallel_loop3A_576 = vector.shape_cast %parallel_loop3A_575 : vector<1x16xf32> to vector<16xf32>
        %parallel_loop3A_577 = arith.addf %parallel_loop3A_572, %parallel_loop3A_576 : vector<16xf32>
        %parallel_loop3A_578 = arith.constant 0.000000e+00 : f32
        %parallel_loop3A_579 = vector.broadcast %parallel_loop3A_578 : f32 to vector<16xf32>
        %parallel_loop3A_580 = arith.maximumf %parallel_loop3A_577, %parallel_loop3A_579 : vector<16xf32>
        %parallel_loop3A_581 = arith.constant 0 : i32
        %parallel_loop3A_582 = arith.addi %parallel_loop3A_559, %parallel_loop3A_581 : i32
        %parallel_loop3A_583 = arith.index_cast %parallel_loop3A_582 : i32 to index
        %parallel_loop3A_584 = arith.constant 0 : index
        %parallel_loop3A_585 = tpu.vector_load %arg14[%parallel_loop3A_583, %parallel_loop3A_584] {strides = array<i32>} : memref<512x32xf32, #tpu.memory_space<vmem>>, vector<1x16xf32>,
        %parallel_loop3A_586 = vector.shape_cast %parallel_loop3A_585 : vector<1x16xf32> to vector<16xf32>
        %parallel_loop3A_587 = vector.shape_cast %parallel_loop3A_580 : vector<16xf32> to vector<1x16xf32>
        tpu.vector_store %arg14[%parallel_loop3A_583, %parallel_loop3A_584], %parallel_loop3A_587 {strides = array<i32>} : memref<512x32xf32, #tpu.memory_space<vmem>>, vector<1x16xf32>,
        %parallel_loop3A_588 = arith.constant 0 : i32
        %parallel_loop3A_589 = arith.addi %parallel_loop3A_559, %parallel_loop3A_588 : i32
        %parallel_loop3A_590 = arith.index_cast %parallel_loop3A_589 : i32 to index
        %parallel_loop3A_591 = arith.constant 16 : index
        %parallel_loop3A_592 = tpu.vector_load %arg14[%parallel_loop3A_590, %parallel_loop3A_591] {strides = array<i32>} : memref<512x32xf32, #tpu.memory_space<vmem>>, vector<1x16xf32>,
        %parallel_loop3A_593 = vector.shape_cast %parallel_loop3A_592 : vector<1x16xf32> to vector<16xf32>
        %parallel_loop3A_594 = arith.constant 0 : i32
        %parallel_loop3A_595 = arith.addi %parallel_loop3A_559, %parallel_loop3A_594 : i32
        %parallel_loop3A_596 = arith.index_cast %parallel_loop3A_595 : i32 to index
        %parallel_loop3A_597 = arith.constant 16 : index
        %parallel_loop3A_598 = tpu.vector_load %arg16[%parallel_loop3A_596, %parallel_loop3A_597] {strides = array<i32>} : memref<512x32xf32, #tpu.memory_space<vmem>>, vector<1x16xf32>,
        %parallel_loop3A_599 = vector.shape_cast %parallel_loop3A_598 : vector<1x16xf32> to vector<16xf32>
        %parallel_loop3A_600 = arith.addf %parallel_loop3A_593, %parallel_loop3A_599 : vector<16xf32>
        %parallel_loop3A_601 = arith.index_cast %parallel_loop3A_559 : i32 to index
        %parallel_loop3A_602 = arith.constant 16 : index
        %parallel_loop3A_603 = tpu.vector_load %arg12[%parallel_loop3A_601, %parallel_loop3A_602] {strides = array<i32>} : memref<128x128xf32, #tpu.memory_space<vmem>>, vector<1x16xf32>,
        %parallel_loop3A_604 = vector.shape_cast %parallel_loop3A_603 : vector<1x16xf32> to vector<16xf32>
        %parallel_loop3A_605 = arith.addf %parallel_loop3A_600, %parallel_loop3A_604 : vector<16xf32>
        %parallel_loop3A_606 = arith.constant 0.000000e+00 : f32
        %parallel_loop3A_607 = vector.broadcast %parallel_loop3A_606 : f32 to vector<16xf32>
        %parallel_loop3A_608 = arith.maximumf %parallel_loop3A_605, %parallel_loop3A_607 : vector<16xf32>
        %parallel_loop3A_609 = arith.constant 0 : i32
        %parallel_loop3A_610 = arith.addi %parallel_loop3A_559, %parallel_loop3A_609 : i32
        %parallel_loop3A_611 = arith.index_cast %parallel_loop3A_610 : i32 to index
        %parallel_loop3A_612 = arith.constant 16 : index
        %parallel_loop3A_613 = tpu.vector_load %arg14[%parallel_loop3A_611, %parallel_loop3A_612] {strides = array<i32>} : memref<512x32xf32, #tpu.memory_space<vmem>>, vector<1x16xf32>,
        %parallel_loop3A_614 = vector.shape_cast %parallel_loop3A_613 : vector<1x16xf32> to vector<16xf32>
        %parallel_loop3A_615 = vector.shape_cast %parallel_loop3A_608 : vector<16xf32> to vector<1x16xf32>
        tpu.vector_store %arg14[%parallel_loop3A_611, %parallel_loop3A_612], %parallel_loop3A_615 {strides = array<i32>} : memref<512x32xf32, #tpu.memory_space<vmem>>, vector<1x16xf32>,
        %parallel_loop3A_616 = arith.constant 128 : i32
        %parallel_loop3A_617 = arith.addi %parallel_loop3A_559, %parallel_loop3A_616 : i32
        %parallel_loop3A_618 = arith.index_cast %parallel_loop3A_617 : i32 to index
        %parallel_loop3A_619 = arith.constant 0 : index
        %parallel_loop3A_620 = tpu.vector_load %arg14[%parallel_loop3A_618, %parallel_loop3A_619] {strides = array<i32>} : memref<512x32xf32, #tpu.memory_space<vmem>>, vector<1x16xf32>,
        %parallel_loop3A_621 = vector.shape_cast %parallel_loop3A_620 : vector<1x16xf32> to vector<16xf32>
        %parallel_loop3A_622 = arith.constant 128 : i32
        %parallel_loop3A_623 = arith.addi %parallel_loop3A_559, %parallel_loop3A_622 : i32
        %parallel_loop3A_624 = arith.index_cast %parallel_loop3A_623 : i32 to index
        %parallel_loop3A_625 = arith.constant 0 : index
        %parallel_loop3A_626 = tpu.vector_load %arg16[%parallel_loop3A_624, %parallel_loop3A_625] {strides = array<i32>} : memref<512x32xf32, #tpu.memory_space<vmem>>, vector<1x16xf32>,
        %parallel_loop3A_627 = vector.shape_cast %parallel_loop3A_626 : vector<1x16xf32> to vector<16xf32>
        %parallel_loop3A_628 = arith.addf %parallel_loop3A_621, %parallel_loop3A_627 : vector<16xf32>
        %parallel_loop3A_629 = arith.index_cast %parallel_loop3A_559 : i32 to index
        %parallel_loop3A_630 = arith.constant 32 : index
        %parallel_loop3A_631 = tpu.vector_load %arg12[%parallel_loop3A_629, %parallel_loop3A_630] {strides = array<i32>} : memref<128x128xf32, #tpu.memory_space<vmem>>, vector<1x16xf32>,
        %parallel_loop3A_632 = vector.shape_cast %parallel_loop3A_631 : vector<1x16xf32> to vector<16xf32>
        %parallel_loop3A_633 = arith.addf %parallel_loop3A_628, %parallel_loop3A_632 : vector<16xf32>
        %parallel_loop3A_634 = arith.constant 0.000000e+00 : f32
        %parallel_loop3A_635 = vector.broadcast %parallel_loop3A_634 : f32 to vector<16xf32>
        %parallel_loop3A_636 = arith.maximumf %parallel_loop3A_633, %parallel_loop3A_635 : vector<16xf32>
        %parallel_loop3A_637 = arith.constant 128 : i32
        %parallel_loop3A_638 = arith.addi %parallel_loop3A_559, %parallel_loop3A_637 : i32
        %parallel_loop3A_639 = arith.index_cast %parallel_loop3A_638 : i32 to index
        %parallel_loop3A_640 = arith.constant 0 : index
        %parallel_loop3A_641 = tpu.vector_load %arg14[%parallel_loop3A_639, %parallel_loop3A_640] {strides = array<i32>} : memref<512x32xf32, #tpu.memory_space<vmem>>, vector<1x16xf32>,
        %parallel_loop3A_642 = vector.shape_cast %parallel_loop3A_641 : vector<1x16xf32> to vector<16xf32>
        %parallel_loop3A_643 = vector.shape_cast %parallel_loop3A_636 : vector<16xf32> to vector<1x16xf32>
        tpu.vector_store %arg14[%parallel_loop3A_639, %parallel_loop3A_640], %parallel_loop3A_643 {strides = array<i32>} : memref<512x32xf32, #tpu.memory_space<vmem>>, vector<1x16xf32>,
        %parallel_loop3A_644 = arith.constant 128 : i32
        %parallel_loop3A_645 = arith.addi %parallel_loop3A_559, %parallel_loop3A_644 : i32
        %parallel_loop3A_646 = arith.index_cast %parallel_loop3A_645 : i32 to index
        %parallel_loop3A_647 = arith.constant 16 : index
        %parallel_loop3A_648 = tpu.vector_load %arg14[%parallel_loop3A_646, %parallel_loop3A_647] {strides = array<i32>} : memref<512x32xf32, #tpu.memory_space<vmem>>, vector<1x16xf32>,
        %parallel_loop3A_649 = vector.shape_cast %parallel_loop3A_648 : vector<1x16xf32> to vector<16xf32>
        %parallel_loop3A_650 = arith.constant 128 : i32
        %parallel_loop3A_651 = arith.addi %parallel_loop3A_559, %parallel_loop3A_650 : i32
        %parallel_loop3A_652 = arith.index_cast %parallel_loop3A_651 : i32 to index
        %parallel_loop3A_653 = arith.constant 16 : index
        %parallel_loop3A_654 = tpu.vector_load %arg16[%parallel_loop3A_652, %parallel_loop3A_653] {strides = array<i32>} : memref<512x32xf32, #tpu.memory_space<vmem>>, vector<1x16xf32>,
        %parallel_loop3A_655 = vector.shape_cast %parallel_loop3A_654 : vector<1x16xf32> to vector<16xf32>
        %parallel_loop3A_656 = arith.addf %parallel_loop3A_649, %parallel_loop3A_655 : vector<16xf32>
        %parallel_loop3A_657 = arith.index_cast %parallel_loop3A_559 : i32 to index
        %parallel_loop3A_658 = arith.constant 48 : index
        %parallel_loop3A_659 = tpu.vector_load %arg12[%parallel_loop3A_657, %parallel_loop3A_658] {strides = array<i32>} : memref<128x128xf32, #tpu.memory_space<vmem>>, vector<1x16xf32>,
        %parallel_loop3A_660 = vector.shape_cast %parallel_loop3A_659 : vector<1x16xf32> to vector<16xf32>
        %parallel_loop3A_661 = arith.addf %parallel_loop3A_656, %parallel_loop3A_660 : vector<16xf32>
        %parallel_loop3A_662 = arith.constant 0.000000e+00 : f32
        %parallel_loop3A_663 = vector.broadcast %parallel_loop3A_662 : f32 to vector<16xf32>
        %parallel_loop3A_664 = arith.maximumf %parallel_loop3A_661, %parallel_loop3A_663 : vector<16xf32>
        %parallel_loop3A_665 = arith.constant 128 : i32
        %parallel_loop3A_666 = arith.addi %parallel_loop3A_559, %parallel_loop3A_665 : i32
        %parallel_loop3A_667 = arith.index_cast %parallel_loop3A_666 : i32 to index
        %parallel_loop3A_668 = arith.constant 16 : index
        %parallel_loop3A_669 = tpu.vector_load %arg14[%parallel_loop3A_667, %parallel_loop3A_668] {strides = array<i32>} : memref<512x32xf32, #tpu.memory_space<vmem>>, vector<1x16xf32>,
        %parallel_loop3A_670 = vector.shape_cast %parallel_loop3A_669 : vector<1x16xf32> to vector<16xf32>
        %parallel_loop3A_671 = vector.shape_cast %parallel_loop3A_664 : vector<16xf32> to vector<1x16xf32>
        tpu.vector_store %arg14[%parallel_loop3A_667, %parallel_loop3A_668], %parallel_loop3A_671 {strides = array<i32>} : memref<512x32xf32, #tpu.memory_space<vmem>>, vector<1x16xf32>,
        %parallel_loop3A_672 = arith.constant 256 : i32
        %parallel_loop3A_673 = arith.addi %parallel_loop3A_559, %parallel_loop3A_672 : i32
        %parallel_loop3A_674 = arith.index_cast %parallel_loop3A_673 : i32 to index
        %parallel_loop3A_675 = arith.constant 0 : index
        %parallel_loop3A_676 = tpu.vector_load %arg14[%parallel_loop3A_674, %parallel_loop3A_675] {strides = array<i32>} : memref<512x32xf32, #tpu.memory_space<vmem>>, vector<1x16xf32>,
        %parallel_loop3A_677 = vector.shape_cast %parallel_loop3A_676 : vector<1x16xf32> to vector<16xf32>
        %parallel_loop3A_678 = arith.constant 256 : i32
        %parallel_loop3A_679 = arith.addi %parallel_loop3A_559, %parallel_loop3A_678 : i32
        %parallel_loop3A_680 = arith.index_cast %parallel_loop3A_679 : i32 to index
        %parallel_loop3A_681 = arith.constant 0 : index
        %parallel_loop3A_682 = tpu.vector_load %arg16[%parallel_loop3A_680, %parallel_loop3A_681] {strides = array<i32>} : memref<512x32xf32, #tpu.memory_space<vmem>>, vector<1x16xf32>,
        %parallel_loop3A_683 = vector.shape_cast %parallel_loop3A_682 : vector<1x16xf32> to vector<16xf32>
        %parallel_loop3A_684 = arith.addf %parallel_loop3A_677, %parallel_loop3A_683 : vector<16xf32>
        %parallel_loop3A_685 = arith.index_cast %parallel_loop3A_559 : i32 to index
        %parallel_loop3A_686 = arith.constant 64 : index
        %parallel_loop3A_687 = tpu.vector_load %arg12[%parallel_loop3A_685, %parallel_loop3A_686] {strides = array<i32>} : memref<128x128xf32, #tpu.memory_space<vmem>>, vector<1x16xf32>,
        %parallel_loop3A_688 = vector.shape_cast %parallel_loop3A_687 : vector<1x16xf32> to vector<16xf32>
        %parallel_loop3A_689 = arith.addf %parallel_loop3A_684, %parallel_loop3A_688 : vector<16xf32>
        %parallel_loop3A_690 = arith.constant 0.000000e+00 : f32
        %parallel_loop3A_691 = vector.broadcast %parallel_loop3A_690 : f32 to vector<16xf32>
        %parallel_loop3A_692 = arith.maximumf %parallel_loop3A_689, %parallel_loop3A_691 : vector<16xf32>
        %parallel_loop3A_693 = arith.constant 256 : i32
        %parallel_loop3A_694 = arith.addi %parallel_loop3A_559, %parallel_loop3A_693 : i32
        %parallel_loop3A_695 = arith.index_cast %parallel_loop3A_694 : i32 to index
        %parallel_loop3A_696 = arith.constant 0 : index
        %parallel_loop3A_697 = tpu.vector_load %arg14[%parallel_loop3A_695, %parallel_loop3A_696] {strides = array<i32>} : memref<512x32xf32, #tpu.memory_space<vmem>>, vector<1x16xf32>,
        %parallel_loop3A_698 = vector.shape_cast %parallel_loop3A_697 : vector<1x16xf32> to vector<16xf32>
        %parallel_loop3A_699 = vector.shape_cast %parallel_loop3A_692 : vector<16xf32> to vector<1x16xf32>
        tpu.vector_store %arg14[%parallel_loop3A_695, %parallel_loop3A_696], %parallel_loop3A_699 {strides = array<i32>} : memref<512x32xf32, #tpu.memory_space<vmem>>, vector<1x16xf32>,
        %parallel_loop3A_700 = arith.constant 256 : i32
        %parallel_loop3A_701 = arith.addi %parallel_loop3A_559, %parallel_loop3A_700 : i32
        %parallel_loop3A_702 = arith.index_cast %parallel_loop3A_701 : i32 to index
        %parallel_loop3A_703 = arith.constant 16 : index
        %parallel_loop3A_704 = tpu.vector_load %arg14[%parallel_loop3A_702, %parallel_loop3A_703] {strides = array<i32>} : memref<512x32xf32, #tpu.memory_space<vmem>>, vector<1x16xf32>,
        %parallel_loop3A_705 = vector.shape_cast %parallel_loop3A_704 : vector<1x16xf32> to vector<16xf32>
        %parallel_loop3A_706 = arith.constant 256 : i32
        %parallel_loop3A_707 = arith.addi %parallel_loop3A_559, %parallel_loop3A_706 : i32
        %parallel_loop3A_708 = arith.index_cast %parallel_loop3A_707 : i32 to index
        %parallel_loop3A_709 = arith.constant 16 : index
        %parallel_loop3A_710 = tpu.vector_load %arg16[%parallel_loop3A_708, %parallel_loop3A_709] {strides = array<i32>} : memref<512x32xf32, #tpu.memory_space<vmem>>, vector<1x16xf32>,
        %parallel_loop3A_711 = vector.shape_cast %parallel_loop3A_710 : vector<1x16xf32> to vector<16xf32>
        %parallel_loop3A_712 = arith.addf %parallel_loop3A_705, %parallel_loop3A_711 : vector<16xf32>
        %parallel_loop3A_713 = arith.index_cast %parallel_loop3A_559 : i32 to index
        %parallel_loop3A_714 = arith.constant 80 : index
        %parallel_loop3A_715 = tpu.vector_load %arg12[%parallel_loop3A_713, %parallel_loop3A_714] {strides = array<i32>} : memref<128x128xf32, #tpu.memory_space<vmem>>, vector<1x16xf32>,
        %parallel_loop3A_716 = vector.shape_cast %parallel_loop3A_715 : vector<1x16xf32> to vector<16xf32>
        %parallel_loop3A_717 = arith.addf %parallel_loop3A_712, %parallel_loop3A_716 : vector<16xf32>
        %parallel_loop3A_718 = arith.constant 0.000000e+00 : f32
        %parallel_loop3A_719 = vector.broadcast %parallel_loop3A_718 : f32 to vector<16xf32>
        %parallel_loop3A_720 = arith.maximumf %parallel_loop3A_717, %parallel_loop3A_719 : vector<16xf32>
        %parallel_loop3A_721 = arith.constant 256 : i32
        %parallel_loop3A_722 = arith.addi %parallel_loop3A_559, %parallel_loop3A_721 : i32
        %parallel_loop3A_723 = arith.index_cast %parallel_loop3A_722 : i32 to index
        %parallel_loop3A_724 = arith.constant 16 : index
        %parallel_loop3A_725 = tpu.vector_load %arg14[%parallel_loop3A_723, %parallel_loop3A_724] {strides = array<i32>} : memref<512x32xf32, #tpu.memory_space<vmem>>, vector<1x16xf32>,
        %parallel_loop3A_726 = vector.shape_cast %parallel_loop3A_725 : vector<1x16xf32> to vector<16xf32>
        %parallel_loop3A_727 = vector.shape_cast %parallel_loop3A_720 : vector<16xf32> to vector<1x16xf32>
        tpu.vector_store %arg14[%parallel_loop3A_723, %parallel_loop3A_724], %parallel_loop3A_727 {strides = array<i32>} : memref<512x32xf32, #tpu.memory_space<vmem>>, vector<1x16xf32>,
        %parallel_loop3A_728 = arith.constant 384 : i32
        %parallel_loop3A_729 = arith.addi %parallel_loop3A_559, %parallel_loop3A_728 : i32
        %parallel_loop3A_730 = arith.index_cast %parallel_loop3A_729 : i32 to index
        %parallel_loop3A_731 = arith.constant 0 : index
        %parallel_loop3A_732 = tpu.vector_load %arg14[%parallel_loop3A_730, %parallel_loop3A_731] {strides = array<i32>} : memref<512x32xf32, #tpu.memory_space<vmem>>, vector<1x16xf32>,
        %parallel_loop3A_733 = vector.shape_cast %parallel_loop3A_732 : vector<1x16xf32> to vector<16xf32>
        %parallel_loop3A_734 = arith.constant 384 : i32
        %parallel_loop3A_735 = arith.addi %parallel_loop3A_559, %parallel_loop3A_734 : i32
        %parallel_loop3A_736 = arith.index_cast %parallel_loop3A_735 : i32 to index
        %parallel_loop3A_737 = arith.constant 0 : index
        %parallel_loop3A_738 = tpu.vector_load %arg16[%parallel_loop3A_736, %parallel_loop3A_737] {strides = array<i32>} : memref<512x32xf32, #tpu.memory_space<vmem>>, vector<1x16xf32>,
        %parallel_loop3A_739 = vector.shape_cast %parallel_loop3A_738 : vector<1x16xf32> to vector<16xf32>
        %parallel_loop3A_740 = arith.addf %parallel_loop3A_733, %parallel_loop3A_739 : vector<16xf32>
        %parallel_loop3A_741 = arith.index_cast %parallel_loop3A_559 : i32 to index
        %parallel_loop3A_742 = arith.constant 96 : index
        %parallel_loop3A_743 = tpu.vector_load %arg12[%parallel_loop3A_741, %parallel_loop3A_742] {strides = array<i32>} : memref<128x128xf32, #tpu.memory_space<vmem>>, vector<1x16xf32>,
        %parallel_loop3A_744 = vector.shape_cast %parallel_loop3A_743 : vector<1x16xf32> to vector<16xf32>
        %parallel_loop3A_745 = arith.addf %parallel_loop3A_740, %parallel_loop3A_744 : vector<16xf32>
        %parallel_loop3A_746 = arith.constant 0.000000e+00 : f32
        %parallel_loop3A_747 = vector.broadcast %parallel_loop3A_746 : f32 to vector<16xf32>
        %parallel_loop3A_748 = arith.maximumf %parallel_loop3A_745, %parallel_loop3A_747 : vector<16xf32>
        %parallel_loop3A_749 = arith.constant 384 : i32
        %parallel_loop3A_750 = arith.addi %parallel_loop3A_559, %parallel_loop3A_749 : i32
        %parallel_loop3A_751 = arith.index_cast %parallel_loop3A_750 : i32 to index
        %parallel_loop3A_752 = arith.constant 0 : index
        %parallel_loop3A_753 = tpu.vector_load %arg14[%parallel_loop3A_751, %parallel_loop3A_752] {strides = array<i32>} : memref<512x32xf32, #tpu.memory_space<vmem>>, vector<1x16xf32>,
        %parallel_loop3A_754 = vector.shape_cast %parallel_loop3A_753 : vector<1x16xf32> to vector<16xf32>
        %parallel_loop3A_755 = vector.shape_cast %parallel_loop3A_748 : vector<16xf32> to vector<1x16xf32>
        tpu.vector_store %arg14[%parallel_loop3A_751, %parallel_loop3A_752], %parallel_loop3A_755 {strides = array<i32>} : memref<512x32xf32, #tpu.memory_space<vmem>>, vector<1x16xf32>,
        %parallel_loop3A_756 = arith.constant 384 : i32
        %parallel_loop3A_757 = arith.addi %parallel_loop3A_559, %parallel_loop3A_756 : i32
        %parallel_loop3A_758 = arith.index_cast %parallel_loop3A_757 : i32 to index
        %parallel_loop3A_759 = arith.constant 16 : index
        %parallel_loop3A_760 = tpu.vector_load %arg14[%parallel_loop3A_758, %parallel_loop3A_759] {strides = array<i32>} : memref<512x32xf32, #tpu.memory_space<vmem>>, vector<1x16xf32>,
        %parallel_loop3A_761 = vector.shape_cast %parallel_loop3A_760 : vector<1x16xf32> to vector<16xf32>
        %parallel_loop3A_762 = arith.constant 384 : i32
        %parallel_loop3A_763 = arith.addi %parallel_loop3A_559, %parallel_loop3A_762 : i32
        %parallel_loop3A_764 = arith.index_cast %parallel_loop3A_763 : i32 to index
        %parallel_loop3A_765 = arith.constant 16 : index
        %parallel_loop3A_766 = tpu.vector_load %arg16[%parallel_loop3A_764, %parallel_loop3A_765] {strides = array<i32>} : memref<512x32xf32, #tpu.memory_space<vmem>>, vector<1x16xf32>,
        %parallel_loop3A_767 = vector.shape_cast %parallel_loop3A_766 : vector<1x16xf32> to vector<16xf32>
        %parallel_loop3A_768 = arith.addf %parallel_loop3A_761, %parallel_loop3A_767 : vector<16xf32>
        %parallel_loop3A_769 = arith.index_cast %parallel_loop3A_559 : i32 to index
        %parallel_loop3A_770 = arith.constant 112 : index
        %parallel_loop3A_771 = tpu.vector_load %arg12[%parallel_loop3A_769, %parallel_loop3A_770] {strides = array<i32>} : memref<128x128xf32, #tpu.memory_space<vmem>>, vector<1x16xf32>,
        %parallel_loop3A_772 = vector.shape_cast %parallel_loop3A_771 : vector<1x16xf32> to vector<16xf32>
        %parallel_loop3A_773 = arith.addf %parallel_loop3A_768, %parallel_loop3A_772 : vector<16xf32>
        %parallel_loop3A_774 = arith.constant 0.000000e+00 : f32
        %parallel_loop3A_775 = vector.broadcast %parallel_loop3A_774 : f32 to vector<16xf32>
        %parallel_loop3A_776 = arith.maximumf %parallel_loop3A_773, %parallel_loop3A_775 : vector<16xf32>
        %parallel_loop3A_777 = arith.constant 384 : i32
        %parallel_loop3A_778 = arith.addi %parallel_loop3A_559, %parallel_loop3A_777 : i32
        %parallel_loop3A_779 = arith.index_cast %parallel_loop3A_778 : i32 to index
        %parallel_loop3A_780 = arith.constant 16 : index
        %parallel_loop3A_781 = tpu.vector_load %arg14[%parallel_loop3A_779, %parallel_loop3A_780] {strides = array<i32>} : memref<512x32xf32, #tpu.memory_space<vmem>>, vector<1x16xf32>,
        %parallel_loop3A_782 = vector.shape_cast %parallel_loop3A_781 : vector<1x16xf32> to vector<16xf32>
        %parallel_loop3A_783 = vector.shape_cast %parallel_loop3A_776 : vector<16xf32> to vector<1x16xf32>
        tpu.vector_store %arg14[%parallel_loop3A_779, %parallel_loop3A_780], %parallel_loop3A_783 {strides = array<i32>} : memref<512x32xf32, #tpu.memory_space<vmem>>, vector<1x16xf32>,
      } {sc.loop_unroll_factor = 8 : i64, sc.parallel_access}
      %dma_start3A_384 = arith.constant 0 : i32
      %dma_start3A_385 = arith.constant 0 : i32
      %dma_start3A_386 = arith.constant 0 : i32
      %dma_start3A_387 = tpu.memref_slice %arg14[%dma_start3A_385, %dma_start3A_386] : memref<512x32xf32, #tpu.memory_space<vmem>> -> memref<128x32xf32, #tpu.memory_space<vmem>>
      %dma_start3A_388 = arith.constant 0 : i32
      %dma_start3A_389 = tpu.memref_slice %arg8[%dma_start3A_384, %dma_start3A_388] : memref<4x128xi32, #tpu.memory_space<vmem>> -> memref<1x128xi32, #tpu.memory_space<vmem>>
      %dma_start3A_390 = tpu.memref_squeeze %dma_start3A_389 : memref<1x128xi32, #tpu.memory_space<vmem>> -> memref<128xi32, #tpu.memory_space<vmem>>
      %dma_start3A_391 = arith.constant 0 : i32
      %dma_start3A_392 = arith.constant 0 : i32
      %dma_start3A_393 = tpu.memref_slice %arg18[%dma_start3A_391, %dma_start3A_392] : memref<10016x32xf32, #tpu.memory_space<vmem_shared>> -> memref<10016x32xf32, #tpu.memory_space<vmem_shared>>
      tpu.enqueue_indirect_dma source(%dma_start3A_387 : memref<128x32xf32, #tpu.memory_space<vmem>>) target(%dma_start3A_393 : memref<10016x32xf32, #tpu.memory_space<vmem_shared>>) offsets(%dma_start3A_390 : memref<128xi32, #tpu.memory_space<vmem>>) semaphore(%arg21 : memref<!tpu.dma_semaphore, #tpu.memory_space<semaphore_mem>>) {add = true}
      %dma_start3A_394 = arith.constant 1 : i32
      %dma_start3A_395 = arith.constant 128 : i32
      %dma_start3A_396 = arith.constant 0 : i32
      %dma_start3A_397 = tpu.memref_slice %arg14[%dma_start3A_395, %dma_start3A_396] : memref<512x32xf32, #tpu.memory_space<vmem>> -> memref<128x32xf32, #tpu.memory_space<vmem>>
      %dma_start3A_398 = arith.constant 0 : i32
      %dma_start3A_399 = tpu.memref_slice %arg8[%dma_start3A_394, %dma_start3A_398] : memref<4x128xi32, #tpu.memory_space<vmem>> -> memref<1x128xi32, #tpu.memory_space<vmem>>
      %dma_start3A_400 = tpu.memref_squeeze %dma_start3A_399 : memref<1x128xi32, #tpu.memory_space<vmem>> -> memref<128xi32, #tpu.memory_space<vmem>>
      %dma_start3A_401 = arith.constant 0 : i32
      %dma_start3A_402 = arith.constant 0 : i32
      %dma_start3A_403 = tpu.memref_slice %arg18[%dma_start3A_401, %dma_start3A_402] : memref<10016x32xf32, #tpu.memory_space<vmem_shared>> -> memref<10016x32xf32, #tpu.memory_space<vmem_shared>>
      tpu.enqueue_indirect_dma source(%dma_start3A_397 : memref<128x32xf32, #tpu.memory_space<vmem>>) target(%dma_start3A_403 : memref<10016x32xf32, #tpu.memory_space<vmem_shared>>) offsets(%dma_start3A_400 : memref<128xi32, #tpu.memory_space<vmem>>) semaphore(%arg21 : memref<!tpu.dma_semaphore, #tpu.memory_space<semaphore_mem>>) {add = true}
      %dma_start3A_404 = arith.constant 2 : i32
      %dma_start3A_405 = arith.constant 256 : i32
      %dma_start3A_406 = arith.constant 0 : i32
      %dma_start3A_407 = tpu.memref_slice %arg14[%dma_start3A_405, %dma_start3A_406] : memref<512x32xf32, #tpu.memory_space<vmem>> -> memref<128x32xf32, #tpu.memory_space<vmem>>
      %dma_start3A_408 = arith.constant 0 : i32
      %dma_start3A_409 = tpu.memref_slice %arg8[%dma_start3A_404, %dma_start3A_408] : memref<4x128xi32, #tpu.memory_space<vmem>> -> memref<1x128xi32, #tpu.memory_space<vmem>>
      %dma_start3A_410 = tpu.memref_squeeze %dma_start3A_409 : memref<1x128xi32, #tpu.memory_space<vmem>> -> memref<128xi32, #tpu.memory_space<vmem>>
      %dma_start3A_411 = arith.constant 0 : i32
      %dma_start3A_412 = arith.constant 0 : i32
      %dma_start3A_413 = tpu.memref_slice %arg18[%dma_start3A_411, %dma_start3A_412] : memref<10016x32xf32, #tpu.memory_space<vmem_shared>> -> memref<10016x32xf32, #tpu.memory_space<vmem_shared>>
      tpu.enqueue_indirect_dma source(%dma_start3A_407 : memref<128x32xf32, #tpu.memory_space<vmem>>) target(%dma_start3A_413 : memref<10016x32xf32, #tpu.memory_space<vmem_shared>>) offsets(%dma_start3A_410 : memref<128xi32, #tpu.memory_space<vmem>>) semaphore(%arg21 : memref<!tpu.dma_semaphore, #tpu.memory_space<semaphore_mem>>) {add = true}
      %dma_start3A_414 = arith.constant 3 : i32
      %dma_start3A_415 = arith.constant 384 : i32
      %dma_start3A_416 = arith.constant 0 : i32
      %dma_start3A_417 = tpu.memref_slice %arg14[%dma_start3A_415, %dma_start3A_416] : memref<512x32xf32, #tpu.memory_space<vmem>> -> memref<128x32xf32, #tpu.memory_space<vmem>>
      %dma_start3A_418 = arith.constant 0 : i32
      %dma_start3A_419 = tpu.memref_slice %arg8[%dma_start3A_414, %dma_start3A_418] : memref<4x128xi32, #tpu.memory_space<vmem>> -> memref<1x128xi32, #tpu.memory_space<vmem>>
      %dma_start3A_420 = tpu.memref_squeeze %dma_start3A_419 : memref<1x128xi32, #tpu.memory_space<vmem>> -> memref<128xi32, #tpu.memory_space<vmem>>
      %dma_start3A_421 = arith.constant 0 : i32
      %dma_start3A_422 = arith.constant 0 : i32
      %dma_start3A_423 = tpu.memref_slice %arg18[%dma_start3A_421, %dma_start3A_422] : memref<10016x32xf32, #tpu.memory_space<vmem_shared>> -> memref<10016x32xf32, #tpu.memory_space<vmem_shared>>
      tpu.enqueue_indirect_dma source(%dma_start3A_417 : memref<128x32xf32, #tpu.memory_space<vmem>>) target(%dma_start3A_423 : memref<10016x32xf32, #tpu.memory_space<vmem_shared>>) offsets(%dma_start3A_420 : memref<128xi32, #tpu.memory_space<vmem>>) semaphore(%arg21 : memref<!tpu.dma_semaphore, #tpu.memory_space<semaphore_mem>>) {add = true}
      %lt3A = arith.constant 9 : i32
      %lt3A_424 = arith.cmpi slt, %scan3A_198, %lt3A : i32
      %convert_element_type3A_425 = arith.extui %lt3A_424 : i1 to i32
      %cond3A_426 = arith.constant 0 : i32
      %cond3A_427 = arith.cmpi ne, %convert_element_type3A_425, %cond3A_426 : i32
      scf.if %cond3A_427 {
        %dma_wait3A_559 = arith.constant 0 : i32
        %dma_wait3A_560 = arith.constant 0 : i32
        %dma_wait3A_561 = arith.constant 0 : i32
        %dma_wait3A_562 = tpu.memref_slice %arg14[%dma_wait3A_560, %dma_wait3A_561] : memref<512x32xf32, #tpu.memory_space<vmem>> -> memref<128x32xf32, #tpu.memory_space<vmem>>
        %dma_wait3A_563 = arith.constant 0 : i32
        %dma_wait3A_564 = tpu.memref_slice %arg8[%dma_wait3A_559, %dma_wait3A_563] : memref<4x128xi32, #tpu.memory_space<vmem>> -> memref<1x128xi32, #tpu.memory_space<vmem>>
        %dma_wait3A_565 = tpu.memref_squeeze %dma_wait3A_564 : memref<1x128xi32, #tpu.memory_space<vmem>> -> memref<128xi32, #tpu.memory_space<vmem>>
        %dma_wait3A_566 = arith.constant 0 : i32
        %dma_wait3A_567 = arith.constant 0 : i32
        %dma_wait3A_568 = tpu.memref_slice %arg18[%dma_wait3A_566, %dma_wait3A_567] : memref<10016x32xf32, #tpu.memory_space<vmem_shared>> -> memref<10016x32xf32, #tpu.memory_space<vmem_shared>>
        tpu.wait_indirect_dma semaphore(%arg21 : memref<!tpu.dma_semaphore, #tpu.memory_space<semaphore_mem>>) src(%dma_wait3A_562 : memref<128x32xf32, #tpu.memory_space<vmem>>) dst(%dma_wait3A_568 : memref<10016x32xf32, #tpu.memory_space<vmem_shared>>)
        %dma_wait3A_569 = arith.constant 1 : i32
        %dma_wait3A_570 = arith.constant 128 : i32
        %dma_wait3A_571 = arith.constant 0 : i32
        %dma_wait3A_572 = tpu.memref_slice %arg14[%dma_wait3A_570, %dma_wait3A_571] : memref<512x32xf32, #tpu.memory_space<vmem>> -> memref<128x32xf32, #tpu.memory_space<vmem>>
        %dma_wait3A_573 = arith.constant 0 : i32
        %dma_wait3A_574 = tpu.memref_slice %arg8[%dma_wait3A_569, %dma_wait3A_573] : memref<4x128xi32, #tpu.memory_space<vmem>> -> memref<1x128xi32, #tpu.memory_space<vmem>>
        %dma_wait3A_575 = tpu.memref_squeeze %dma_wait3A_574 : memref<1x128xi32, #tpu.memory_space<vmem>> -> memref<128xi32, #tpu.memory_space<vmem>>
        %dma_wait3A_576 = arith.constant 0 : i32
        %dma_wait3A_577 = arith.constant 0 : i32
        %dma_wait3A_578 = tpu.memref_slice %arg18[%dma_wait3A_576, %dma_wait3A_577] : memref<10016x32xf32, #tpu.memory_space<vmem_shared>> -> memref<10016x32xf32, #tpu.memory_space<vmem_shared>>
        tpu.wait_indirect_dma semaphore(%arg21 : memref<!tpu.dma_semaphore, #tpu.memory_space<semaphore_mem>>) src(%dma_wait3A_572 : memref<128x32xf32, #tpu.memory_space<vmem>>) dst(%dma_wait3A_578 : memref<10016x32xf32, #tpu.memory_space<vmem_shared>>)
        %dma_wait3A_579 = arith.constant 2 : i32
        %dma_wait3A_580 = arith.constant 256 : i32
        %dma_wait3A_581 = arith.constant 0 : i32
        %dma_wait3A_582 = tpu.memref_slice %arg14[%dma_wait3A_580, %dma_wait3A_581] : memref<512x32xf32, #tpu.memory_space<vmem>> -> memref<128x32xf32, #tpu.memory_space<vmem>>
        %dma_wait3A_583 = arith.constant 0 : i32
        %dma_wait3A_584 = tpu.memref_slice %arg8[%dma_wait3A_579, %dma_wait3A_583] : memref<4x128xi32, #tpu.memory_space<vmem>> -> memref<1x128xi32, #tpu.memory_space<vmem>>
        %dma_wait3A_585 = tpu.memref_squeeze %dma_wait3A_584 : memref<1x128xi32, #tpu.memory_space<vmem>> -> memref<128xi32, #tpu.memory_space<vmem>>
        %dma_wait3A_586 = arith.constant 0 : i32
        %dma_wait3A_587 = arith.constant 0 : i32
        %dma_wait3A_588 = tpu.memref_slice %arg18[%dma_wait3A_586, %dma_wait3A_587] : memref<10016x32xf32, #tpu.memory_space<vmem_shared>> -> memref<10016x32xf32, #tpu.memory_space<vmem_shared>>
        tpu.wait_indirect_dma semaphore(%arg21 : memref<!tpu.dma_semaphore, #tpu.memory_space<semaphore_mem>>) src(%dma_wait3A_582 : memref<128x32xf32, #tpu.memory_space<vmem>>) dst(%dma_wait3A_588 : memref<10016x32xf32, #tpu.memory_space<vmem_shared>>)
        %dma_wait3A_589 = arith.constant 3 : i32
        %dma_wait3A_590 = arith.constant 384 : i32
        %dma_wait3A_591 = arith.constant 0 : i32
        %dma_wait3A_592 = tpu.memref_slice %arg14[%dma_wait3A_590, %dma_wait3A_591] : memref<512x32xf32, #tpu.memory_space<vmem>> -> memref<128x32xf32, #tpu.memory_space<vmem>>
        %dma_wait3A_593 = arith.constant 0 : i32
        %dma_wait3A_594 = tpu.memref_slice %arg8[%dma_wait3A_589, %dma_wait3A_593] : memref<4x128xi32, #tpu.memory_space<vmem>> -> memref<1x128xi32, #tpu.memory_space<vmem>>
        %dma_wait3A_595 = tpu.memref_squeeze %dma_wait3A_594 : memref<1x128xi32, #tpu.memory_space<vmem>> -> memref<128xi32, #tpu.memory_space<vmem>>
        %dma_wait3A_596 = arith.constant 0 : i32
        %dma_wait3A_597 = arith.constant 0 : i32
        %dma_wait3A_598 = tpu.memref_slice %arg18[%dma_wait3A_596, %dma_wait3A_597] : memref<10016x32xf32, #tpu.memory_space<vmem_shared>> -> memref<10016x32xf32, #tpu.memory_space<vmem_shared>>
        tpu.wait_indirect_dma semaphore(%arg21 : memref<!tpu.dma_semaphore, #tpu.memory_space<semaphore_mem>>) src(%dma_wait3A_592 : memref<128x32xf32, #tpu.memory_space<vmem>>) dst(%dma_wait3A_598 : memref<10016x32xf32, #tpu.memory_space<vmem_shared>>)
        %add3A_599 = arith.constant 2 : i32
        %add3A_600 = arith.addi %add3A_201, %add3A_599 : i32
        %mul3A_601 = arith.constant 4 : i32
        %mul3A_602 = arith.muli %add3A_600, %mul3A_601 : i32
        "tpu.region"() ({
          %run_scoped3A = tpu.sem_alloc : memref<!tpu.dma_semaphore, #tpu.memory_space<semaphore_mem>>
          %dma_start3A_689 = arith.constant 0 : i32
          %dma_start3A_690 = tpu.memref_slice %arg5[%mul3A_602, %dma_start3A_689] : memref<2560x128xi32, #tpu.memory_space<hbm>> -> memref<4x128xi32, #tpu.memory_space<hbm>>
          %dma_start3A_691 = arith.constant 0 : i32
          %dma_start3A_692 = tpu.memref_slice %arg5[%mul3A_602, %dma_start3A_691] : memref<2560x128xi32, #tpu.memory_space<hbm>> -> memref<4x128xi32, #tpu.memory_space<hbm>>
          tpu.enqueue_dma source(%dma_start3A_692 : memref<4x128xi32, #tpu.memory_space<hbm>>) target(%arg8 : memref<4x128xi32, #tpu.memory_space<vmem>>) target_semaphore(%run_scoped3A : memref<!tpu.dma_semaphore, #tpu.memory_space<semaphore_mem>>)
          %dma_wait3A_693 = arith.constant 0 : i32
          %dma_wait3A_694 = tpu.memref_slice %arg5[%mul3A_602, %dma_wait3A_693] : memref<2560x128xi32, #tpu.memory_space<hbm>> -> memref<4x128xi32, #tpu.memory_space<hbm>>
          %dma_wait3A_695 = arith.constant 0 : i32
          %dma_wait3A_696 = tpu.memref_slice %arg5[%mul3A_602, %dma_wait3A_695] : memref<2560x128xi32, #tpu.memory_space<hbm>> -> memref<4x128xi32, #tpu.memory_space<hbm>>
          tpu.wait_dma2 semaphore(%run_scoped3A : memref<!tpu.dma_semaphore, #tpu.memory_space<semaphore_mem>>) src(%dma_wait3A_696 : memref<4x128xi32, #tpu.memory_space<hbm>>) dst(%arg8 : memref<4x128xi32, #tpu.memory_space<vmem>>)
          tpu.yield
        }) : () -> ()
        "tpu.region"() ({
          %run_scoped3A = tpu.sem_alloc : memref<!tpu.dma_semaphore, #tpu.memory_space<semaphore_mem>>
          %dma_start3A_689 = arith.constant 0 : i32
          %dma_start3A_690 = tpu.memref_slice %arg6[%mul3A_602, %dma_start3A_689] : memref<2560x128xi32, #tpu.memory_space<hbm>> -> memref<4x128xi32, #tpu.memory_space<hbm>>
          %dma_start3A_691 = arith.constant 0 : i32
          %dma_start3A_692 = tpu.memref_slice %arg6[%mul3A_602, %dma_start3A_691] : memref<2560x128xi32, #tpu.memory_space<hbm>> -> memref<4x128xi32, #tpu.memory_space<hbm>>
          tpu.enqueue_dma source(%dma_start3A_692 : memref<4x128xi32, #tpu.memory_space<hbm>>) target(%arg10 : memref<4x128xi32, #tpu.memory_space<vmem>>) target_semaphore(%run_scoped3A : memref<!tpu.dma_semaphore, #tpu.memory_space<semaphore_mem>>)
          %dma_wait3A_693 = arith.constant 0 : i32
          %dma_wait3A_694 = tpu.memref_slice %arg6[%mul3A_602, %dma_wait3A_693] : memref<2560x128xi32, #tpu.memory_space<hbm>> -> memref<4x128xi32, #tpu.memory_space<hbm>>
          %dma_wait3A_695 = arith.constant 0 : i32
          %dma_wait3A_696 = tpu.memref_slice %arg6[%mul3A_602, %dma_wait3A_695] : memref<2560x128xi32, #tpu.memory_space<hbm>> -> memref<4x128xi32, #tpu.memory_space<hbm>>
          tpu.wait_dma2 semaphore(%run_scoped3A : memref<!tpu.dma_semaphore, #tpu.memory_space<semaphore_mem>>) src(%dma_wait3A_696 : memref<4x128xi32, #tpu.memory_space<hbm>>) dst(%arg10 : memref<4x128xi32, #tpu.memory_space<vmem>>)
          tpu.yield
        }) : () -> ()
        %mul3A_603 = arith.constant 128 : i32
        %mul3A_604 = arith.muli %add3A_600, %mul3A_603 : i32
        %dma_start3A_605 = arith.constant 0 : i32
        %dma_start3A_606 = tpu.memref_slice %arg4[%mul3A_604, %dma_start3A_605] : memref<81920x128xf32, #tpu.memory_space<hbm>> -> memref<128x128xf32, #tpu.memory_space<hbm>>
        %dma_start3A_607 = arith.constant 0 : i32
        %dma_start3A_608 = tpu.memref_slice %arg4[%mul3A_604, %dma_start3A_607] : memref<81920x128xf32, #tpu.memory_space<hbm>> -> memref<128x128xf32, #tpu.memory_space<hbm>>
        tpu.enqueue_dma source(%dma_start3A_608 : memref<128x128xf32, #tpu.memory_space<hbm>>) target(%arg12 : memref<128x128xf32, #tpu.memory_space<vmem>>) target_semaphore(%arg19 : memref<!tpu.dma_semaphore, #tpu.memory_space<semaphore_mem>>)
        %dma_start3A_609 = arith.constant 0 : i32
        %dma_start3A_610 = arith.constant 0 : i32
        %dma_start3A_611 = arith.constant 0 : i32
        %dma_start3A_612 = tpu.memref_slice %arg14[%dma_start3A_610, %dma_start3A_611] : memref<512x32xf32, #tpu.memory_space<vmem>> -> memref<128x32xf32, #tpu.memory_space<vmem>>
        %dma_start3A_613 = arith.constant 0 : i32
        %dma_start3A_614 = tpu.memref_slice %arg8[%dma_start3A_609, %dma_start3A_613] : memref<4x128xi32, #tpu.memory_space<vmem>> -> memref<1x128xi32, #tpu.memory_space<vmem>>
        %dma_start3A_615 = tpu.memref_squeeze %dma_start3A_614 : memref<1x128xi32, #tpu.memory_space<vmem>> -> memref<128xi32, #tpu.memory_space<vmem>>
        %dma_start3A_616 = arith.constant 0 : i32
        %dma_start3A_617 = arith.constant 0 : i32
        %dma_start3A_618 = tpu.memref_slice %arg2[%dma_start3A_616, %dma_start3A_617] : memref<10016x32xf32, #tpu.memory_space<hbm>> -> memref<10016x32xf32, #tpu.memory_space<hbm>>
        tpu.enqueue_indirect_dma source(%dma_start3A_618 : memref<10016x32xf32, #tpu.memory_space<hbm>>) target(%dma_start3A_612 : memref<128x32xf32, #tpu.memory_space<vmem>>) offsets(%dma_start3A_615 : memref<128xi32, #tpu.memory_space<vmem>>) semaphore(%arg19 : memref<!tpu.dma_semaphore, #tpu.memory_space<semaphore_mem>>)
        %dma_start3A_619 = arith.constant 0 : i32
        %dma_start3A_620 = arith.constant 0 : i32
        %dma_start3A_621 = arith.constant 0 : i32
        %dma_start3A_622 = tpu.memref_slice %arg16[%dma_start3A_620, %dma_start3A_621] : memref<512x32xf32, #tpu.memory_space<vmem>> -> memref<128x32xf32, #tpu.memory_space<vmem>>
        %dma_start3A_623 = arith.constant 0 : i32
        %dma_start3A_624 = tpu.memref_slice %arg10[%dma_start3A_619, %dma_start3A_623] : memref<4x128xi32, #tpu.memory_space<vmem>> -> memref<1x128xi32, #tpu.memory_space<vmem>>
        %dma_start3A_625 = tpu.memref_squeeze %dma_start3A_624 : memref<1x128xi32, #tpu.memory_space<vmem>> -> memref<128xi32, #tpu.memory_space<vmem>>
        %dma_start3A_626 = arith.constant 0 : i32
        %dma_start3A_627 = arith.constant 0 : i32
        %dma_start3A_628 = tpu.memref_slice %arg3[%dma_start3A_626, %dma_start3A_627] : memref<10016x32xf32, #tpu.memory_space<hbm>> -> memref<10016x32xf32, #tpu.memory_space<hbm>>
        tpu.enqueue_indirect_dma source(%dma_start3A_628 : memref<10016x32xf32, #tpu.memory_space<hbm>>) target(%dma_start3A_622 : memref<128x32xf32, #tpu.memory_space<vmem>>) offsets(%dma_start3A_625 : memref<128xi32, #tpu.memory_space<vmem>>) semaphore(%arg19 : memref<!tpu.dma_semaphore, #tpu.memory_space<semaphore_mem>>)
        %dma_start3A_629 = arith.constant 1 : i32
        %dma_start3A_630 = arith.constant 128 : i32
        %dma_start3A_631 = arith.constant 0 : i32
        %dma_start3A_632 = tpu.memref_slice %arg14[%dma_start3A_630, %dma_start3A_631] : memref<512x32xf32, #tpu.memory_space<vmem>> -> memref<128x32xf32, #tpu.memory_space<vmem>>
        %dma_start3A_633 = arith.constant 0 : i32
        %dma_start3A_634 = tpu.memref_slice %arg8[%dma_start3A_629, %dma_start3A_633] : memref<4x128xi32, #tpu.memory_space<vmem>> -> memref<1x128xi32, #tpu.memory_space<vmem>>
        %dma_start3A_635 = tpu.memref_squeeze %dma_start3A_634 : memref<1x128xi32, #tpu.memory_space<vmem>> -> memref<128xi32, #tpu.memory_space<vmem>>
        %dma_start3A_636 = arith.constant 0 : i32
        %dma_start3A_637 = arith.constant 0 : i32
        %dma_start3A_638 = tpu.memref_slice %arg2[%dma_start3A_636, %dma_start3A_637] : memref<10016x32xf32, #tpu.memory_space<hbm>> -> memref<10016x32xf32, #tpu.memory_space<hbm>>
        tpu.enqueue_indirect_dma source(%dma_start3A_638 : memref<10016x32xf32, #tpu.memory_space<hbm>>) target(%dma_start3A_632 : memref<128x32xf32, #tpu.memory_space<vmem>>) offsets(%dma_start3A_635 : memref<128xi32, #tpu.memory_space<vmem>>) semaphore(%arg19 : memref<!tpu.dma_semaphore, #tpu.memory_space<semaphore_mem>>)
        %dma_start3A_639 = arith.constant 1 : i32
        %dma_start3A_640 = arith.constant 128 : i32
        %dma_start3A_641 = arith.constant 0 : i32
        %dma_start3A_642 = tpu.memref_slice %arg16[%dma_start3A_640, %dma_start3A_641] : memref<512x32xf32, #tpu.memory_space<vmem>> -> memref<128x32xf32, #tpu.memory_space<vmem>>
        %dma_start3A_643 = arith.constant 0 : i32
        %dma_start3A_644 = tpu.memref_slice %arg10[%dma_start3A_639, %dma_start3A_643] : memref<4x128xi32, #tpu.memory_space<vmem>> -> memref<1x128xi32, #tpu.memory_space<vmem>>
        %dma_start3A_645 = tpu.memref_squeeze %dma_start3A_644 : memref<1x128xi32, #tpu.memory_space<vmem>> -> memref<128xi32, #tpu.memory_space<vmem>>
        %dma_start3A_646 = arith.constant 0 : i32
        %dma_start3A_647 = arith.constant 0 : i32
        %dma_start3A_648 = tpu.memref_slice %arg3[%dma_start3A_646, %dma_start3A_647] : memref<10016x32xf32, #tpu.memory_space<hbm>> -> memref<10016x32xf32, #tpu.memory_space<hbm>>
        tpu.enqueue_indirect_dma source(%dma_start3A_648 : memref<10016x32xf32, #tpu.memory_space<hbm>>) target(%dma_start3A_642 : memref<128x32xf32, #tpu.memory_space<vmem>>) offsets(%dma_start3A_645 : memref<128xi32, #tpu.memory_space<vmem>>) semaphore(%arg19 : memref<!tpu.dma_semaphore, #tpu.memory_space<semaphore_mem>>)
        %dma_start3A_649 = arith.constant 2 : i32
        %dma_start3A_650 = arith.constant 256 : i32
        %dma_start3A_651 = arith.constant 0 : i32
        %dma_start3A_652 = tpu.memref_slice %arg14[%dma_start3A_650, %dma_start3A_651] : memref<512x32xf32, #tpu.memory_space<vmem>> -> memref<128x32xf32, #tpu.memory_space<vmem>>
        %dma_start3A_653 = arith.constant 0 : i32
        %dma_start3A_654 = tpu.memref_slice %arg8[%dma_start3A_649, %dma_start3A_653] : memref<4x128xi32, #tpu.memory_space<vmem>> -> memref<1x128xi32, #tpu.memory_space<vmem>>
        %dma_start3A_655 = tpu.memref_squeeze %dma_start3A_654 : memref<1x128xi32, #tpu.memory_space<vmem>> -> memref<128xi32, #tpu.memory_space<vmem>>
        %dma_start3A_656 = arith.constant 0 : i32
        %dma_start3A_657 = arith.constant 0 : i32
        %dma_start3A_658 = tpu.memref_slice %arg2[%dma_start3A_656, %dma_start3A_657] : memref<10016x32xf32, #tpu.memory_space<hbm>> -> memref<10016x32xf32, #tpu.memory_space<hbm>>
        tpu.enqueue_indirect_dma source(%dma_start3A_658 : memref<10016x32xf32, #tpu.memory_space<hbm>>) target(%dma_start3A_652 : memref<128x32xf32, #tpu.memory_space<vmem>>) offsets(%dma_start3A_655 : memref<128xi32, #tpu.memory_space<vmem>>) semaphore(%arg19 : memref<!tpu.dma_semaphore, #tpu.memory_space<semaphore_mem>>)
        %dma_start3A_659 = arith.constant 2 : i32
        %dma_start3A_660 = arith.constant 256 : i32
        %dma_start3A_661 = arith.constant 0 : i32
        %dma_start3A_662 = tpu.memref_slice %arg16[%dma_start3A_660, %dma_start3A_661] : memref<512x32xf32, #tpu.memory_space<vmem>> -> memref<128x32xf32, #tpu.memory_space<vmem>>
        %dma_start3A_663 = arith.constant 0 : i32
        %dma_start3A_664 = tpu.memref_slice %arg10[%dma_start3A_659, %dma_start3A_663] : memref<4x128xi32, #tpu.memory_space<vmem>> -> memref<1x128xi32, #tpu.memory_space<vmem>>
        %dma_start3A_665 = tpu.memref_squeeze %dma_start3A_664 : memref<1x128xi32, #tpu.memory_space<vmem>> -> memref<128xi32, #tpu.memory_space<vmem>>
        %dma_start3A_666 = arith.constant 0 : i32
        %dma_start3A_667 = arith.constant 0 : i32
        %dma_start3A_668 = tpu.memref_slice %arg3[%dma_start3A_666, %dma_start3A_667] : memref<10016x32xf32, #tpu.memory_space<hbm>> -> memref<10016x32xf32, #tpu.memory_space<hbm>>
        tpu.enqueue_indirect_dma source(%dma_start3A_668 : memref<10016x32xf32, #tpu.memory_space<hbm>>) target(%dma_start3A_662 : memref<128x32xf32, #tpu.memory_space<vmem>>) offsets(%dma_start3A_665 : memref<128xi32, #tpu.memory_space<vmem>>) semaphore(%arg19 : memref<!tpu.dma_semaphore, #tpu.memory_space<semaphore_mem>>)
        %dma_start3A_669 = arith.constant 3 : i32
        %dma_start3A_670 = arith.constant 384 : i32
        %dma_start3A_671 = arith.constant 0 : i32
        %dma_start3A_672 = tpu.memref_slice %arg14[%dma_start3A_670, %dma_start3A_671] : memref<512x32xf32, #tpu.memory_space<vmem>> -> memref<128x32xf32, #tpu.memory_space<vmem>>
        %dma_start3A_673 = arith.constant 0 : i32
        %dma_start3A_674 = tpu.memref_slice %arg8[%dma_start3A_669, %dma_start3A_673] : memref<4x128xi32, #tpu.memory_space<vmem>> -> memref<1x128xi32, #tpu.memory_space<vmem>>
        %dma_start3A_675 = tpu.memref_squeeze %dma_start3A_674 : memref<1x128xi32, #tpu.memory_space<vmem>> -> memref<128xi32, #tpu.memory_space<vmem>>
        %dma_start3A_676 = arith.constant 0 : i32
        %dma_start3A_677 = arith.constant 0 : i32
        %dma_start3A_678 = tpu.memref_slice %arg2[%dma_start3A_676, %dma_start3A_677] : memref<10016x32xf32, #tpu.memory_space<hbm>> -> memref<10016x32xf32, #tpu.memory_space<hbm>>
        tpu.enqueue_indirect_dma source(%dma_start3A_678 : memref<10016x32xf32, #tpu.memory_space<hbm>>) target(%dma_start3A_672 : memref<128x32xf32, #tpu.memory_space<vmem>>) offsets(%dma_start3A_675 : memref<128xi32, #tpu.memory_space<vmem>>) semaphore(%arg19 : memref<!tpu.dma_semaphore, #tpu.memory_space<semaphore_mem>>)
        %dma_start3A_679 = arith.constant 3 : i32
        %dma_start3A_680 = arith.constant 384 : i32
        %dma_start3A_681 = arith.constant 0 : i32
        %dma_start3A_682 = tpu.memref_slice %arg16[%dma_start3A_680, %dma_start3A_681] : memref<512x32xf32, #tpu.memory_space<vmem>> -> memref<128x32xf32, #tpu.memory_space<vmem>>
        %dma_start3A_683 = arith.constant 0 : i32
        %dma_start3A_684 = tpu.memref_slice %arg10[%dma_start3A_679, %dma_start3A_683] : memref<4x128xi32, #tpu.memory_space<vmem>> -> memref<1x128xi32, #tpu.memory_space<vmem>>
        %dma_start3A_685 = tpu.memref_squeeze %dma_start3A_684 : memref<1x128xi32, #tpu.memory_space<vmem>> -> memref<128xi32, #tpu.memory_space<vmem>>
        %dma_start3A_686 = arith.constant 0 : i32
        %dma_start3A_687 = arith.constant 0 : i32
        %dma_start3A_688 = tpu.memref_slice %arg3[%dma_start3A_686, %dma_start3A_687] : memref<10016x32xf32, #tpu.memory_space<hbm>> -> memref<10016x32xf32, #tpu.memory_space<hbm>>
        tpu.enqueue_indirect_dma source(%dma_start3A_688 : memref<10016x32xf32, #tpu.memory_space<hbm>>) target(%dma_start3A_682 : memref<128x32xf32, #tpu.memory_space<vmem>>) offsets(%dma_start3A_685 : memref<128xi32, #tpu.memory_space<vmem>>) semaphore(%arg19 : memref<!tpu.dma_semaphore, #tpu.memory_space<semaphore_mem>>)
      } else {
      }
      %add3A_428 = arith.constant 1 : i32
      %add3A_429 = arith.addi %add3A_201, %add3A_428 : i32
      %mul3A_430 = arith.constant 128 : i32
      %mul3A_431 = arith.muli %add3A_429, %mul3A_430 : i32
      %dma_wait3A_432 = arith.constant 0 : i32
      %dma_wait3A_433 = tpu.memref_slice %arg4[%mul3A_431, %dma_wait3A_432] : memref<81920x128xf32, #tpu.memory_space<hbm>> -> memref<128x128xf32, #tpu.memory_space<hbm>>
      %dma_wait3A_434 = arith.constant 0 : i32
      %dma_wait3A_435 = tpu.memref_slice %arg4[%mul3A_431, %dma_wait3A_434] : memref<81920x128xf32, #tpu.memory_space<hbm>> -> memref<128x128xf32, #tpu.memory_space<hbm>>
      tpu.wait_dma2 semaphore(%arg20 : memref<!tpu.dma_semaphore, #tpu.memory_space<semaphore_mem>>) src(%dma_wait3A_435 : memref<128x128xf32, #tpu.memory_space<hbm>>) dst(%arg13 : memref<128x128xf32, #tpu.memory_space<vmem>>)
      %dma_wait3A_436 = arith.constant 0 : i32
      %dma_wait3A_437 = arith.constant 0 : i32
      %dma_wait3A_438 = arith.constant 0 : i32
      %dma_wait3A_439 = tpu.memref_slice %arg15[%dma_wait3A_437, %dma_wait3A_438] : memref<512x32xf32, #tpu.memory_space<vmem>> -> memref<128x32xf32, #tpu.memory_space<vmem>>
      %dma_wait3A_440 = arith.constant 0 : i32
      %dma_wait3A_441 = tpu.memref_slice %arg9[%dma_wait3A_436, %dma_wait3A_440] : memref<4x128xi32, #tpu.memory_space<vmem>> -> memref<1x128xi32, #tpu.memory_space<vmem>>
      %dma_wait3A_442 = tpu.memref_squeeze %dma_wait3A_441 : memref<1x128xi32, #tpu.memory_space<vmem>> -> memref<128xi32, #tpu.memory_space<vmem>>
      %dma_wait3A_443 = arith.constant 0 : i32
      %dma_wait3A_444 = arith.constant 0 : i32
      %dma_wait3A_445 = tpu.memref_slice %arg2[%dma_wait3A_443, %dma_wait3A_444] : memref<10016x32xf32, #tpu.memory_space<hbm>> -> memref<10016x32xf32, #tpu.memory_space<hbm>>
      tpu.wait_indirect_dma semaphore(%arg20 : memref<!tpu.dma_semaphore, #tpu.memory_space<semaphore_mem>>) src(%dma_wait3A_445 : memref<10016x32xf32, #tpu.memory_space<hbm>>) dst(%dma_wait3A_439 : memref<128x32xf32, #tpu.memory_space<vmem>>)
      %dma_wait3A_446 = arith.constant 0 : i32
      %dma_wait3A_447 = arith.constant 0 : i32
      %dma_wait3A_448 = arith.constant 0 : i32
      %dma_wait3A_449 = tpu.memref_slice %arg17[%dma_wait3A_447, %dma_wait3A_448] : memref<512x32xf32, #tpu.memory_space<vmem>> -> memref<128x32xf32, #tpu.memory_space<vmem>>
      %dma_wait3A_450 = arith.constant 0 : i32
      %dma_wait3A_451 = tpu.memref_slice %arg11[%dma_wait3A_446, %dma_wait3A_450] : memref<4x128xi32, #tpu.memory_space<vmem>> -> memref<1x128xi32, #tpu.memory_space<vmem>>
      %dma_wait3A_452 = tpu.memref_squeeze %dma_wait3A_451 : memref<1x128xi32, #tpu.memory_space<vmem>> -> memref<128xi32, #tpu.memory_space<vmem>>
      %dma_wait3A_453 = arith.constant 0 : i32
      %dma_wait3A_454 = arith.constant 0 : i32
      %dma_wait3A_455 = tpu.memref_slice %arg3[%dma_wait3A_453, %dma_wait3A_454] : memref<10016x32xf32, #tpu.memory_space<hbm>> -> memref<10016x32xf32, #tpu.memory_space<hbm>>
      tpu.wait_indirect_dma semaphore(%arg20 : memref<!tpu.dma_semaphore, #tpu.memory_space<semaphore_mem>>) src(%dma_wait3A_455 : memref<10016x32xf32, #tpu.memory_space<hbm>>) dst(%dma_wait3A_449 : memref<128x32xf32, #tpu.memory_space<vmem>>)
      %dma_wait3A_456 = arith.constant 1 : i32
      %dma_wait3A_457 = arith.constant 128 : i32
      %dma_wait3A_458 = arith.constant 0 : i32
      %dma_wait3A_459 = tpu.memref_slice %arg15[%dma_wait3A_457, %dma_wait3A_458] : memref<512x32xf32, #tpu.memory_space<vmem>> -> memref<128x32xf32, #tpu.memory_space<vmem>>
      %dma_wait3A_460 = arith.constant 0 : i32
      %dma_wait3A_461 = tpu.memref_slice %arg9[%dma_wait3A_456, %dma_wait3A_460] : memref<4x128xi32, #tpu.memory_space<vmem>> -> memref<1x128xi32, #tpu.memory_space<vmem>>
      %dma_wait3A_462 = tpu.memref_squeeze %dma_wait3A_461 : memref<1x128xi32, #tpu.memory_space<vmem>> -> memref<128xi32, #tpu.memory_space<vmem>>
      %dma_wait3A_463 = arith.constant 0 : i32
      %dma_wait3A_464 = arith.constant 0 : i32
      %dma_wait3A_465 = tpu.memref_slice %arg2[%dma_wait3A_463, %dma_wait3A_464] : memref<10016x32xf32, #tpu.memory_space<hbm>> -> memref<10016x32xf32, #tpu.memory_space<hbm>>
      tpu.wait_indirect_dma semaphore(%arg20 : memref<!tpu.dma_semaphore, #tpu.memory_space<semaphore_mem>>) src(%dma_wait3A_465 : memref<10016x32xf32, #tpu.memory_space<hbm>>) dst(%dma_wait3A_459 : memref<128x32xf32, #tpu.memory_space<vmem>>)
      %dma_wait3A_466 = arith.constant 1 : i32
      %dma_wait3A_467 = arith.constant 128 : i32
      %dma_wait3A_468 = arith.constant 0 : i32
      %dma_wait3A_469 = tpu.memref_slice %arg17[%dma_wait3A_467, %dma_wait3A_468] : memref<512x32xf32, #tpu.memory_space<vmem>> -> memref<128x32xf32, #tpu.memory_space<vmem>>
      %dma_wait3A_470 = arith.constant 0 : i32
      %dma_wait3A_471 = tpu.memref_slice %arg11[%dma_wait3A_466, %dma_wait3A_470] : memref<4x128xi32, #tpu.memory_space<vmem>> -> memref<1x128xi32, #tpu.memory_space<vmem>>
      %dma_wait3A_472 = tpu.memref_squeeze %dma_wait3A_471 : memref<1x128xi32, #tpu.memory_space<vmem>> -> memref<128xi32, #tpu.memory_space<vmem>>
      %dma_wait3A_473 = arith.constant 0 : i32
      %dma_wait3A_474 = arith.constant 0 : i32
      %dma_wait3A_475 = tpu.memref_slice %arg3[%dma_wait3A_473, %dma_wait3A_474] : memref<10016x32xf32, #tpu.memory_space<hbm>> -> memref<10016x32xf32, #tpu.memory_space<hbm>>
      tpu.wait_indirect_dma semaphore(%arg20 : memref<!tpu.dma_semaphore, #tpu.memory_space<semaphore_mem>>) src(%dma_wait3A_475 : memref<10016x32xf32, #tpu.memory_space<hbm>>) dst(%dma_wait3A_469 : memref<128x32xf32, #tpu.memory_space<vmem>>)
      %dma_wait3A_476 = arith.constant 2 : i32
      %dma_wait3A_477 = arith.constant 256 : i32
      %dma_wait3A_478 = arith.constant 0 : i32
      %dma_wait3A_479 = tpu.memref_slice %arg15[%dma_wait3A_477, %dma_wait3A_478] : memref<512x32xf32, #tpu.memory_space<vmem>> -> memref<128x32xf32, #tpu.memory_space<vmem>>
      %dma_wait3A_480 = arith.constant 0 : i32
      %dma_wait3A_481 = tpu.memref_slice %arg9[%dma_wait3A_476, %dma_wait3A_480] : memref<4x128xi32, #tpu.memory_space<vmem>> -> memref<1x128xi32, #tpu.memory_space<vmem>>
      %dma_wait3A_482 = tpu.memref_squeeze %dma_wait3A_481 : memref<1x128xi32, #tpu.memory_space<vmem>> -> memref<128xi32, #tpu.memory_space<vmem>>
      %dma_wait3A_483 = arith.constant 0 : i32
      %dma_wait3A_484 = arith.constant 0 : i32
      %dma_wait3A_485 = tpu.memref_slice %arg2[%dma_wait3A_483, %dma_wait3A_484] : memref<10016x32xf32, #tpu.memory_space<hbm>> -> memref<10016x32xf32, #tpu.memory_space<hbm>>
      tpu.wait_indirect_dma semaphore(%arg20 : memref<!tpu.dma_semaphore, #tpu.memory_space<semaphore_mem>>) src(%dma_wait3A_485 : memref<10016x32xf32, #tpu.memory_space<hbm>>) dst(%dma_wait3A_479 : memref<128x32xf32, #tpu.memory_space<vmem>>)
      %dma_wait3A_486 = arith.constant 2 : i32
      %dma_wait3A_487 = arith.constant 256 : i32
      %dma_wait3A_488 = arith.constant 0 : i32
      %dma_wait3A_489 = tpu.memref_slice %arg17[%dma_wait3A_487, %dma_wait3A_488] : memref<512x32xf32, #tpu.memory_space<vmem>> -> memref<128x32xf32, #tpu.memory_space<vmem>>
      %dma_wait3A_490 = arith.constant 0 : i32
      %dma_wait3A_491 = tpu.memref_slice %arg11[%dma_wait3A_486, %dma_wait3A_490] : memref<4x128xi32, #tpu.memory_space<vmem>> -> memref<1x128xi32, #tpu.memory_space<vmem>>
      %dma_wait3A_492 = tpu.memref_squeeze %dma_wait3A_491 : memref<1x128xi32, #tpu.memory_space<vmem>> -> memref<128xi32, #tpu.memory_space<vmem>>
      %dma_wait3A_493 = arith.constant 0 : i32
      %dma_wait3A_494 = arith.constant 0 : i32
      %dma_wait3A_495 = tpu.memref_slice %arg3[%dma_wait3A_493, %dma_wait3A_494] : memref<10016x32xf32, #tpu.memory_space<hbm>> -> memref<10016x32xf32, #tpu.memory_space<hbm>>
      tpu.wait_indirect_dma semaphore(%arg20 : memref<!tpu.dma_semaphore, #tpu.memory_space<semaphore_mem>>) src(%dma_wait3A_495 : memref<10016x32xf32, #tpu.memory_space<hbm>>) dst(%dma_wait3A_489 : memref<128x32xf32, #tpu.memory_space<vmem>>)
      %dma_wait3A_496 = arith.constant 3 : i32
      %dma_wait3A_497 = arith.constant 384 : i32
      %dma_wait3A_498 = arith.constant 0 : i32
      %dma_wait3A_499 = tpu.memref_slice %arg15[%dma_wait3A_497, %dma_wait3A_498] : memref<512x32xf32, #tpu.memory_space<vmem>> -> memref<128x32xf32, #tpu.memory_space<vmem>>
      %dma_wait3A_500 = arith.constant 0 : i32
      %dma_wait3A_501 = tpu.memref_slice %arg9[%dma_wait3A_496, %dma_wait3A_500] : memref<4x128xi32, #tpu.memory_space<vmem>> -> memref<1x128xi32, #tpu.memory_space<vmem>>
      %dma_wait3A_502 = tpu.memref_squeeze %dma_wait3A_501 : memref<1x128xi32, #tpu.memory_space<vmem>> -> memref<128xi32, #tpu.memory_space<vmem>>
      %dma_wait3A_503 = arith.constant 0 : i32
      %dma_wait3A_504 = arith.constant 0 : i32
      %dma_wait3A_505 = tpu.memref_slice %arg2[%dma_wait3A_503, %dma_wait3A_504] : memref<10016x32xf32, #tpu.memory_space<hbm>> -> memref<10016x32xf32, #tpu.memory_space<hbm>>
      tpu.wait_indirect_dma semaphore(%arg20 : memref<!tpu.dma_semaphore, #tpu.memory_space<semaphore_mem>>) src(%dma_wait3A_505 : memref<10016x32xf32, #tpu.memory_space<hbm>>) dst(%dma_wait3A_499 : memref<128x32xf32, #tpu.memory_space<vmem>>)
      %dma_wait3A_506 = arith.constant 3 : i32
      %dma_wait3A_507 = arith.constant 384 : i32
      %dma_wait3A_508 = arith.constant 0 : i32
      %dma_wait3A_509 = tpu.memref_slice %arg17[%dma_wait3A_507, %dma_wait3A_508] : memref<512x32xf32, #tpu.memory_space<vmem>> -> memref<128x32xf32, #tpu.memory_space<vmem>>
      %dma_wait3A_510 = arith.constant 0 : i32
      %dma_wait3A_511 = tpu.memref_slice %arg11[%dma_wait3A_506, %dma_wait3A_510] : memref<4x128xi32, #tpu.memory_space<vmem>> -> memref<1x128xi32, #tpu.memory_space<vmem>>
      %dma_wait3A_512 = tpu.memref_squeeze %dma_wait3A_511 : memref<1x128xi32, #tpu.memory_space<vmem>> -> memref<128xi32, #tpu.memory_space<vmem>>
      %dma_wait3A_513 = arith.constant 0 : i32
      %dma_wait3A_514 = arith.constant 0 : i32
      %dma_wait3A_515 = tpu.memref_slice %arg3[%dma_wait3A_513, %dma_wait3A_514] : memref<10016x32xf32, #tpu.memory_space<hbm>> -> memref<10016x32xf32, #tpu.memory_space<hbm>>
      tpu.wait_indirect_dma semaphore(%arg20 : memref<!tpu.dma_semaphore, #tpu.memory_space<semaphore_mem>>) src(%dma_wait3A_515 : memref<10016x32xf32, #tpu.memory_space<hbm>>) dst(%dma_wait3A_509 : memref<128x32xf32, #tpu.memory_space<vmem>>)
      %parallel_loop3A_516 = arith.constant 0 : i32
      %parallel_loop3A_517 = arith.constant 128 : i32
      %parallel_loop3A_518 = arith.constant 1 : i32
      scf.for %parallel_loop3A_559 = %parallel_loop3A_516 to %parallel_loop3A_517 step %parallel_loop3A_518  : i32 {
        %parallel_loop3A_560 = arith.constant 0 : i32
        %parallel_loop3A_561 = arith.addi %parallel_loop3A_559, %parallel_loop3A_560 : i32
        %parallel_loop3A_562 = arith.index_cast %parallel_loop3A_561 : i32 to index
        %parallel_loop3A_563 = arith.constant 0 : index
        %parallel_loop3A_564 = tpu.vector_load %arg15[%parallel_loop3A_562, %parallel_loop3A_563] {strides = array<i32>} : memref<512x32xf32, #tpu.memory_space<vmem>>, vector<1x16xf32>,
        %parallel_loop3A_565 = vector.shape_cast %parallel_loop3A_564 : vector<1x16xf32> to vector<16xf32>
        %parallel_loop3A_566 = arith.constant 0 : i32
        %parallel_loop3A_567 = arith.addi %parallel_loop3A_559, %parallel_loop3A_566 : i32
        %parallel_loop3A_568 = arith.index_cast %parallel_loop3A_567 : i32 to index
        %parallel_loop3A_569 = arith.constant 0 : index
        %parallel_loop3A_570 = tpu.vector_load %arg17[%parallel_loop3A_568, %parallel_loop3A_569] {strides = array<i32>} : memref<512x32xf32, #tpu.memory_space<vmem>>, vector<1x16xf32>,
        %parallel_loop3A_571 = vector.shape_cast %parallel_loop3A_570 : vector<1x16xf32> to vector<16xf32>
        %parallel_loop3A_572 = arith.addf %parallel_loop3A_565, %parallel_loop3A_571 : vector<16xf32>
        %parallel_loop3A_573 = arith.index_cast %parallel_loop3A_559 : i32 to index
        %parallel_loop3A_574 = arith.constant 0 : index
        %parallel_loop3A_575 = tpu.vector_load %arg13[%parallel_loop3A_573, %parallel_loop3A_574] {strides = array<i32>} : memref<128x128xf32, #tpu.memory_space<vmem>>, vector<1x16xf32>,
        %parallel_loop3A_576 = vector.shape_cast %parallel_loop3A_575 : vector<1x16xf32> to vector<16xf32>
        %parallel_loop3A_577 = arith.addf %parallel_loop3A_572, %parallel_loop3A_576 : vector<16xf32>
        %parallel_loop3A_578 = arith.constant 0.000000e+00 : f32
        %parallel_loop3A_579 = vector.broadcast %parallel_loop3A_578 : f32 to vector<16xf32>
        %parallel_loop3A_580 = arith.maximumf %parallel_loop3A_577, %parallel_loop3A_579 : vector<16xf32>
        %parallel_loop3A_581 = arith.constant 0 : i32
        %parallel_loop3A_582 = arith.addi %parallel_loop3A_559, %parallel_loop3A_581 : i32
        %parallel_loop3A_583 = arith.index_cast %parallel_loop3A_582 : i32 to index
        %parallel_loop3A_584 = arith.constant 0 : index
        %parallel_loop3A_585 = tpu.vector_load %arg15[%parallel_loop3A_583, %parallel_loop3A_584] {strides = array<i32>} : memref<512x32xf32, #tpu.memory_space<vmem>>, vector<1x16xf32>,
        %parallel_loop3A_586 = vector.shape_cast %parallel_loop3A_585 : vector<1x16xf32> to vector<16xf32>
        %parallel_loop3A_587 = vector.shape_cast %parallel_loop3A_580 : vector<16xf32> to vector<1x16xf32>
        tpu.vector_store %arg15[%parallel_loop3A_583, %parallel_loop3A_584], %parallel_loop3A_587 {strides = array<i32>} : memref<512x32xf32, #tpu.memory_space<vmem>>, vector<1x16xf32>,
        %parallel_loop3A_588 = arith.constant 0 : i32
        %parallel_loop3A_589 = arith.addi %parallel_loop3A_559, %parallel_loop3A_588 : i32
        %parallel_loop3A_590 = arith.index_cast %parallel_loop3A_589 : i32 to index
        %parallel_loop3A_591 = arith.constant 16 : index
        %parallel_loop3A_592 = tpu.vector_load %arg15[%parallel_loop3A_590, %parallel_loop3A_591] {strides = array<i32>} : memref<512x32xf32, #tpu.memory_space<vmem>>, vector<1x16xf32>,
        %parallel_loop3A_593 = vector.shape_cast %parallel_loop3A_592 : vector<1x16xf32> to vector<16xf32>
        %parallel_loop3A_594 = arith.constant 0 : i32
        %parallel_loop3A_595 = arith.addi %parallel_loop3A_559, %parallel_loop3A_594 : i32
        %parallel_loop3A_596 = arith.index_cast %parallel_loop3A_595 : i32 to index
        %parallel_loop3A_597 = arith.constant 16 : index
        %parallel_loop3A_598 = tpu.vector_load %arg17[%parallel_loop3A_596, %parallel_loop3A_597] {strides = array<i32>} : memref<512x32xf32, #tpu.memory_space<vmem>>, vector<1x16xf32>,
        %parallel_loop3A_599 = vector.shape_cast %parallel_loop3A_598 : vector<1x16xf32> to vector<16xf32>
        %parallel_loop3A_600 = arith.addf %parallel_loop3A_593, %parallel_loop3A_599 : vector<16xf32>
        %parallel_loop3A_601 = arith.index_cast %parallel_loop3A_559 : i32 to index
        %parallel_loop3A_602 = arith.constant 16 : index
        %parallel_loop3A_603 = tpu.vector_load %arg13[%parallel_loop3A_601, %parallel_loop3A_602] {strides = array<i32>} : memref<128x128xf32, #tpu.memory_space<vmem>>, vector<1x16xf32>,
        %parallel_loop3A_604 = vector.shape_cast %parallel_loop3A_603 : vector<1x16xf32> to vector<16xf32>
        %parallel_loop3A_605 = arith.addf %parallel_loop3A_600, %parallel_loop3A_604 : vector<16xf32>
        %parallel_loop3A_606 = arith.constant 0.000000e+00 : f32
        %parallel_loop3A_607 = vector.broadcast %parallel_loop3A_606 : f32 to vector<16xf32>
        %parallel_loop3A_608 = arith.maximumf %parallel_loop3A_605, %parallel_loop3A_607 : vector<16xf32>
        %parallel_loop3A_609 = arith.constant 0 : i32
        %parallel_loop3A_610 = arith.addi %parallel_loop3A_559, %parallel_loop3A_609 : i32
        %parallel_loop3A_611 = arith.index_cast %parallel_loop3A_610 : i32 to index
        %parallel_loop3A_612 = arith.constant 16 : index
        %parallel_loop3A_613 = tpu.vector_load %arg15[%parallel_loop3A_611, %parallel_loop3A_612] {strides = array<i32>} : memref<512x32xf32, #tpu.memory_space<vmem>>, vector<1x16xf32>,
        %parallel_loop3A_614 = vector.shape_cast %parallel_loop3A_613 : vector<1x16xf32> to vector<16xf32>
        %parallel_loop3A_615 = vector.shape_cast %parallel_loop3A_608 : vector<16xf32> to vector<1x16xf32>
        tpu.vector_store %arg15[%parallel_loop3A_611, %parallel_loop3A_612], %parallel_loop3A_615 {strides = array<i32>} : memref<512x32xf32, #tpu.memory_space<vmem>>, vector<1x16xf32>,
        %parallel_loop3A_616 = arith.constant 128 : i32
        %parallel_loop3A_617 = arith.addi %parallel_loop3A_559, %parallel_loop3A_616 : i32
        %parallel_loop3A_618 = arith.index_cast %parallel_loop3A_617 : i32 to index
        %parallel_loop3A_619 = arith.constant 0 : index
        %parallel_loop3A_620 = tpu.vector_load %arg15[%parallel_loop3A_618, %parallel_loop3A_619] {strides = array<i32>} : memref<512x32xf32, #tpu.memory_space<vmem>>, vector<1x16xf32>,
        %parallel_loop3A_621 = vector.shape_cast %parallel_loop3A_620 : vector<1x16xf32> to vector<16xf32>
        %parallel_loop3A_622 = arith.constant 128 : i32
        %parallel_loop3A_623 = arith.addi %parallel_loop3A_559, %parallel_loop3A_622 : i32
        %parallel_loop3A_624 = arith.index_cast %parallel_loop3A_623 : i32 to index
        %parallel_loop3A_625 = arith.constant 0 : index
        %parallel_loop3A_626 = tpu.vector_load %arg17[%parallel_loop3A_624, %parallel_loop3A_625] {strides = array<i32>} : memref<512x32xf32, #tpu.memory_space<vmem>>, vector<1x16xf32>,
        %parallel_loop3A_627 = vector.shape_cast %parallel_loop3A_626 : vector<1x16xf32> to vector<16xf32>
        %parallel_loop3A_628 = arith.addf %parallel_loop3A_621, %parallel_loop3A_627 : vector<16xf32>
        %parallel_loop3A_629 = arith.index_cast %parallel_loop3A_559 : i32 to index
        %parallel_loop3A_630 = arith.constant 32 : index
        %parallel_loop3A_631 = tpu.vector_load %arg13[%parallel_loop3A_629, %parallel_loop3A_630] {strides = array<i32>} : memref<128x128xf32, #tpu.memory_space<vmem>>, vector<1x16xf32>,
        %parallel_loop3A_632 = vector.shape_cast %parallel_loop3A_631 : vector<1x16xf32> to vector<16xf32>
        %parallel_loop3A_633 = arith.addf %parallel_loop3A_628, %parallel_loop3A_632 : vector<16xf32>
        %parallel_loop3A_634 = arith.constant 0.000000e+00 : f32
        %parallel_loop3A_635 = vector.broadcast %parallel_loop3A_634 : f32 to vector<16xf32>
        %parallel_loop3A_636 = arith.maximumf %parallel_loop3A_633, %parallel_loop3A_635 : vector<16xf32>
        %parallel_loop3A_637 = arith.constant 128 : i32
        %parallel_loop3A_638 = arith.addi %parallel_loop3A_559, %parallel_loop3A_637 : i32
        %parallel_loop3A_639 = arith.index_cast %parallel_loop3A_638 : i32 to index
        %parallel_loop3A_640 = arith.constant 0 : index
        %parallel_loop3A_641 = tpu.vector_load %arg15[%parallel_loop3A_639, %parallel_loop3A_640] {strides = array<i32>} : memref<512x32xf32, #tpu.memory_space<vmem>>, vector<1x16xf32>,
        %parallel_loop3A_642 = vector.shape_cast %parallel_loop3A_641 : vector<1x16xf32> to vector<16xf32>
        %parallel_loop3A_643 = vector.shape_cast %parallel_loop3A_636 : vector<16xf32> to vector<1x16xf32>
        tpu.vector_store %arg15[%parallel_loop3A_639, %parallel_loop3A_640], %parallel_loop3A_643 {strides = array<i32>} : memref<512x32xf32, #tpu.memory_space<vmem>>, vector<1x16xf32>,
        %parallel_loop3A_644 = arith.constant 128 : i32
        %parallel_loop3A_645 = arith.addi %parallel_loop3A_559, %parallel_loop3A_644 : i32
        %parallel_loop3A_646 = arith.index_cast %parallel_loop3A_645 : i32 to index
        %parallel_loop3A_647 = arith.constant 16 : index
        %parallel_loop3A_648 = tpu.vector_load %arg15[%parallel_loop3A_646, %parallel_loop3A_647] {strides = array<i32>} : memref<512x32xf32, #tpu.memory_space<vmem>>, vector<1x16xf32>,
        %parallel_loop3A_649 = vector.shape_cast %parallel_loop3A_648 : vector<1x16xf32> to vector<16xf32>
        %parallel_loop3A_650 = arith.constant 128 : i32
        %parallel_loop3A_651 = arith.addi %parallel_loop3A_559, %parallel_loop3A_650 : i32
        %parallel_loop3A_652 = arith.index_cast %parallel_loop3A_651 : i32 to index
        %parallel_loop3A_653 = arith.constant 16 : index
        %parallel_loop3A_654 = tpu.vector_load %arg17[%parallel_loop3A_652, %parallel_loop3A_653] {strides = array<i32>} : memref<512x32xf32, #tpu.memory_space<vmem>>, vector<1x16xf32>,
        %parallel_loop3A_655 = vector.shape_cast %parallel_loop3A_654 : vector<1x16xf32> to vector<16xf32>
        %parallel_loop3A_656 = arith.addf %parallel_loop3A_649, %parallel_loop3A_655 : vector<16xf32>
        %parallel_loop3A_657 = arith.index_cast %parallel_loop3A_559 : i32 to index
        %parallel_loop3A_658 = arith.constant 48 : index
        %parallel_loop3A_659 = tpu.vector_load %arg13[%parallel_loop3A_657, %parallel_loop3A_658] {strides = array<i32>} : memref<128x128xf32, #tpu.memory_space<vmem>>, vector<1x16xf32>,
        %parallel_loop3A_660 = vector.shape_cast %parallel_loop3A_659 : vector<1x16xf32> to vector<16xf32>
        %parallel_loop3A_661 = arith.addf %parallel_loop3A_656, %parallel_loop3A_660 : vector<16xf32>
        %parallel_loop3A_662 = arith.constant 0.000000e+00 : f32
        %parallel_loop3A_663 = vector.broadcast %parallel_loop3A_662 : f32 to vector<16xf32>
        %parallel_loop3A_664 = arith.maximumf %parallel_loop3A_661, %parallel_loop3A_663 : vector<16xf32>
        %parallel_loop3A_665 = arith.constant 128 : i32
        %parallel_loop3A_666 = arith.addi %parallel_loop3A_559, %parallel_loop3A_665 : i32
        %parallel_loop3A_667 = arith.index_cast %parallel_loop3A_666 : i32 to index
        %parallel_loop3A_668 = arith.constant 16 : index
        %parallel_loop3A_669 = tpu.vector_load %arg15[%parallel_loop3A_667, %parallel_loop3A_668] {strides = array<i32>} : memref<512x32xf32, #tpu.memory_space<vmem>>, vector<1x16xf32>,
        %parallel_loop3A_670 = vector.shape_cast %parallel_loop3A_669 : vector<1x16xf32> to vector<16xf32>
        %parallel_loop3A_671 = vector.shape_cast %parallel_loop3A_664 : vector<16xf32> to vector<1x16xf32>
        tpu.vector_store %arg15[%parallel_loop3A_667, %parallel_loop3A_668], %parallel_loop3A_671 {strides = array<i32>} : memref<512x32xf32, #tpu.memory_space<vmem>>, vector<1x16xf32>,
        %parallel_loop3A_672 = arith.constant 256 : i32
        %parallel_loop3A_673 = arith.addi %parallel_loop3A_559, %parallel_loop3A_672 : i32
        %parallel_loop3A_674 = arith.index_cast %parallel_loop3A_673 : i32 to index
        %parallel_loop3A_675 = arith.constant 0 : index
        %parallel_loop3A_676 = tpu.vector_load %arg15[%parallel_loop3A_674, %parallel_loop3A_675] {strides = array<i32>} : memref<512x32xf32, #tpu.memory_space<vmem>>, vector<1x16xf32>,
        %parallel_loop3A_677 = vector.shape_cast %parallel_loop3A_676 : vector<1x16xf32> to vector<16xf32>
        %parallel_loop3A_678 = arith.constant 256 : i32
        %parallel_loop3A_679 = arith.addi %parallel_loop3A_559, %parallel_loop3A_678 : i32
        %parallel_loop3A_680 = arith.index_cast %parallel_loop3A_679 : i32 to index
        %parallel_loop3A_681 = arith.constant 0 : index
        %parallel_loop3A_682 = tpu.vector_load %arg17[%parallel_loop3A_680, %parallel_loop3A_681] {strides = array<i32>} : memref<512x32xf32, #tpu.memory_space<vmem>>, vector<1x16xf32>,
        %parallel_loop3A_683 = vector.shape_cast %parallel_loop3A_682 : vector<1x16xf32> to vector<16xf32>
        %parallel_loop3A_684 = arith.addf %parallel_loop3A_677, %parallel_loop3A_683 : vector<16xf32>
        %parallel_loop3A_685 = arith.index_cast %parallel_loop3A_559 : i32 to index
        %parallel_loop3A_686 = arith.constant 64 : index
        %parallel_loop3A_687 = tpu.vector_load %arg13[%parallel_loop3A_685, %parallel_loop3A_686] {strides = array<i32>} : memref<128x128xf32, #tpu.memory_space<vmem>>, vector<1x16xf32>,
        %parallel_loop3A_688 = vector.shape_cast %parallel_loop3A_687 : vector<1x16xf32> to vector<16xf32>
        %parallel_loop3A_689 = arith.addf %parallel_loop3A_684, %parallel_loop3A_688 : vector<16xf32>
        %parallel_loop3A_690 = arith.constant 0.000000e+00 : f32
        %parallel_loop3A_691 = vector.broadcast %parallel_loop3A_690 : f32 to vector<16xf32>
        %parallel_loop3A_692 = arith.maximumf %parallel_loop3A_689, %parallel_loop3A_691 : vector<16xf32>
        %parallel_loop3A_693 = arith.constant 256 : i32
        %parallel_loop3A_694 = arith.addi %parallel_loop3A_559, %parallel_loop3A_693 : i32
        %parallel_loop3A_695 = arith.index_cast %parallel_loop3A_694 : i32 to index
        %parallel_loop3A_696 = arith.constant 0 : index
        %parallel_loop3A_697 = tpu.vector_load %arg15[%parallel_loop3A_695, %parallel_loop3A_696] {strides = array<i32>} : memref<512x32xf32, #tpu.memory_space<vmem>>, vector<1x16xf32>,
        %parallel_loop3A_698 = vector.shape_cast %parallel_loop3A_697 : vector<1x16xf32> to vector<16xf32>
        %parallel_loop3A_699 = vector.shape_cast %parallel_loop3A_692 : vector<16xf32> to vector<1x16xf32>
        tpu.vector_store %arg15[%parallel_loop3A_695, %parallel_loop3A_696], %parallel_loop3A_699 {strides = array<i32>} : memref<512x32xf32, #tpu.memory_space<vmem>>, vector<1x16xf32>,
        %parallel_loop3A_700 = arith.constant 256 : i32
        %parallel_loop3A_701 = arith.addi %parallel_loop3A_559, %parallel_loop3A_700 : i32
        %parallel_loop3A_702 = arith.index_cast %parallel_loop3A_701 : i32 to index
        %parallel_loop3A_703 = arith.constant 16 : index
        %parallel_loop3A_704 = tpu.vector_load %arg15[%parallel_loop3A_702, %parallel_loop3A_703] {strides = array<i32>} : memref<512x32xf32, #tpu.memory_space<vmem>>, vector<1x16xf32>,
        %parallel_loop3A_705 = vector.shape_cast %parallel_loop3A_704 : vector<1x16xf32> to vector<16xf32>
        %parallel_loop3A_706 = arith.constant 256 : i32
        %parallel_loop3A_707 = arith.addi %parallel_loop3A_559, %parallel_loop3A_706 : i32
        %parallel_loop3A_708 = arith.index_cast %parallel_loop3A_707 : i32 to index
        %parallel_loop3A_709 = arith.constant 16 : index
        %parallel_loop3A_710 = tpu.vector_load %arg17[%parallel_loop3A_708, %parallel_loop3A_709] {strides = array<i32>} : memref<512x32xf32, #tpu.memory_space<vmem>>, vector<1x16xf32>,
        %parallel_loop3A_711 = vector.shape_cast %parallel_loop3A_710 : vector<1x16xf32> to vector<16xf32>
        %parallel_loop3A_712 = arith.addf %parallel_loop3A_705, %parallel_loop3A_711 : vector<16xf32>
        %parallel_loop3A_713 = arith.index_cast %parallel_loop3A_559 : i32 to index
        %parallel_loop3A_714 = arith.constant 80 : index
        %parallel_loop3A_715 = tpu.vector_load %arg13[%parallel_loop3A_713, %parallel_loop3A_714] {strides = array<i32>} : memref<128x128xf32, #tpu.memory_space<vmem>>, vector<1x16xf32>,
        %parallel_loop3A_716 = vector.shape_cast %parallel_loop3A_715 : vector<1x16xf32> to vector<16xf32>
        %parallel_loop3A_717 = arith.addf %parallel_loop3A_712, %parallel_loop3A_716 : vector<16xf32>
        %parallel_loop3A_718 = arith.constant 0.000000e+00 : f32
        %parallel_loop3A_719 = vector.broadcast %parallel_loop3A_718 : f32 to vector<16xf32>
        %parallel_loop3A_720 = arith.maximumf %parallel_loop3A_717, %parallel_loop3A_719 : vector<16xf32>
        %parallel_loop3A_721 = arith.constant 256 : i32
        %parallel_loop3A_722 = arith.addi %parallel_loop3A_559, %parallel_loop3A_721 : i32
        %parallel_loop3A_723 = arith.index_cast %parallel_loop3A_722 : i32 to index
        %parallel_loop3A_724 = arith.constant 16 : index
        %parallel_loop3A_725 = tpu.vector_load %arg15[%parallel_loop3A_723, %parallel_loop3A_724] {strides = array<i32>} : memref<512x32xf32, #tpu.memory_space<vmem>>, vector<1x16xf32>,
        %parallel_loop3A_726 = vector.shape_cast %parallel_loop3A_725 : vector<1x16xf32> to vector<16xf32>
        %parallel_loop3A_727 = vector.shape_cast %parallel_loop3A_720 : vector<16xf32> to vector<1x16xf32>
        tpu.vector_store %arg15[%parallel_loop3A_723, %parallel_loop3A_724], %parallel_loop3A_727 {strides = array<i32>} : memref<512x32xf32, #tpu.memory_space<vmem>>, vector<1x16xf32>,
        %parallel_loop3A_728 = arith.constant 384 : i32
        %parallel_loop3A_729 = arith.addi %parallel_loop3A_559, %parallel_loop3A_728 : i32
        %parallel_loop3A_730 = arith.index_cast %parallel_loop3A_729 : i32 to index
        %parallel_loop3A_731 = arith.constant 0 : index
        %parallel_loop3A_732 = tpu.vector_load %arg15[%parallel_loop3A_730, %parallel_loop3A_731] {strides = array<i32>} : memref<512x32xf32, #tpu.memory_space<vmem>>, vector<1x16xf32>,
        %parallel_loop3A_733 = vector.shape_cast %parallel_loop3A_732 : vector<1x16xf32> to vector<16xf32>
        %parallel_loop3A_734 = arith.constant 384 : i32
        %parallel_loop3A_735 = arith.addi %parallel_loop3A_559, %parallel_loop3A_734 : i32
        %parallel_loop3A_736 = arith.index_cast %parallel_loop3A_735 : i32 to index
        %parallel_loop3A_737 = arith.constant 0 : index
        %parallel_loop3A_738 = tpu.vector_load %arg17[%parallel_loop3A_736, %parallel_loop3A_737] {strides = array<i32>} : memref<512x32xf32, #tpu.memory_space<vmem>>, vector<1x16xf32>,
        %parallel_loop3A_739 = vector.shape_cast %parallel_loop3A_738 : vector<1x16xf32> to vector<16xf32>
        %parallel_loop3A_740 = arith.addf %parallel_loop3A_733, %parallel_loop3A_739 : vector<16xf32>
        %parallel_loop3A_741 = arith.index_cast %parallel_loop3A_559 : i32 to index
        %parallel_loop3A_742 = arith.constant 96 : index
        %parallel_loop3A_743 = tpu.vector_load %arg13[%parallel_loop3A_741, %parallel_loop3A_742] {strides = array<i32>} : memref<128x128xf32, #tpu.memory_space<vmem>>, vector<1x16xf32>,
        %parallel_loop3A_744 = vector.shape_cast %parallel_loop3A_743 : vector<1x16xf32> to vector<16xf32>
        %parallel_loop3A_745 = arith.addf %parallel_loop3A_740, %parallel_loop3A_744 : vector<16xf32>
        %parallel_loop3A_746 = arith.constant 0.000000e+00 : f32
        %parallel_loop3A_747 = vector.broadcast %parallel_loop3A_746 : f32 to vector<16xf32>
        %parallel_loop3A_748 = arith.maximumf %parallel_loop3A_745, %parallel_loop3A_747 : vector<16xf32>
        %parallel_loop3A_749 = arith.constant 384 : i32
        %parallel_loop3A_750 = arith.addi %parallel_loop3A_559, %parallel_loop3A_749 : i32
        %parallel_loop3A_751 = arith.index_cast %parallel_loop3A_750 : i32 to index
        %parallel_loop3A_752 = arith.constant 0 : index
        %parallel_loop3A_753 = tpu.vector_load %arg15[%parallel_loop3A_751, %parallel_loop3A_752] {strides = array<i32>} : memref<512x32xf32, #tpu.memory_space<vmem>>, vector<1x16xf32>,
        %parallel_loop3A_754 = vector.shape_cast %parallel_loop3A_753 : vector<1x16xf32> to vector<16xf32>
        %parallel_loop3A_755 = vector.shape_cast %parallel_loop3A_748 : vector<16xf32> to vector<1x16xf32>
        tpu.vector_store %arg15[%parallel_loop3A_751, %parallel_loop3A_752], %parallel_loop3A_755 {strides = array<i32>} : memref<512x32xf32, #tpu.memory_space<vmem>>, vector<1x16xf32>,
        %parallel_loop3A_756 = arith.constant 384 : i32
        %parallel_loop3A_757 = arith.addi %parallel_loop3A_559, %parallel_loop3A_756 : i32
        %parallel_loop3A_758 = arith.index_cast %parallel_loop3A_757 : i32 to index
        %parallel_loop3A_759 = arith.constant 16 : index
        %parallel_loop3A_760 = tpu.vector_load %arg15[%parallel_loop3A_758, %parallel_loop3A_759] {strides = array<i32>} : memref<512x32xf32, #tpu.memory_space<vmem>>, vector<1x16xf32>,
        %parallel_loop3A_761 = vector.shape_cast %parallel_loop3A_760 : vector<1x16xf32> to vector<16xf32>
        %parallel_loop3A_762 = arith.constant 384 : i32
        %parallel_loop3A_763 = arith.addi %parallel_loop3A_559, %parallel_loop3A_762 : i32
        %parallel_loop3A_764 = arith.index_cast %parallel_loop3A_763 : i32 to index
        %parallel_loop3A_765 = arith.constant 16 : index
        %parallel_loop3A_766 = tpu.vector_load %arg17[%parallel_loop3A_764, %parallel_loop3A_765] {strides = array<i32>} : memref<512x32xf32, #tpu.memory_space<vmem>>, vector<1x16xf32>,
        %parallel_loop3A_767 = vector.shape_cast %parallel_loop3A_766 : vector<1x16xf32> to vector<16xf32>
        %parallel_loop3A_768 = arith.addf %parallel_loop3A_761, %parallel_loop3A_767 : vector<16xf32>
        %parallel_loop3A_769 = arith.index_cast %parallel_loop3A_559 : i32 to index
        %parallel_loop3A_770 = arith.constant 112 : index
        %parallel_loop3A_771 = tpu.vector_load %arg13[%parallel_loop3A_769, %parallel_loop3A_770] {strides = array<i32>} : memref<128x128xf32, #tpu.memory_space<vmem>>, vector<1x16xf32>,
        %parallel_loop3A_772 = vector.shape_cast %parallel_loop3A_771 : vector<1x16xf32> to vector<16xf32>
        %parallel_loop3A_773 = arith.addf %parallel_loop3A_768, %parallel_loop3A_772 : vector<16xf32>
        %parallel_loop3A_774 = arith.constant 0.000000e+00 : f32
        %parallel_loop3A_775 = vector.broadcast %parallel_loop3A_774 : f32 to vector<16xf32>
        %parallel_loop3A_776 = arith.maximumf %parallel_loop3A_773, %parallel_loop3A_775 : vector<16xf32>
        %parallel_loop3A_777 = arith.constant 384 : i32
        %parallel_loop3A_778 = arith.addi %parallel_loop3A_559, %parallel_loop3A_777 : i32
        %parallel_loop3A_779 = arith.index_cast %parallel_loop3A_778 : i32 to index
        %parallel_loop3A_780 = arith.constant 16 : index
        %parallel_loop3A_781 = tpu.vector_load %arg15[%parallel_loop3A_779, %parallel_loop3A_780] {strides = array<i32>} : memref<512x32xf32, #tpu.memory_space<vmem>>, vector<1x16xf32>,
        %parallel_loop3A_782 = vector.shape_cast %parallel_loop3A_781 : vector<1x16xf32> to vector<16xf32>
        %parallel_loop3A_783 = vector.shape_cast %parallel_loop3A_776 : vector<16xf32> to vector<1x16xf32>
        tpu.vector_store %arg15[%parallel_loop3A_779, %parallel_loop3A_780], %parallel_loop3A_783 {strides = array<i32>} : memref<512x32xf32, #tpu.memory_space<vmem>>, vector<1x16xf32>,
      } {sc.loop_unroll_factor = 8 : i64, sc.parallel_access}
      %dma_start3A_519 = arith.constant 0 : i32
      %dma_start3A_520 = arith.constant 0 : i32
      %dma_start3A_521 = arith.constant 0 : i32
      %dma_start3A_522 = tpu.memref_slice %arg15[%dma_start3A_520, %dma_start3A_521] : memref<512x32xf32, #tpu.memory_space<vmem>> -> memref<128x32xf32, #tpu.memory_space<vmem>>
      %dma_start3A_523 = arith.constant 0 : i32
      %dma_start3A_524 = tpu.memref_slice %arg9[%dma_start3A_519, %dma_start3A_523] : memref<4x128xi32, #tpu.memory_space<vmem>> -> memref<1x128xi32, #tpu.memory_space<vmem>>
      %dma_start3A_525 = tpu.memref_squeeze %dma_start3A_524 : memref<1x128xi32, #tpu.memory_space<vmem>> -> memref<128xi32, #tpu.memory_space<vmem>>
      %dma_start3A_526 = arith.constant 0 : i32
      %dma_start3A_527 = arith.constant 0 : i32
      %dma_start3A_528 = tpu.memref_slice %arg18[%dma_start3A_526, %dma_start3A_527] : memref<10016x32xf32, #tpu.memory_space<vmem_shared>> -> memref<10016x32xf32, #tpu.memory_space<vmem_shared>>
      tpu.enqueue_indirect_dma source(%dma_start3A_522 : memref<128x32xf32, #tpu.memory_space<vmem>>) target(%dma_start3A_528 : memref<10016x32xf32, #tpu.memory_space<vmem_shared>>) offsets(%dma_start3A_525 : memref<128xi32, #tpu.memory_space<vmem>>) semaphore(%arg22 : memref<!tpu.dma_semaphore, #tpu.memory_space<semaphore_mem>>) {add = true}
      %dma_start3A_529 = arith.constant 1 : i32
      %dma_start3A_530 = arith.constant 128 : i32
      %dma_start3A_531 = arith.constant 0 : i32
      %dma_start3A_532 = tpu.memref_slice %arg15[%dma_start3A_530, %dma_start3A_531] : memref<512x32xf32, #tpu.memory_space<vmem>> -> memref<128x32xf32, #tpu.memory_space<vmem>>
      %dma_start3A_533 = arith.constant 0 : i32
      %dma_start3A_534 = tpu.memref_slice %arg9[%dma_start3A_529, %dma_start3A_533] : memref<4x128xi32, #tpu.memory_space<vmem>> -> memref<1x128xi32, #tpu.memory_space<vmem>>
      %dma_start3A_535 = tpu.memref_squeeze %dma_start3A_534 : memref<1x128xi32, #tpu.memory_space<vmem>> -> memref<128xi32, #tpu.memory_space<vmem>>
      %dma_start3A_536 = arith.constant 0 : i32
      %dma_start3A_537 = arith.constant 0 : i32
      %dma_start3A_538 = tpu.memref_slice %arg18[%dma_start3A_536, %dma_start3A_537] : memref<10016x32xf32, #tpu.memory_space<vmem_shared>> -> memref<10016x32xf32, #tpu.memory_space<vmem_shared>>
      tpu.enqueue_indirect_dma source(%dma_start3A_532 : memref<128x32xf32, #tpu.memory_space<vmem>>) target(%dma_start3A_538 : memref<10016x32xf32, #tpu.memory_space<vmem_shared>>) offsets(%dma_start3A_535 : memref<128xi32, #tpu.memory_space<vmem>>) semaphore(%arg22 : memref<!tpu.dma_semaphore, #tpu.memory_space<semaphore_mem>>) {add = true}
      %dma_start3A_539 = arith.constant 2 : i32
      %dma_start3A_540 = arith.constant 256 : i32
      %dma_start3A_541 = arith.constant 0 : i32
      %dma_start3A_542 = tpu.memref_slice %arg15[%dma_start3A_540, %dma_start3A_541] : memref<512x32xf32, #tpu.memory_space<vmem>> -> memref<128x32xf32, #tpu.memory_space<vmem>>
      %dma_start3A_543 = arith.constant 0 : i32
      %dma_start3A_544 = tpu.memref_slice %arg9[%dma_start3A_539, %dma_start3A_543] : memref<4x128xi32, #tpu.memory_space<vmem>> -> memref<1x128xi32, #tpu.memory_space<vmem>>
      %dma_start3A_545 = tpu.memref_squeeze %dma_start3A_544 : memref<1x128xi32, #tpu.memory_space<vmem>> -> memref<128xi32, #tpu.memory_space<vmem>>
      %dma_start3A_546 = arith.constant 0 : i32
      %dma_start3A_547 = arith.constant 0 : i32
      %dma_start3A_548 = tpu.memref_slice %arg18[%dma_start3A_546, %dma_start3A_547] : memref<10016x32xf32, #tpu.memory_space<vmem_shared>> -> memref<10016x32xf32, #tpu.memory_space<vmem_shared>>
      tpu.enqueue_indirect_dma source(%dma_start3A_542 : memref<128x32xf32, #tpu.memory_space<vmem>>) target(%dma_start3A_548 : memref<10016x32xf32, #tpu.memory_space<vmem_shared>>) offsets(%dma_start3A_545 : memref<128xi32, #tpu.memory_space<vmem>>) semaphore(%arg22 : memref<!tpu.dma_semaphore, #tpu.memory_space<semaphore_mem>>) {add = true}
      %dma_start3A_549 = arith.constant 3 : i32
      %dma_start3A_550 = arith.constant 384 : i32
      %dma_start3A_551 = arith.constant 0 : i32
      %dma_start3A_552 = tpu.memref_slice %arg15[%dma_start3A_550, %dma_start3A_551] : memref<512x32xf32, #tpu.memory_space<vmem>> -> memref<128x32xf32, #tpu.memory_space<vmem>>
      %dma_start3A_553 = arith.constant 0 : i32
      %dma_start3A_554 = tpu.memref_slice %arg9[%dma_start3A_549, %dma_start3A_553] : memref<4x128xi32, #tpu.memory_space<vmem>> -> memref<1x128xi32, #tpu.memory_space<vmem>>
      %dma_start3A_555 = tpu.memref_squeeze %dma_start3A_554 : memref<1x128xi32, #tpu.memory_space<vmem>> -> memref<128xi32, #tpu.memory_space<vmem>>
      %dma_start3A_556 = arith.constant 0 : i32
      %dma_start3A_557 = arith.constant 0 : i32
      %dma_start3A_558 = tpu.memref_slice %arg18[%dma_start3A_556, %dma_start3A_557] : memref<10016x32xf32, #tpu.memory_space<vmem_shared>> -> memref<10016x32xf32, #tpu.memory_space<vmem_shared>>
      tpu.enqueue_indirect_dma source(%dma_start3A_552 : memref<128x32xf32, #tpu.memory_space<vmem>>) target(%dma_start3A_558 : memref<10016x32xf32, #tpu.memory_space<vmem_shared>>) offsets(%dma_start3A_555 : memref<128xi32, #tpu.memory_space<vmem>>) semaphore(%arg22 : memref<!tpu.dma_semaphore, #tpu.memory_space<semaphore_mem>>) {add = true}
    }
    %scan3A_108 = arith.constant 10 : i32
    %dma_wait3A = arith.constant 0 : i32
    %dma_wait3A_109 = arith.constant 0 : i32
    %dma_wait3A_110 = arith.constant 0 : i32
    %dma_wait3A_111 = tpu.memref_slice %arg14[%dma_wait3A_109, %dma_wait3A_110] : memref<512x32xf32, #tpu.memory_space<vmem>> -> memref<128x32xf32, #tpu.memory_space<vmem>>
    %dma_wait3A_112 = arith.constant 0 : i32
    %dma_wait3A_113 = tpu.memref_slice %arg8[%dma_wait3A, %dma_wait3A_112] : memref<4x128xi32, #tpu.memory_space<vmem>> -> memref<1x128xi32, #tpu.memory_space<vmem>>
    %dma_wait3A_114 = tpu.memref_squeeze %dma_wait3A_113 : memref<1x128xi32, #tpu.memory_space<vmem>> -> memref<128xi32, #tpu.memory_space<vmem>>
    %dma_wait3A_115 = arith.constant 0 : i32
    %dma_wait3A_116 = arith.constant 0 : i32
    %dma_wait3A_117 = tpu.memref_slice %arg18[%dma_wait3A_115, %dma_wait3A_116] : memref<10016x32xf32, #tpu.memory_space<vmem_shared>> -> memref<10016x32xf32, #tpu.memory_space<vmem_shared>>
    tpu.wait_indirect_dma semaphore(%arg21 : memref<!tpu.dma_semaphore, #tpu.memory_space<semaphore_mem>>) src(%dma_wait3A_111 : memref<128x32xf32, #tpu.memory_space<vmem>>) dst(%dma_wait3A_117 : memref<10016x32xf32, #tpu.memory_space<vmem_shared>>)
    %dma_wait3A_118 = arith.constant 1 : i32
    %dma_wait3A_119 = arith.constant 128 : i32
    %dma_wait3A_120 = arith.constant 0 : i32
    %dma_wait3A_121 = tpu.memref_slice %arg14[%dma_wait3A_119, %dma_wait3A_120] : memref<512x32xf32, #tpu.memory_space<vmem>> -> memref<128x32xf32, #tpu.memory_space<vmem>>
    %dma_wait3A_122 = arith.constant 0 : i32
    %dma_wait3A_123 = tpu.memref_slice %arg8[%dma_wait3A_118, %dma_wait3A_122] : memref<4x128xi32, #tpu.memory_space<vmem>> -> memref<1x128xi32, #tpu.memory_space<vmem>>
    %dma_wait3A_124 = tpu.memref_squeeze %dma_wait3A_123 : memref<1x128xi32, #tpu.memory_space<vmem>> -> memref<128xi32, #tpu.memory_space<vmem>>
    %dma_wait3A_125 = arith.constant 0 : i32
    %dma_wait3A_126 = arith.constant 0 : i32
    %dma_wait3A_127 = tpu.memref_slice %arg18[%dma_wait3A_125, %dma_wait3A_126] : memref<10016x32xf32, #tpu.memory_space<vmem_shared>> -> memref<10016x32xf32, #tpu.memory_space<vmem_shared>>
    tpu.wait_indirect_dma semaphore(%arg21 : memref<!tpu.dma_semaphore, #tpu.memory_space<semaphore_mem>>) src(%dma_wait3A_121 : memref<128x32xf32, #tpu.memory_space<vmem>>) dst(%dma_wait3A_127 : memref<10016x32xf32, #tpu.memory_space<vmem_shared>>)
    %dma_wait3A_128 = arith.constant 2 : i32
    %dma_wait3A_129 = arith.constant 256 : i32
    %dma_wait3A_130 = arith.constant 0 : i32
    %dma_wait3A_131 = tpu.memref_slice %arg14[%dma_wait3A_129, %dma_wait3A_130] : memref<512x32xf32, #tpu.memory_space<vmem>> -> memref<128x32xf32, #tpu.memory_space<vmem>>
    %dma_wait3A_132 = arith.constant 0 : i32
    %dma_wait3A_133 = tpu.memref_slice %arg8[%dma_wait3A_128, %dma_wait3A_132] : memref<4x128xi32, #tpu.memory_space<vmem>> -> memref<1x128xi32, #tpu.memory_space<vmem>>
    %dma_wait3A_134 = tpu.memref_squeeze %dma_wait3A_133 : memref<1x128xi32, #tpu.memory_space<vmem>> -> memref<128xi32, #tpu.memory_space<vmem>>
    %dma_wait3A_135 = arith.constant 0 : i32
    %dma_wait3A_136 = arith.constant 0 : i32
    %dma_wait3A_137 = tpu.memref_slice %arg18[%dma_wait3A_135, %dma_wait3A_136] : memref<10016x32xf32, #tpu.memory_space<vmem_shared>> -> memref<10016x32xf32, #tpu.memory_space<vmem_shared>>
    tpu.wait_indirect_dma semaphore(%arg21 : memref<!tpu.dma_semaphore, #tpu.memory_space<semaphore_mem>>) src(%dma_wait3A_131 : memref<128x32xf32, #tpu.memory_space<vmem>>) dst(%dma_wait3A_137 : memref<10016x32xf32, #tpu.memory_space<vmem_shared>>)
    %dma_wait3A_138 = arith.constant 3 : i32
    %dma_wait3A_139 = arith.constant 384 : i32
    %dma_wait3A_140 = arith.constant 0 : i32
    %dma_wait3A_141 = tpu.memref_slice %arg14[%dma_wait3A_139, %dma_wait3A_140] : memref<512x32xf32, #tpu.memory_space<vmem>> -> memref<128x32xf32, #tpu.memory_space<vmem>>
    %dma_wait3A_142 = arith.constant 0 : i32
    %dma_wait3A_143 = tpu.memref_slice %arg8[%dma_wait3A_138, %dma_wait3A_142] : memref<4x128xi32, #tpu.memory_space<vmem>> -> memref<1x128xi32, #tpu.memory_space<vmem>>
    %dma_wait3A_144 = tpu.memref_squeeze %dma_wait3A_143 : memref<1x128xi32, #tpu.memory_space<vmem>> -> memref<128xi32, #tpu.memory_space<vmem>>
    %dma_wait3A_145 = arith.constant 0 : i32
    %dma_wait3A_146 = arith.constant 0 : i32
    %dma_wait3A_147 = tpu.memref_slice %arg18[%dma_wait3A_145, %dma_wait3A_146] : memref<10016x32xf32, #tpu.memory_space<vmem_shared>> -> memref<10016x32xf32, #tpu.memory_space<vmem_shared>>
    tpu.wait_indirect_dma semaphore(%arg21 : memref<!tpu.dma_semaphore, #tpu.memory_space<semaphore_mem>>) src(%dma_wait3A_141 : memref<128x32xf32, #tpu.memory_space<vmem>>) dst(%dma_wait3A_147 : memref<10016x32xf32, #tpu.memory_space<vmem_shared>>)
    %dma_wait3A_148 = arith.constant 0 : i32
    %dma_wait3A_149 = arith.constant 0 : i32
    %dma_wait3A_150 = arith.constant 0 : i32
    %dma_wait3A_151 = tpu.memref_slice %arg15[%dma_wait3A_149, %dma_wait3A_150] : memref<512x32xf32, #tpu.memory_space<vmem>> -> memref<128x32xf32, #tpu.memory_space<vmem>>
    %dma_wait3A_152 = arith.constant 0 : i32
    %dma_wait3A_153 = tpu.memref_slice %arg9[%dma_wait3A_148, %dma_wait3A_152] : memref<4x128xi32, #tpu.memory_space<vmem>> -> memref<1x128xi32, #tpu.memory_space<vmem>>
    %dma_wait3A_154 = tpu.memref_squeeze %dma_wait3A_153 : memref<1x128xi32, #tpu.memory_space<vmem>> -> memref<128xi32, #tpu.memory_space<vmem>>
    %dma_wait3A_155 = arith.constant 0 : i32
    %dma_wait3A_156 = arith.constant 0 : i32
    %dma_wait3A_157 = tpu.memref_slice %arg18[%dma_wait3A_155, %dma_wait3A_156] : memref<10016x32xf32, #tpu.memory_space<vmem_shared>> -> memref<10016x32xf32, #tpu.memory_space<vmem_shared>>
    tpu.wait_indirect_dma semaphore(%arg22 : memref<!tpu.dma_semaphore, #tpu.memory_space<semaphore_mem>>) src(%dma_wait3A_151 : memref<128x32xf32, #tpu.memory_space<vmem>>) dst(%dma_wait3A_157 : memref<10016x32xf32, #tpu.memory_space<vmem_shared>>)
    %dma_wait3A_158 = arith.constant 1 : i32
    %dma_wait3A_159 = arith.constant 128 : i32
    %dma_wait3A_160 = arith.constant 0 : i32
    %dma_wait3A_161 = tpu.memref_slice %arg15[%dma_wait3A_159, %dma_wait3A_160] : memref<512x32xf32, #tpu.memory_space<vmem>> -> memref<128x32xf32, #tpu.memory_space<vmem>>
    %dma_wait3A_162 = arith.constant 0 : i32
    %dma_wait3A_163 = tpu.memref_slice %arg9[%dma_wait3A_158, %dma_wait3A_162] : memref<4x128xi32, #tpu.memory_space<vmem>> -> memref<1x128xi32, #tpu.memory_space<vmem>>
    %dma_wait3A_164 = tpu.memref_squeeze %dma_wait3A_163 : memref<1x128xi32, #tpu.memory_space<vmem>> -> memref<128xi32, #tpu.memory_space<vmem>>
    %dma_wait3A_165 = arith.constant 0 : i32
    %dma_wait3A_166 = arith.constant 0 : i32
    %dma_wait3A_167 = tpu.memref_slice %arg18[%dma_wait3A_165, %dma_wait3A_166] : memref<10016x32xf32, #tpu.memory_space<vmem_shared>> -> memref<10016x32xf32, #tpu.memory_space<vmem_shared>>
    tpu.wait_indirect_dma semaphore(%arg22 : memref<!tpu.dma_semaphore, #tpu.memory_space<semaphore_mem>>) src(%dma_wait3A_161 : memref<128x32xf32, #tpu.memory_space<vmem>>) dst(%dma_wait3A_167 : memref<10016x32xf32, #tpu.memory_space<vmem_shared>>)
    %dma_wait3A_168 = arith.constant 2 : i32
    %dma_wait3A_169 = arith.constant 256 : i32
    %dma_wait3A_170 = arith.constant 0 : i32
    %dma_wait3A_171 = tpu.memref_slice %arg15[%dma_wait3A_169, %dma_wait3A_170] : memref<512x32xf32, #tpu.memory_space<vmem>> -> memref<128x32xf32, #tpu.memory_space<vmem>>
    %dma_wait3A_172 = arith.constant 0 : i32
    %dma_wait3A_173 = tpu.memref_slice %arg9[%dma_wait3A_168, %dma_wait3A_172] : memref<4x128xi32, #tpu.memory_space<vmem>> -> memref<1x128xi32, #tpu.memory_space<vmem>>
    %dma_wait3A_174 = tpu.memref_squeeze %dma_wait3A_173 : memref<1x128xi32, #tpu.memory_space<vmem>> -> memref<128xi32, #tpu.memory_space<vmem>>
    %dma_wait3A_175 = arith.constant 0 : i32
    %dma_wait3A_176 = arith.constant 0 : i32
    %dma_wait3A_177 = tpu.memref_slice %arg18[%dma_wait3A_175, %dma_wait3A_176] : memref<10016x32xf32, #tpu.memory_space<vmem_shared>> -> memref<10016x32xf32, #tpu.memory_space<vmem_shared>>
    tpu.wait_indirect_dma semaphore(%arg22 : memref<!tpu.dma_semaphore, #tpu.memory_space<semaphore_mem>>) src(%dma_wait3A_171 : memref<128x32xf32, #tpu.memory_space<vmem>>) dst(%dma_wait3A_177 : memref<10016x32xf32, #tpu.memory_space<vmem_shared>>)
    %dma_wait3A_178 = arith.constant 3 : i32
    %dma_wait3A_179 = arith.constant 384 : i32
    %dma_wait3A_180 = arith.constant 0 : i32
    %dma_wait3A_181 = tpu.memref_slice %arg15[%dma_wait3A_179, %dma_wait3A_180] : memref<512x32xf32, #tpu.memory_space<vmem>> -> memref<128x32xf32, #tpu.memory_space<vmem>>
    %dma_wait3A_182 = arith.constant 0 : i32
    %dma_wait3A_183 = tpu.memref_slice %arg9[%dma_wait3A_178, %dma_wait3A_182] : memref<4x128xi32, #tpu.memory_space<vmem>> -> memref<1x128xi32, #tpu.memory_space<vmem>>
    %dma_wait3A_184 = tpu.memref_squeeze %dma_wait3A_183 : memref<1x128xi32, #tpu.memory_space<vmem>> -> memref<128xi32, #tpu.memory_space<vmem>>
    %dma_wait3A_185 = arith.constant 0 : i32
    %dma_wait3A_186 = arith.constant 0 : i32
    %dma_wait3A_187 = tpu.memref_slice %arg18[%dma_wait3A_185, %dma_wait3A_186] : memref<10016x32xf32, #tpu.memory_space<vmem_shared>> -> memref<10016x32xf32, #tpu.memory_space<vmem_shared>>
    tpu.wait_indirect_dma semaphore(%arg22 : memref<!tpu.dma_semaphore, #tpu.memory_space<semaphore_mem>>) src(%dma_wait3A_181 : memref<128x32xf32, #tpu.memory_space<vmem>>) dst(%dma_wait3A_187 : memref<10016x32xf32, #tpu.memory_space<vmem_shared>>)
    %barrier3A_188 = arith.constant 0 : index
    tpu.barrier barrier_id(%barrier3A_188)
    %mul3A_189 = arith.constant 624 : i32
    %mul3A_190 = arith.muli %arg1, %mul3A_189 : i32
    %mul3A_191 = arith.constant 624 : i32
    %mul3A_192 = arith.muli %arg1, %mul3A_191 : i32
    "tpu.region"() ({
      %run_scoped3A = tpu.sem_alloc : memref<!tpu.dma_semaphore, #tpu.memory_space<semaphore_mem>>
      %dma_start3A_198 = arith.constant 0 : i32
      %dma_start3A_199 = tpu.memref_slice %arg7[%arg0, %mul3A_192, %dma_start3A_198] : memref<2x10000x32xf32, #tpu.memory_space<hbm>> -> memref<1x624x32xf32, #tpu.memory_space<hbm>>
      %dma_start3A_200 = tpu.memref_squeeze %dma_start3A_199 : memref<1x624x32xf32, #tpu.memory_space<hbm>> -> memref<624x32xf32, #tpu.memory_space<hbm>>
      %dma_start3A_201 = arith.constant 0 : i32
      %dma_start3A_202 = tpu.memref_slice %arg18[%mul3A_190, %dma_start3A_201] : memref<10016x32xf32, #tpu.memory_space<vmem_shared>> -> memref<624x32xf32, #tpu.memory_space<vmem_shared>>
      tpu.enqueue_dma source(%dma_start3A_202 : memref<624x32xf32, #tpu.memory_space<vmem_shared>>) target(%dma_start3A_200 : memref<624x32xf32, #tpu.memory_space<hbm>>) target_semaphore(%run_scoped3A : memref<!tpu.dma_semaphore, #tpu.memory_space<semaphore_mem>>)
      %dma_wait3A_203 = arith.constant 0 : i32
      %dma_wait3A_204 = tpu.memref_slice %arg7[%arg0, %mul3A_192, %dma_wait3A_203] : memref<2x10000x32xf32, #tpu.memory_space<hbm>> -> memref<1x624x32xf32, #tpu.memory_space<hbm>>
      %dma_wait3A_205 = tpu.memref_squeeze %dma_wait3A_204 : memref<1x624x32xf32, #tpu.memory_space<hbm>> -> memref<624x32xf32, #tpu.memory_space<hbm>>
      %dma_wait3A_206 = arith.constant 0 : i32
      %dma_wait3A_207 = tpu.memref_slice %arg18[%mul3A_190, %dma_wait3A_206] : memref<10016x32xf32, #tpu.memory_space<vmem_shared>> -> memref<624x32xf32, #tpu.memory_space<vmem_shared>>
      tpu.wait_dma2 semaphore(%run_scoped3A : memref<!tpu.dma_semaphore, #tpu.memory_space<semaphore_mem>>) src(%dma_wait3A_207 : memref<624x32xf32, #tpu.memory_space<vmem_shared>>) dst(%dma_wait3A_205 : memref<624x32xf32, #tpu.memory_space<hbm>>)
      tpu.yield
    }) : () -> ()
    %eq3A_193 = arith.constant 15 : i32
    %eq3A_194 = arith.cmpi eq, %arg1, %eq3A_193 : i32
    %convert_element_type3A_195 = arith.extui %eq3A_194 : i1 to i32
    %cond3A_196 = arith.constant 0 : i32
    %cond3A_197 = arith.cmpi ne, %convert_element_type3A_195, %cond3A_196 : i32
    scf.if %cond3A_197 {
      "tpu.region"() ({
        %run_scoped3A = tpu.sem_alloc : memref<!tpu.dma_semaphore, #tpu.memory_space<semaphore_mem>>
        %dma_start3A_198 = arith.constant 9984 : i32
        %dma_start3A_199 = arith.constant 0 : i32
        %dma_start3A_200 = tpu.memref_slice %arg7[%arg0, %dma_start3A_198, %dma_start3A_199] : memref<2x10000x32xf32, #tpu.memory_space<hbm>> -> memref<1x16x32xf32, #tpu.memory_space<hbm>>
        %dma_start3A_201 = tpu.memref_squeeze %dma_start3A_200 : memref<1x16x32xf32, #tpu.memory_space<hbm>> -> memref<16x32xf32, #tpu.memory_space<hbm>>
        %dma_start3A_202 = arith.constant 9984 : i32
        %dma_start3A_203 = arith.constant 0 : i32
        %dma_start3A_204 = tpu.memref_slice %arg18[%dma_start3A_202, %dma_start3A_203] : memref<10016x32xf32, #tpu.memory_space<vmem_shared>> -> memref<16x32xf32, #tpu.memory_space<vmem_shared>>
        tpu.enqueue_dma source(%dma_start3A_204 : memref<16x32xf32, #tpu.memory_space<vmem_shared>>) target(%dma_start3A_201 : memref<16x32xf32, #tpu.memory_space<hbm>>) target_semaphore(%run_scoped3A : memref<!tpu.dma_semaphore, #tpu.memory_space<semaphore_mem>>)
        %dma_wait3A_205 = arith.constant 9984 : i32
        %dma_wait3A_206 = arith.constant 0 : i32
        %dma_wait3A_207 = tpu.memref_slice %arg7[%arg0, %dma_wait3A_205, %dma_wait3A_206] : memref<2x10000x32xf32, #tpu.memory_space<hbm>> -> memref<1x16x32xf32, #tpu.memory_space<hbm>>
        %dma_wait3A_208 = tpu.memref_squeeze %dma_wait3A_207 : memref<1x16x32xf32, #tpu.memory_space<hbm>> -> memref<16x32xf32, #tpu.memory_space<hbm>>
        %dma_wait3A_209 = arith.constant 9984 : i32
        %dma_wait3A_210 = arith.constant 0 : i32
        %dma_wait3A_211 = tpu.memref_slice %arg18[%dma_wait3A_209, %dma_wait3A_210] : memref<10016x32xf32, #tpu.memory_space<vmem_shared>> -> memref<16x32xf32, #tpu.memory_space<vmem_shared>>
        tpu.wait_dma2 semaphore(%run_scoped3A : memref<!tpu.dma_semaphore, #tpu.memory_space<semaphore_mem>>) src(%dma_wait3A_211 : memref<16x32xf32, #tpu.memory_space<vmem_shared>>) dst(%dma_wait3A_208 : memref<16x32xf32, #tpu.memory_space<hbm>>)
        tpu.yield
      }) : () -> ()
    } else {
    }
    return
  }
}

module attributes {stable_mosaic.version = 14 : i64} {
  func.func @_proj_nodes_body(%arg0: memref<10000x128xf32, #tpu.memory_space<vmem>>, %arg1: memref<128x32xf32, #tpu.memory_space<vmem>>, %arg2: memref<128x32xf32, #tpu.memory_space<vmem>>, %arg3: memref<10016x32xf32, #tpu.memory_space<vmem>>, %arg4: memref<10016x32xf32, #tpu.memory_space<vmem>>) attributes {dimension_semantics = [], scalar_prefetch = 0 : i64, scratch_operands = 0 : i64, tpu.core_type = #tpu.core_type<tc>} {
    %get3A = arith.constant 0 : index
    %get3A_0 = arith.constant 0 : index
    %get3A_1 = vector.load %arg0[%get3A, %get3A_0] : memref<10000x128xf32, #tpu.memory_space<vmem>>, vector<10000x128xf32>
    %broadcast_in_dim3A = arith.constant 0.000000e+00 : f32
    %broadcast_in_dim3A_2 = vector.broadcast %broadcast_in_dim3A : f32 to vector<16x32xf32>
    %get3A_3 = arith.constant 0 : index
    %get3A_4 = arith.constant 0 : index
    %get3A_5 = vector.load %arg1[%get3A_3, %get3A_4] : memref<128x32xf32, #tpu.memory_space<vmem>>, vector<128x32xf32>
    %dot_general3A = arith.constant dense<0.000000e+00> : vector<10000x32xf32>
    %dot_general3A_6 = tpu.matmul %get3A_1, %get3A_5, %dot_general3A {dimension_numbers = #tpu.dot_dimension_numbers<[1], [0], [0], [1], [0, 0, 1, 1], [], []>, transpose_lhs_hint = false} : vector<10000x128xf32>, vector<128x32xf32>, vector<10000x32xf32> -> vector<10000x32xf32>
    %swap3A = arith.constant 0 : index
    %swap3A_7 = arith.constant 0 : index
    %swap3A_8 = vector.load %arg3[%swap3A, %swap3A_7] : memref<10016x32xf32, #tpu.memory_space<vmem>>, vector<10000x32xf32>
    tpu.vector_store %arg3[%swap3A, %swap3A_7], %dot_general3A_6 {strides = array<i32>} : memref<10016x32xf32, #tpu.memory_space<vmem>>, vector<10000x32xf32>,
    %swap3A_9 = arith.constant 10000 : index
    %swap3A_10 = arith.constant 0 : index
    %swap3A_11 = vector.load %arg3[%swap3A_9, %swap3A_10] : memref<10016x32xf32, #tpu.memory_space<vmem>>, vector<16x32xf32>
    tpu.vector_store %arg3[%swap3A_9, %swap3A_10], %broadcast_in_dim3A_2 {strides = array<i32>} : memref<10016x32xf32, #tpu.memory_space<vmem>>, vector<16x32xf32>,
    %get3A_12 = arith.constant 0 : index
    %get3A_13 = arith.constant 0 : index
    %get3A_14 = vector.load %arg2[%get3A_12, %get3A_13] : memref<128x32xf32, #tpu.memory_space<vmem>>, vector<128x32xf32>
    %dot_general3A_15 = arith.constant dense<0.000000e+00> : vector<10000x32xf32>
    %dot_general3A_16 = tpu.matmul %get3A_1, %get3A_14, %dot_general3A_15 {dimension_numbers = #tpu.dot_dimension_numbers<[1], [0], [0], [1], [0, 0, 1, 1], [], []>, transpose_lhs_hint = false} : vector<10000x128xf32>, vector<128x32xf32>, vector<10000x32xf32> -> vector<10000x32xf32>
    %swap3A_17 = arith.constant 0 : index
    %swap3A_18 = arith.constant 0 : index
    %swap3A_19 = vector.load %arg4[%swap3A_17, %swap3A_18] : memref<10016x32xf32, #tpu.memory_space<vmem>>, vector<10000x32xf32>
    tpu.vector_store %arg4[%swap3A_17, %swap3A_18], %dot_general3A_16 {strides = array<i32>} : memref<10016x32xf32, #tpu.memory_space<vmem>>, vector<10000x32xf32>,
    %swap3A_20 = arith.constant 10000 : index
    %swap3A_21 = arith.constant 0 : index
    %swap3A_22 = vector.load %arg4[%swap3A_20, %swap3A_21] : memref<10016x32xf32, #tpu.memory_space<vmem>>, vector<16x32xf32>
    tpu.vector_store %arg4[%swap3A_20, %swap3A_21], %broadcast_in_dim3A_2 {strides = array<i32>} : memref<10016x32xf32, #tpu.memory_space<vmem>>, vector<16x32xf32>,
    return
  }
}

module attributes {stable_mosaic.version = 14 : i64} {
  func.func @_proj_edges_body(%arg0: i32, %arg1: memref<16x16384xf32, #tpu.memory_space<vmem>>, %arg2: memref<16x32xf32, #tpu.memory_space<vmem>>, %arg3: memref<1x32xf32, #tpu.memory_space<vmem>>, %arg4: memref<4096x128xf32, #tpu.memory_space<vmem>>) attributes {dimension_semantics = [#tpu.dimension_semantics<arbitrary>], iteration_bounds = array<i64: 20>, scalar_prefetch = 0 : i64, scratch_operands = 0 : i64, tpu.core_type = #tpu.core_type<tc>, window_params = [{transform_indices = @transform_0, window_bounds = array<i64: 16, 16384>}, {pipeline_mode = #tpu.pipeline_mode<synchronous>, transform_indices = @transform_1, window_bounds = array<i64: 16, 32>}, {pipeline_mode = #tpu.pipeline_mode<synchronous>, transform_indices = @transform_2, window_bounds = array<i64: 1, 32>}, {transform_indices = @transform_3, window_bounds = array<i64: 4096, 128>}]} {
    %get3A = arith.constant 0 : index
    %get3A_0 = arith.constant 0 : index
    %get3A_1 = vector.load %arg1[%get3A, %get3A_0] : memref<16x16384xf32, #tpu.memory_space<vmem>>, vector<16x16384xf32>
    %get3A_2 = arith.constant 0 : index
    %get3A_3 = arith.constant 0 : index
    %get3A_4 = vector.load %arg2[%get3A_2, %get3A_3] : memref<16x32xf32, #tpu.memory_space<vmem>>, vector<16x32xf32>
    %dot_general3A = arith.constant dense<0.000000e+00> : vector<16384x32xf32>
    %dot_general3A_5 = tpu.matmul %get3A_1, %get3A_4, %dot_general3A {dimension_numbers = #tpu.dot_dimension_numbers<[0], [0], [1], [1], [0, 1, 1, 1], [], []>, transpose_lhs_hint = false} : vector<16x16384xf32>, vector<16x32xf32>, vector<16384x32xf32> -> vector<16384x32xf32>
    %get3A_6 = arith.constant 0 : index
    %get3A_7 = arith.constant 0 : index
    %get3A_8 = vector.load %arg3[%get3A_6, %get3A_7] : memref<1x32xf32, #tpu.memory_space<vmem>>, vector<1x32xf32>
    %add3A = vector.broadcast %get3A_8 : vector<1x32xf32> to vector<16384x32xf32>
    %add3A_9 = arith.addf %dot_general3A_5, %add3A : vector<16384x32xf32>
    %slice3A = vector.extract_strided_slice %add3A_9 {offsets = [0, 0], sizes = [128, 32], strides = [1, 1]} : vector<16384x32xf32> to vector<128x32xf32>
    %slice3A_10 = vector.extract_strided_slice %add3A_9 {offsets = [128, 0], sizes = [128, 32], strides = [1, 1]} : vector<16384x32xf32> to vector<128x32xf32>
    %slice3A_11 = vector.extract_strided_slice %add3A_9 {offsets = [256, 0], sizes = [128, 32], strides = [1, 1]} : vector<16384x32xf32> to vector<128x32xf32>
    %slice3A_12 = vector.extract_strided_slice %add3A_9 {offsets = [384, 0], sizes = [128, 32], strides = [1, 1]} : vector<16384x32xf32> to vector<128x32xf32>
    %concatenate3A = tpu.concatenate %slice3A, %slice3A_10, %slice3A_11, %slice3A_12 in 1 : vector<128x32xf32>, vector<128x32xf32>, vector<128x32xf32>, vector<128x32xf32> -> vector<128x128xf32>
    %slice3A_13 = vector.extract_strided_slice %add3A_9 {offsets = [512, 0], sizes = [128, 32], strides = [1, 1]} : vector<16384x32xf32> to vector<128x32xf32>
    %slice3A_14 = vector.extract_strided_slice %add3A_9 {offsets = [640, 0], sizes = [128, 32], strides = [1, 1]} : vector<16384x32xf32> to vector<128x32xf32>
    %slice3A_15 = vector.extract_strided_slice %add3A_9 {offsets = [768, 0], sizes = [128, 32], strides = [1, 1]} : vector<16384x32xf32> to vector<128x32xf32>
    %slice3A_16 = vector.extract_strided_slice %add3A_9 {offsets = [896, 0], sizes = [128, 32], strides = [1, 1]} : vector<16384x32xf32> to vector<128x32xf32>
    %concatenate3A_17 = tpu.concatenate %slice3A_13, %slice3A_14, %slice3A_15, %slice3A_16 in 1 : vector<128x32xf32>, vector<128x32xf32>, vector<128x32xf32>, vector<128x32xf32> -> vector<128x128xf32>
    %slice3A_18 = vector.extract_strided_slice %add3A_9 {offsets = [1024, 0], sizes = [128, 32], strides = [1, 1]} : vector<16384x32xf32> to vector<128x32xf32>
    %slice3A_19 = vector.extract_strided_slice %add3A_9 {offsets = [1152, 0], sizes = [128, 32], strides = [1, 1]} : vector<16384x32xf32> to vector<128x32xf32>
    %slice3A_20 = vector.extract_strided_slice %add3A_9 {offsets = [1280, 0], sizes = [128, 32], strides = [1, 1]} : vector<16384x32xf32> to vector<128x32xf32>
    %slice3A_21 = vector.extract_strided_slice %add3A_9 {offsets = [1408, 0], sizes = [128, 32], strides = [1, 1]} : vector<16384x32xf32> to vector<128x32xf32>
    %concatenate3A_22 = tpu.concatenate %slice3A_18, %slice3A_19, %slice3A_20, %slice3A_21 in 1 : vector<128x32xf32>, vector<128x32xf32>, vector<128x32xf32>, vector<128x32xf32> -> vector<128x128xf32>
    %slice3A_23 = vector.extract_strided_slice %add3A_9 {offsets = [1536, 0], sizes = [128, 32], strides = [1, 1]} : vector<16384x32xf32> to vector<128x32xf32>
    %slice3A_24 = vector.extract_strided_slice %add3A_9 {offsets = [1664, 0], sizes = [128, 32], strides = [1, 1]} : vector<16384x32xf32> to vector<128x32xf32>
    %slice3A_25 = vector.extract_strided_slice %add3A_9 {offsets = [1792, 0], sizes = [128, 32], strides = [1, 1]} : vector<16384x32xf32> to vector<128x32xf32>
    %slice3A_26 = vector.extract_strided_slice %add3A_9 {offsets = [1920, 0], sizes = [128, 32], strides = [1, 1]} : vector<16384x32xf32> to vector<128x32xf32>
    %concatenate3A_27 = tpu.concatenate %slice3A_23, %slice3A_24, %slice3A_25, %slice3A_26 in 1 : vector<128x32xf32>, vector<128x32xf32>, vector<128x32xf32>, vector<128x32xf32> -> vector<128x128xf32>
    %slice3A_28 = vector.extract_strided_slice %add3A_9 {offsets = [2048, 0], sizes = [128, 32], strides = [1, 1]} : vector<16384x32xf32> to vector<128x32xf32>
    %slice3A_29 = vector.extract_strided_slice %add3A_9 {offsets = [2176, 0], sizes = [128, 32], strides = [1, 1]} : vector<16384x32xf32> to vector<128x32xf32>
    %slice3A_30 = vector.extract_strided_slice %add3A_9 {offsets = [2304, 0], sizes = [128, 32], strides = [1, 1]} : vector<16384x32xf32> to vector<128x32xf32>
    %slice3A_31 = vector.extract_strided_slice %add3A_9 {offsets = [2432, 0], sizes = [128, 32], strides = [1, 1]} : vector<16384x32xf32> to vector<128x32xf32>
    %concatenate3A_32 = tpu.concatenate %slice3A_28, %slice3A_29, %slice3A_30, %slice3A_31 in 1 : vector<128x32xf32>, vector<128x32xf32>, vector<128x32xf32>, vector<128x32xf32> -> vector<128x128xf32>
    %slice3A_33 = vector.extract_strided_slice %add3A_9 {offsets = [2560, 0], sizes = [128, 32], strides = [1, 1]} : vector<16384x32xf32> to vector<128x32xf32>
    %slice3A_34 = vector.extract_strided_slice %add3A_9 {offsets = [2688, 0], sizes = [128, 32], strides = [1, 1]} : vector<16384x32xf32> to vector<128x32xf32>
    %slice3A_35 = vector.extract_strided_slice %add3A_9 {offsets = [2816, 0], sizes = [128, 32], strides = [1, 1]} : vector<16384x32xf32> to vector<128x32xf32>
    %slice3A_36 = vector.extract_strided_slice %add3A_9 {offsets = [2944, 0], sizes = [128, 32], strides = [1, 1]} : vector<16384x32xf32> to vector<128x32xf32>
    %concatenate3A_37 = tpu.concatenate %slice3A_33, %slice3A_34, %slice3A_35, %slice3A_36 in 1 : vector<128x32xf32>, vector<128x32xf32>, vector<128x32xf32>, vector<128x32xf32> -> vector<128x128xf32>
    %slice3A_38 = vector.extract_strided_slice %add3A_9 {offsets = [3072, 0], sizes = [128, 32], strides = [1, 1]} : vector<16384x32xf32> to vector<128x32xf32>
    %slice3A_39 = vector.extract_strided_slice %add3A_9 {offsets = [3200, 0], sizes = [128, 32], strides = [1, 1]} : vector<16384x32xf32> to vector<128x32xf32>
    %slice3A_40 = vector.extract_strided_slice %add3A_9 {offsets = [3328, 0], sizes = [128, 32], strides = [1, 1]} : vector<16384x32xf32> to vector<128x32xf32>
    %slice3A_41 = vector.extract_strided_slice %add3A_9 {offsets = [3456, 0], sizes = [128, 32], strides = [1, 1]} : vector<16384x32xf32> to vector<128x32xf32>
    %concatenate3A_42 = tpu.concatenate %slice3A_38, %slice3A_39, %slice3A_40, %slice3A_41 in 1 : vector<128x32xf32>, vector<128x32xf32>, vector<128x32xf32>, vector<128x32xf32> -> vector<128x128xf32>
    %slice3A_43 = vector.extract_strided_slice %add3A_9 {offsets = [3584, 0], sizes = [128, 32], strides = [1, 1]} : vector<16384x32xf32> to vector<128x32xf32>
    %slice3A_44 = vector.extract_strided_slice %add3A_9 {offsets = [3712, 0], sizes = [128, 32], strides = [1, 1]} : vector<16384x32xf32> to vector<128x32xf32>
    %slice3A_45 = vector.extract_strided_slice %add3A_9 {offsets = [3840, 0], sizes = [128, 32], strides = [1, 1]} : vector<16384x32xf32> to vector<128x32xf32>
    %slice3A_46 = vector.extract_strided_slice %add3A_9 {offsets = [3968, 0], sizes = [128, 32], strides = [1, 1]} : vector<16384x32xf32> to vector<128x32xf32>
    %concatenate3A_47 = tpu.concatenate %slice3A_43, %slice3A_44, %slice3A_45, %slice3A_46 in 1 : vector<128x32xf32>, vector<128x32xf32>, vector<128x32xf32>, vector<128x32xf32> -> vector<128x128xf32>
    %slice3A_48 = vector.extract_strided_slice %add3A_9 {offsets = [4096, 0], sizes = [128, 32], strides = [1, 1]} : vector<16384x32xf32> to vector<128x32xf32>
    %slice3A_49 = vector.extract_strided_slice %add3A_9 {offsets = [4224, 0], sizes = [128, 32], strides = [1, 1]} : vector<16384x32xf32> to vector<128x32xf32>
    %slice3A_50 = vector.extract_strided_slice %add3A_9 {offsets = [4352, 0], sizes = [128, 32], strides = [1, 1]} : vector<16384x32xf32> to vector<128x32xf32>
    %slice3A_51 = vector.extract_strided_slice %add3A_9 {offsets = [4480, 0], sizes = [128, 32], strides = [1, 1]} : vector<16384x32xf32> to vector<128x32xf32>
    %concatenate3A_52 = tpu.concatenate %slice3A_48, %slice3A_49, %slice3A_50, %slice3A_51 in 1 : vector<128x32xf32>, vector<128x32xf32>, vector<128x32xf32>, vector<128x32xf32> -> vector<128x128xf32>
    %slice3A_53 = vector.extract_strided_slice %add3A_9 {offsets = [4608, 0], sizes = [128, 32], strides = [1, 1]} : vector<16384x32xf32> to vector<128x32xf32>
    %slice3A_54 = vector.extract_strided_slice %add3A_9 {offsets = [4736, 0], sizes = [128, 32], strides = [1, 1]} : vector<16384x32xf32> to vector<128x32xf32>
    %slice3A_55 = vector.extract_strided_slice %add3A_9 {offsets = [4864, 0], sizes = [128, 32], strides = [1, 1]} : vector<16384x32xf32> to vector<128x32xf32>
    %slice3A_56 = vector.extract_strided_slice %add3A_9 {offsets = [4992, 0], sizes = [128, 32], strides = [1, 1]} : vector<16384x32xf32> to vector<128x32xf32>
    %concatenate3A_57 = tpu.concatenate %slice3A_53, %slice3A_54, %slice3A_55, %slice3A_56 in 1 : vector<128x32xf32>, vector<128x32xf32>, vector<128x32xf32>, vector<128x32xf32> -> vector<128x128xf32>
    %slice3A_58 = vector.extract_strided_slice %add3A_9 {offsets = [5120, 0], sizes = [128, 32], strides = [1, 1]} : vector<16384x32xf32> to vector<128x32xf32>
    %slice3A_59 = vector.extract_strided_slice %add3A_9 {offsets = [5248, 0], sizes = [128, 32], strides = [1, 1]} : vector<16384x32xf32> to vector<128x32xf32>
    %slice3A_60 = vector.extract_strided_slice %add3A_9 {offsets = [5376, 0], sizes = [128, 32], strides = [1, 1]} : vector<16384x32xf32> to vector<128x32xf32>
    %slice3A_61 = vector.extract_strided_slice %add3A_9 {offsets = [5504, 0], sizes = [128, 32], strides = [1, 1]} : vector<16384x32xf32> to vector<128x32xf32>
    %concatenate3A_62 = tpu.concatenate %slice3A_58, %slice3A_59, %slice3A_60, %slice3A_61 in 1 : vector<128x32xf32>, vector<128x32xf32>, vector<128x32xf32>, vector<128x32xf32> -> vector<128x128xf32>
    %slice3A_63 = vector.extract_strided_slice %add3A_9 {offsets = [5632, 0], sizes = [128, 32], strides = [1, 1]} : vector<16384x32xf32> to vector<128x32xf32>
    %slice3A_64 = vector.extract_strided_slice %add3A_9 {offsets = [5760, 0], sizes = [128, 32], strides = [1, 1]} : vector<16384x32xf32> to vector<128x32xf32>
    %slice3A_65 = vector.extract_strided_slice %add3A_9 {offsets = [5888, 0], sizes = [128, 32], strides = [1, 1]} : vector<16384x32xf32> to vector<128x32xf32>
    %slice3A_66 = vector.extract_strided_slice %add3A_9 {offsets = [6016, 0], sizes = [128, 32], strides = [1, 1]} : vector<16384x32xf32> to vector<128x32xf32>
    %concatenate3A_67 = tpu.concatenate %slice3A_63, %slice3A_64, %slice3A_65, %slice3A_66 in 1 : vector<128x32xf32>, vector<128x32xf32>, vector<128x32xf32>, vector<128x32xf32> -> vector<128x128xf32>
    %slice3A_68 = vector.extract_strided_slice %add3A_9 {offsets = [6144, 0], sizes = [128, 32], strides = [1, 1]} : vector<16384x32xf32> to vector<128x32xf32>
    %slice3A_69 = vector.extract_strided_slice %add3A_9 {offsets = [6272, 0], sizes = [128, 32], strides = [1, 1]} : vector<16384x32xf32> to vector<128x32xf32>
    %slice3A_70 = vector.extract_strided_slice %add3A_9 {offsets = [6400, 0], sizes = [128, 32], strides = [1, 1]} : vector<16384x32xf32> to vector<128x32xf32>
    %slice3A_71 = vector.extract_strided_slice %add3A_9 {offsets = [6528, 0], sizes = [128, 32], strides = [1, 1]} : vector<16384x32xf32> to vector<128x32xf32>
    %concatenate3A_72 = tpu.concatenate %slice3A_68, %slice3A_69, %slice3A_70, %slice3A_71 in 1 : vector<128x32xf32>, vector<128x32xf32>, vector<128x32xf32>, vector<128x32xf32> -> vector<128x128xf32>
    %slice3A_73 = vector.extract_strided_slice %add3A_9 {offsets = [6656, 0], sizes = [128, 32], strides = [1, 1]} : vector<16384x32xf32> to vector<128x32xf32>
    %slice3A_74 = vector.extract_strided_slice %add3A_9 {offsets = [6784, 0], sizes = [128, 32], strides = [1, 1]} : vector<16384x32xf32> to vector<128x32xf32>
    %slice3A_75 = vector.extract_strided_slice %add3A_9 {offsets = [6912, 0], sizes = [128, 32], strides = [1, 1]} : vector<16384x32xf32> to vector<128x32xf32>
    %slice3A_76 = vector.extract_strided_slice %add3A_9 {offsets = [7040, 0], sizes = [128, 32], strides = [1, 1]} : vector<16384x32xf32> to vector<128x32xf32>
    %concatenate3A_77 = tpu.concatenate %slice3A_73, %slice3A_74, %slice3A_75, %slice3A_76 in 1 : vector<128x32xf32>, vector<128x32xf32>, vector<128x32xf32>, vector<128x32xf32> -> vector<128x128xf32>
    %slice3A_78 = vector.extract_strided_slice %add3A_9 {offsets = [7168, 0], sizes = [128, 32], strides = [1, 1]} : vector<16384x32xf32> to vector<128x32xf32>
    %slice3A_79 = vector.extract_strided_slice %add3A_9 {offsets = [7296, 0], sizes = [128, 32], strides = [1, 1]} : vector<16384x32xf32> to vector<128x32xf32>
    %slice3A_80 = vector.extract_strided_slice %add3A_9 {offsets = [7424, 0], sizes = [128, 32], strides = [1, 1]} : vector<16384x32xf32> to vector<128x32xf32>
    %slice3A_81 = vector.extract_strided_slice %add3A_9 {offsets = [7552, 0], sizes = [128, 32], strides = [1, 1]} : vector<16384x32xf32> to vector<128x32xf32>
    %concatenate3A_82 = tpu.concatenate %slice3A_78, %slice3A_79, %slice3A_80, %slice3A_81 in 1 : vector<128x32xf32>, vector<128x32xf32>, vector<128x32xf32>, vector<128x32xf32> -> vector<128x128xf32>
    %slice3A_83 = vector.extract_strided_slice %add3A_9 {offsets = [7680, 0], sizes = [128, 32], strides = [1, 1]} : vector<16384x32xf32> to vector<128x32xf32>
    %slice3A_84 = vector.extract_strided_slice %add3A_9 {offsets = [7808, 0], sizes = [128, 32], strides = [1, 1]} : vector<16384x32xf32> to vector<128x32xf32>
    %slice3A_85 = vector.extract_strided_slice %add3A_9 {offsets = [7936, 0], sizes = [128, 32], strides = [1, 1]} : vector<16384x32xf32> to vector<128x32xf32>
    %slice3A_86 = vector.extract_strided_slice %add3A_9 {offsets = [8064, 0], sizes = [128, 32], strides = [1, 1]} : vector<16384x32xf32> to vector<128x32xf32>
    %concatenate3A_87 = tpu.concatenate %slice3A_83, %slice3A_84, %slice3A_85, %slice3A_86 in 1 : vector<128x32xf32>, vector<128x32xf32>, vector<128x32xf32>, vector<128x32xf32> -> vector<128x128xf32>
    %slice3A_88 = vector.extract_strided_slice %add3A_9 {offsets = [8192, 0], sizes = [128, 32], strides = [1, 1]} : vector<16384x32xf32> to vector<128x32xf32>
    %slice3A_89 = vector.extract_strided_slice %add3A_9 {offsets = [8320, 0], sizes = [128, 32], strides = [1, 1]} : vector<16384x32xf32> to vector<128x32xf32>
    %slice3A_90 = vector.extract_strided_slice %add3A_9 {offsets = [8448, 0], sizes = [128, 32], strides = [1, 1]} : vector<16384x32xf32> to vector<128x32xf32>
    %slice3A_91 = vector.extract_strided_slice %add3A_9 {offsets = [8576, 0], sizes = [128, 32], strides = [1, 1]} : vector<16384x32xf32> to vector<128x32xf32>
    %concatenate3A_92 = tpu.concatenate %slice3A_88, %slice3A_89, %slice3A_90, %slice3A_91 in 1 : vector<128x32xf32>, vector<128x32xf32>, vector<128x32xf32>, vector<128x32xf32> -> vector<128x128xf32>
    %slice3A_93 = vector.extract_strided_slice %add3A_9 {offsets = [8704, 0], sizes = [128, 32], strides = [1, 1]} : vector<16384x32xf32> to vector<128x32xf32>
    %slice3A_94 = vector.extract_strided_slice %add3A_9 {offsets = [8832, 0], sizes = [128, 32], strides = [1, 1]} : vector<16384x32xf32> to vector<128x32xf32>
    %slice3A_95 = vector.extract_strided_slice %add3A_9 {offsets = [8960, 0], sizes = [128, 32], strides = [1, 1]} : vector<16384x32xf32> to vector<128x32xf32>
    %slice3A_96 = vector.extract_strided_slice %add3A_9 {offsets = [9088, 0], sizes = [128, 32], strides = [1, 1]} : vector<16384x32xf32> to vector<128x32xf32>
    %concatenate3A_97 = tpu.concatenate %slice3A_93, %slice3A_94, %slice3A_95, %slice3A_96 in 1 : vector<128x32xf32>, vector<128x32xf32>, vector<128x32xf32>, vector<128x32xf32> -> vector<128x128xf32>
    %slice3A_98 = vector.extract_strided_slice %add3A_9 {offsets = [9216, 0], sizes = [128, 32], strides = [1, 1]} : vector<16384x32xf32> to vector<128x32xf32>
    %slice3A_99 = vector.extract_strided_slice %add3A_9 {offsets = [9344, 0], sizes = [128, 32], strides = [1, 1]} : vector<16384x32xf32> to vector<128x32xf32>
    %slice3A_100 = vector.extract_strided_slice %add3A_9 {offsets = [9472, 0], sizes = [128, 32], strides = [1, 1]} : vector<16384x32xf32> to vector<128x32xf32>
    %slice3A_101 = vector.extract_strided_slice %add3A_9 {offsets = [9600, 0], sizes = [128, 32], strides = [1, 1]} : vector<16384x32xf32> to vector<128x32xf32>
    %concatenate3A_102 = tpu.concatenate %slice3A_98, %slice3A_99, %slice3A_100, %slice3A_101 in 1 : vector<128x32xf32>, vector<128x32xf32>, vector<128x32xf32>, vector<128x32xf32> -> vector<128x128xf32>
    %slice3A_103 = vector.extract_strided_slice %add3A_9 {offsets = [9728, 0], sizes = [128, 32], strides = [1, 1]} : vector<16384x32xf32> to vector<128x32xf32>
    %slice3A_104 = vector.extract_strided_slice %add3A_9 {offsets = [9856, 0], sizes = [128, 32], strides = [1, 1]} : vector<16384x32xf32> to vector<128x32xf32>
    %slice3A_105 = vector.extract_strided_slice %add3A_9 {offsets = [9984, 0], sizes = [128, 32], strides = [1, 1]} : vector<16384x32xf32> to vector<128x32xf32>
    %slice3A_106 = vector.extract_strided_slice %add3A_9 {offsets = [10112, 0], sizes = [128, 32], strides = [1, 1]} : vector<16384x32xf32> to vector<128x32xf32>
    %concatenate3A_107 = tpu.concatenate %slice3A_103, %slice3A_104, %slice3A_105, %slice3A_106 in 1 : vector<128x32xf32>, vector<128x32xf32>, vector<128x32xf32>, vector<128x32xf32> -> vector<128x128xf32>
    %slice3A_108 = vector.extract_strided_slice %add3A_9 {offsets = [10240, 0], sizes = [128, 32], strides = [1, 1]} : vector<16384x32xf32> to vector<128x32xf32>
    %slice3A_109 = vector.extract_strided_slice %add3A_9 {offsets = [10368, 0], sizes = [128, 32], strides = [1, 1]} : vector<16384x32xf32> to vector<128x32xf32>
    %slice3A_110 = vector.extract_strided_slice %add3A_9 {offsets = [10496, 0], sizes = [128, 32], strides = [1, 1]} : vector<16384x32xf32> to vector<128x32xf32>
    %slice3A_111 = vector.extract_strided_slice %add3A_9 {offsets = [10624, 0], sizes = [128, 32], strides = [1, 1]} : vector<16384x32xf32> to vector<128x32xf32>
    %concatenate3A_112 = tpu.concatenate %slice3A_108, %slice3A_109, %slice3A_110, %slice3A_111 in 1 : vector<128x32xf32>, vector<128x32xf32>, vector<128x32xf32>, vector<128x32xf32> -> vector<128x128xf32>
    %slice3A_113 = vector.extract_strided_slice %add3A_9 {offsets = [10752, 0], sizes = [128, 32], strides = [1, 1]} : vector<16384x32xf32> to vector<128x32xf32>
    %slice3A_114 = vector.extract_strided_slice %add3A_9 {offsets = [10880, 0], sizes = [128, 32], strides = [1, 1]} : vector<16384x32xf32> to vector<128x32xf32>
    %slice3A_115 = vector.extract_strided_slice %add3A_9 {offsets = [11008, 0], sizes = [128, 32], strides = [1, 1]} : vector<16384x32xf32> to vector<128x32xf32>
    %slice3A_116 = vector.extract_strided_slice %add3A_9 {offsets = [11136, 0], sizes = [128, 32], strides = [1, 1]} : vector<16384x32xf32> to vector<128x32xf32>
    %concatenate3A_117 = tpu.concatenate %slice3A_113, %slice3A_114, %slice3A_115, %slice3A_116 in 1 : vector<128x32xf32>, vector<128x32xf32>, vector<128x32xf32>, vector<128x32xf32> -> vector<128x128xf32>
    %slice3A_118 = vector.extract_strided_slice %add3A_9 {offsets = [11264, 0], sizes = [128, 32], strides = [1, 1]} : vector<16384x32xf32> to vector<128x32xf32>
    %slice3A_119 = vector.extract_strided_slice %add3A_9 {offsets = [11392, 0], sizes = [128, 32], strides = [1, 1]} : vector<16384x32xf32> to vector<128x32xf32>
    %slice3A_120 = vector.extract_strided_slice %add3A_9 {offsets = [11520, 0], sizes = [128, 32], strides = [1, 1]} : vector<16384x32xf32> to vector<128x32xf32>
    %slice3A_121 = vector.extract_strided_slice %add3A_9 {offsets = [11648, 0], sizes = [128, 32], strides = [1, 1]} : vector<16384x32xf32> to vector<128x32xf32>
    %concatenate3A_122 = tpu.concatenate %slice3A_118, %slice3A_119, %slice3A_120, %slice3A_121 in 1 : vector<128x32xf32>, vector<128x32xf32>, vector<128x32xf32>, vector<128x32xf32> -> vector<128x128xf32>
    %slice3A_123 = vector.extract_strided_slice %add3A_9 {offsets = [11776, 0], sizes = [128, 32], strides = [1, 1]} : vector<16384x32xf32> to vector<128x32xf32>
    %slice3A_124 = vector.extract_strided_slice %add3A_9 {offsets = [11904, 0], sizes = [128, 32], strides = [1, 1]} : vector<16384x32xf32> to vector<128x32xf32>
    %slice3A_125 = vector.extract_strided_slice %add3A_9 {offsets = [12032, 0], sizes = [128, 32], strides = [1, 1]} : vector<16384x32xf32> to vector<128x32xf32>
    %slice3A_126 = vector.extract_strided_slice %add3A_9 {offsets = [12160, 0], sizes = [128, 32], strides = [1, 1]} : vector<16384x32xf32> to vector<128x32xf32>
    %concatenate3A_127 = tpu.concatenate %slice3A_123, %slice3A_124, %slice3A_125, %slice3A_126 in 1 : vector<128x32xf32>, vector<128x32xf32>, vector<128x32xf32>, vector<128x32xf32> -> vector<128x128xf32>
    %slice3A_128 = vector.extract_strided_slice %add3A_9 {offsets = [12288, 0], sizes = [128, 32], strides = [1, 1]} : vector<16384x32xf32> to vector<128x32xf32>
    %slice3A_129 = vector.extract_strided_slice %add3A_9 {offsets = [12416, 0], sizes = [128, 32], strides = [1, 1]} : vector<16384x32xf32> to vector<128x32xf32>
    %slice3A_130 = vector.extract_strided_slice %add3A_9 {offsets = [12544, 0], sizes = [128, 32], strides = [1, 1]} : vector<16384x32xf32> to vector<128x32xf32>
    %slice3A_131 = vector.extract_strided_slice %add3A_9 {offsets = [12672, 0], sizes = [128, 32], strides = [1, 1]} : vector<16384x32xf32> to vector<128x32xf32>
    %concatenate3A_132 = tpu.concatenate %slice3A_128, %slice3A_129, %slice3A_130, %slice3A_131 in 1 : vector<128x32xf32>, vector<128x32xf32>, vector<128x32xf32>, vector<128x32xf32> -> vector<128x128xf32>
    %slice3A_133 = vector.extract_strided_slice %add3A_9 {offsets = [12800, 0], sizes = [128, 32], strides = [1, 1]} : vector<16384x32xf32> to vector<128x32xf32>
    %slice3A_134 = vector.extract_strided_slice %add3A_9 {offsets = [12928, 0], sizes = [128, 32], strides = [1, 1]} : vector<16384x32xf32> to vector<128x32xf32>
    %slice3A_135 = vector.extract_strided_slice %add3A_9 {offsets = [13056, 0], sizes = [128, 32], strides = [1, 1]} : vector<16384x32xf32> to vector<128x32xf32>
    %slice3A_136 = vector.extract_strided_slice %add3A_9 {offsets = [13184, 0], sizes = [128, 32], strides = [1, 1]} : vector<16384x32xf32> to vector<128x32xf32>
    %concatenate3A_137 = tpu.concatenate %slice3A_133, %slice3A_134, %slice3A_135, %slice3A_136 in 1 : vector<128x32xf32>, vector<128x32xf32>, vector<128x32xf32>, vector<128x32xf32> -> vector<128x128xf32>
    %slice3A_138 = vector.extract_strided_slice %add3A_9 {offsets = [13312, 0], sizes = [128, 32], strides = [1, 1]} : vector<16384x32xf32> to vector<128x32xf32>
    %slice3A_139 = vector.extract_strided_slice %add3A_9 {offsets = [13440, 0], sizes = [128, 32], strides = [1, 1]} : vector<16384x32xf32> to vector<128x32xf32>
    %slice3A_140 = vector.extract_strided_slice %add3A_9 {offsets = [13568, 0], sizes = [128, 32], strides = [1, 1]} : vector<16384x32xf32> to vector<128x32xf32>
    %slice3A_141 = vector.extract_strided_slice %add3A_9 {offsets = [13696, 0], sizes = [128, 32], strides = [1, 1]} : vector<16384x32xf32> to vector<128x32xf32>
    %concatenate3A_142 = tpu.concatenate %slice3A_138, %slice3A_139, %slice3A_140, %slice3A_141 in 1 : vector<128x32xf32>, vector<128x32xf32>, vector<128x32xf32>, vector<128x32xf32> -> vector<128x128xf32>
    %slice3A_143 = vector.extract_strided_slice %add3A_9 {offsets = [13824, 0], sizes = [128, 32], strides = [1, 1]} : vector<16384x32xf32> to vector<128x32xf32>
    %slice3A_144 = vector.extract_strided_slice %add3A_9 {offsets = [13952, 0], sizes = [128, 32], strides = [1, 1]} : vector<16384x32xf32> to vector<128x32xf32>
    %slice3A_145 = vector.extract_strided_slice %add3A_9 {offsets = [14080, 0], sizes = [128, 32], strides = [1, 1]} : vector<16384x32xf32> to vector<128x32xf32>
    %slice3A_146 = vector.extract_strided_slice %add3A_9 {offsets = [14208, 0], sizes = [128, 32], strides = [1, 1]} : vector<16384x32xf32> to vector<128x32xf32>
    %concatenate3A_147 = tpu.concatenate %slice3A_143, %slice3A_144, %slice3A_145, %slice3A_146 in 1 : vector<128x32xf32>, vector<128x32xf32>, vector<128x32xf32>, vector<128x32xf32> -> vector<128x128xf32>
    %slice3A_148 = vector.extract_strided_slice %add3A_9 {offsets = [14336, 0], sizes = [128, 32], strides = [1, 1]} : vector<16384x32xf32> to vector<128x32xf32>
    %slice3A_149 = vector.extract_strided_slice %add3A_9 {offsets = [14464, 0], sizes = [128, 32], strides = [1, 1]} : vector<16384x32xf32> to vector<128x32xf32>
    %slice3A_150 = vector.extract_strided_slice %add3A_9 {offsets = [14592, 0], sizes = [128, 32], strides = [1, 1]} : vector<16384x32xf32> to vector<128x32xf32>
    %slice3A_151 = vector.extract_strided_slice %add3A_9 {offsets = [14720, 0], sizes = [128, 32], strides = [1, 1]} : vector<16384x32xf32> to vector<128x32xf32>
    %concatenate3A_152 = tpu.concatenate %slice3A_148, %slice3A_149, %slice3A_150, %slice3A_151 in 1 : vector<128x32xf32>, vector<128x32xf32>, vector<128x32xf32>, vector<128x32xf32> -> vector<128x128xf32>
    %slice3A_153 = vector.extract_strided_slice %add3A_9 {offsets = [14848, 0], sizes = [128, 32], strides = [1, 1]} : vector<16384x32xf32> to vector<128x32xf32>
    %slice3A_154 = vector.extract_strided_slice %add3A_9 {offsets = [14976, 0], sizes = [128, 32], strides = [1, 1]} : vector<16384x32xf32> to vector<128x32xf32>
    %slice3A_155 = vector.extract_strided_slice %add3A_9 {offsets = [15104, 0], sizes = [128, 32], strides = [1, 1]} : vector<16384x32xf32> to vector<128x32xf32>
    %slice3A_156 = vector.extract_strided_slice %add3A_9 {offsets = [15232, 0], sizes = [128, 32], strides = [1, 1]} : vector<16384x32xf32> to vector<128x32xf32>
    %concatenate3A_157 = tpu.concatenate %slice3A_153, %slice3A_154, %slice3A_155, %slice3A_156 in 1 : vector<128x32xf32>, vector<128x32xf32>, vector<128x32xf32>, vector<128x32xf32> -> vector<128x128xf32>
    %slice3A_158 = vector.extract_strided_slice %add3A_9 {offsets = [15360, 0], sizes = [128, 32], strides = [1, 1]} : vector<16384x32xf32> to vector<128x32xf32>
    %slice3A_159 = vector.extract_strided_slice %add3A_9 {offsets = [15488, 0], sizes = [128, 32], strides = [1, 1]} : vector<16384x32xf32> to vector<128x32xf32>
    %slice3A_160 = vector.extract_strided_slice %add3A_9 {offsets = [15616, 0], sizes = [128, 32], strides = [1, 1]} : vector<16384x32xf32> to vector<128x32xf32>
    %slice3A_161 = vector.extract_strided_slice %add3A_9 {offsets = [15744, 0], sizes = [128, 32], strides = [1, 1]} : vector<16384x32xf32> to vector<128x32xf32>
    %concatenate3A_162 = tpu.concatenate %slice3A_158, %slice3A_159, %slice3A_160, %slice3A_161 in 1 : vector<128x32xf32>, vector<128x32xf32>, vector<128x32xf32>, vector<128x32xf32> -> vector<128x128xf32>
    %slice3A_163 = vector.extract_strided_slice %add3A_9 {offsets = [15872, 0], sizes = [128, 32], strides = [1, 1]} : vector<16384x32xf32> to vector<128x32xf32>
    %slice3A_164 = vector.extract_strided_slice %add3A_9 {offsets = [16000, 0], sizes = [128, 32], strides = [1, 1]} : vector<16384x32xf32> to vector<128x32xf32>
    %slice3A_165 = vector.extract_strided_slice %add3A_9 {offsets = [16128, 0], sizes = [128, 32], strides = [1, 1]} : vector<16384x32xf32> to vector<128x32xf32>
    %slice3A_166 = vector.extract_strided_slice %add3A_9 {offsets = [16256, 0], sizes = [128, 32], strides = [1, 1]} : vector<16384x32xf32> to vector<128x32xf32>
    %concatenate3A_167 = tpu.concatenate %slice3A_163, %slice3A_164, %slice3A_165, %slice3A_166 in 1 : vector<128x32xf32>, vector<128x32xf32>, vector<128x32xf32>, vector<128x32xf32> -> vector<128x128xf32>
    %concatenate3A_168 = tpu.concatenate %concatenate3A, %concatenate3A_17, %concatenate3A_22, %concatenate3A_27, %concatenate3A_32, %concatenate3A_37, %concatenate3A_42, %concatenate3A_47, %concatenate3A_52, %concatenate3A_57, %concatenate3A_62, %concatenate3A_67, %concatenate3A_72, %concatenate3A_77, %concatenate3A_82, %concatenate3A_87, %concatenate3A_92, %concatenate3A_97, %concatenate3A_102, %concatenate3A_107, %concatenate3A_112, %concatenate3A_117, %concatenate3A_122, %concatenate3A_127, %concatenate3A_132, %concatenate3A_137, %concatenate3A_142, %concatenate3A_147, %concatenate3A_152, %concatenate3A_157, %concatenate3A_162, %concatenate3A_167 in 0 : vector<128x128xf32>, vector<128x128xf32>, vector<128x128xf32>, vector<128x128xf32>, vector<128x128xf32>, vector<128x128xf32>, vector<128x128xf32>, vector<128x128xf32>, vector<128x128xf32>, vector<128x128xf32>, vector<128x128xf32>, vector<128x128xf32>, vector<128x128xf32>, vector<128x128xf32>, vector<128x128xf32>, vector<128x128xf32>, vector<128x128xf32>, vector<128x128xf32>, vector<128x128xf32>, vector<128x128xf32>, vector<128x128xf32>, vector<128x128xf32>, vector<128x128xf32>, vector<128x128xf32>, vector<128x128xf32>, vector<128x128xf32>, vector<128x128xf32>, vector<128x128xf32>, vector<128x128xf32>, vector<128x128xf32>, vector<128x128xf32>, vector<128x128xf32> -> vector<4096x128xf32>
    %swap3A = arith.constant 0 : index
    %swap3A_169 = arith.constant 0 : index
    %swap3A_170 = vector.load %arg4[%swap3A, %swap3A_169] : memref<4096x128xf32, #tpu.memory_space<vmem>>, vector<4096x128xf32>
    tpu.vector_store %arg4[%swap3A, %swap3A_169], %concatenate3A_168 {strides = array<i32>} : memref<4096x128xf32, #tpu.memory_space<vmem>>, vector<4096x128xf32>,
    return
  }
  func.func @transform_0(%arg0: i32) -> (i32, i32) {
    %c0_i32 = arith.constant 0 : i32
    %c0_i32_0 = arith.constant 0 : i32
    return %c0_i32, %arg0 : i32, i32
  }
  func.func @transform_1(%arg0: i32) -> (i32, i32) {
    %c0_i32 = arith.constant 0 : i32
    %c0_i32_0 = arith.constant 0 : i32
    %c0_i32_1 = arith.constant 0 : i32
    return %c0_i32, %c0_i32_0 : i32, i32
  }
  func.func @transform_2(%arg0: i32) -> (i32, i32) {
    %c0_i32 = arith.constant 0 : i32
    %c0_i32_0 = arith.constant 0 : i32
    %c0_i32_1 = arith.constant 0 : i32
    return %c0_i32, %c0_i32_0 : i32, i32
  }
  func.func @transform_3(%arg0: i32) -> (i32, i32) {
    %c0_i32 = arith.constant 0 : i32
    %c0_i32_0 = arith.constant 0 : i32
    return %arg0, %c0_i32 : i32, i32
  }
}

module attributes {stable_mosaic.version = 14 : i64} {
  func.func @_final_body(%arg0: i32, %arg1: memref<1000x128xf32, #tpu.memory_space<vmem>>, %arg2: memref<2x1000x32xf32, #tpu.memory_space<vmem>>, %arg3: memref<128x128xf32, #tpu.memory_space<vmem>>, %arg4: memref<32x128xf32, #tpu.memory_space<vmem>>, %arg5: memref<1x128xf32, #tpu.memory_space<vmem>>, %arg6: memref<1000x128xf32, #tpu.memory_space<vmem>>) attributes {dimension_semantics = [#tpu.dimension_semantics<arbitrary>], iteration_bounds = array<i64: 10>, scalar_prefetch = 0 : i64, scratch_operands = 0 : i64, tpu.core_type = #tpu.core_type<tc>, window_params = [{transform_indices = @transform_0, window_bounds = array<i64: 1000, 128>}, {transform_indices = @transform_1, window_bounds = array<i64: 2, 1000, 32>}, {pipeline_mode = #tpu.pipeline_mode<synchronous>, transform_indices = @transform_2, window_bounds = array<i64: 128, 128>}, {pipeline_mode = #tpu.pipeline_mode<synchronous>, transform_indices = @transform_3, window_bounds = array<i64: 32, 128>}, {pipeline_mode = #tpu.pipeline_mode<synchronous>, transform_indices = @transform_4, window_bounds = array<i64: 1, 128>}, {transform_indices = @transform_5, window_bounds = array<i64: 1000, 128>}]} {
    %get3A = arith.constant 0 : index
    %get3A_0 = arith.constant 0 : index
    %get3A_1 = arith.constant 0 : index
    %get3A_2 = vector.load %arg2[%get3A, %get3A_0, %get3A_1] : memref<2x1000x32xf32, #tpu.memory_space<vmem>>, vector<1x1000x32xf32>
    %get3A_3 = vector.shape_cast %get3A_2 : vector<1x1000x32xf32> to vector<1000x32xf32>
    %get3A_4 = arith.constant 1 : index
    %get3A_5 = arith.constant 0 : index
    %get3A_6 = arith.constant 0 : index
    %get3A_7 = vector.load %arg2[%get3A_4, %get3A_5, %get3A_6] : memref<2x1000x32xf32, #tpu.memory_space<vmem>>, vector<1x1000x32xf32>
    %get3A_8 = vector.shape_cast %get3A_7 : vector<1x1000x32xf32> to vector<1000x32xf32>
    %add3A = arith.addf %get3A_3, %get3A_8 : vector<1000x32xf32>
    %get3A_9 = arith.constant 0 : index
    %get3A_10 = arith.constant 0 : index
    %get3A_11 = vector.load %arg1[%get3A_9, %get3A_10] : memref<1000x128xf32, #tpu.memory_space<vmem>>, vector<1000x128xf32>
    %get3A_12 = arith.constant 0 : index
    %get3A_13 = arith.constant 0 : index
    %get3A_14 = vector.load %arg3[%get3A_12, %get3A_13] : memref<128x128xf32, #tpu.memory_space<vmem>>, vector<128x128xf32>
    %dot_general3A = arith.constant dense<0.000000e+00> : vector<1000x128xf32>
    %dot_general3A_15 = tpu.matmul %get3A_11, %get3A_14, %dot_general3A {dimension_numbers = #tpu.dot_dimension_numbers<[1], [0], [0], [1], [0, 0, 1, 1], [], []>, transpose_lhs_hint = false} : vector<1000x128xf32>, vector<128x128xf32>, vector<1000x128xf32> -> vector<1000x128xf32>
    %get3A_16 = arith.constant 0 : index
    %get3A_17 = arith.constant 0 : index
    %get3A_18 = vector.load %arg4[%get3A_16, %get3A_17] : memref<32x128xf32, #tpu.memory_space<vmem>>, vector<32x128xf32>
    %dot_general3A_19 = arith.constant dense<0.000000e+00> : vector<1000x128xf32>
    %dot_general3A_20 = tpu.matmul %add3A, %get3A_18, %dot_general3A_19 {dimension_numbers = #tpu.dot_dimension_numbers<[1], [0], [0], [1], [0, 0, 1, 1], [], []>, transpose_lhs_hint = false} : vector<1000x32xf32>, vector<32x128xf32>, vector<1000x128xf32> -> vector<1000x128xf32>
    %add3A_21 = arith.addf %dot_general3A_15, %dot_general3A_20 : vector<1000x128xf32>
    %get3A_22 = arith.constant 0 : index
    %get3A_23 = arith.constant 0 : index
    %get3A_24 = vector.load %arg5[%get3A_22, %get3A_23] : memref<1x128xf32, #tpu.memory_space<vmem>>, vector<1x128xf32>
    %add3A_25 = vector.broadcast %get3A_24 : vector<1x128xf32> to vector<1000x128xf32>
    %add3A_26 = arith.addf %add3A_21, %add3A_25 : vector<1000x128xf32>
    %max3A = arith.constant 0.000000e+00 : f32
    %max3A_27 = vector.broadcast %max3A : f32 to vector<1000x128xf32>
    %max3A_28 = arith.maximumf %add3A_26, %max3A_27 : vector<1000x128xf32>
    %swap3A = arith.constant 0 : index
    %swap3A_29 = arith.constant 0 : index
    %swap3A_30 = vector.load %arg6[%swap3A, %swap3A_29] : memref<1000x128xf32, #tpu.memory_space<vmem>>, vector<1000x128xf32>
    tpu.vector_store %arg6[%swap3A, %swap3A_29], %max3A_28 {strides = array<i32>} : memref<1000x128xf32, #tpu.memory_space<vmem>>, vector<1000x128xf32>,
    return
  }
  func.func @transform_0(%arg0: i32) -> (i32, i32) {
    %c0_i32 = arith.constant 0 : i32
    %c0_i32_0 = arith.constant 0 : i32
    return %arg0, %c0_i32 : i32, i32
  }
  func.func @transform_1(%arg0: i32) -> (i32, i32, i32) {
    %c0_i32 = arith.constant 0 : i32
    %c0_i32_0 = arith.constant 0 : i32
    %c0_i32_1 = arith.constant 0 : i32
    return %c0_i32, %arg0, %c0_i32_0 : i32, i32, i32
  }
  func.func @transform_2(%arg0: i32) -> (i32, i32) {
    %c0_i32 = arith.constant 0 : i32
    %c0_i32_0 = arith.constant 0 : i32
    %c0_i32_1 = arith.constant 0 : i32
    return %c0_i32, %c0_i32_0 : i32, i32
  }
  func.func @transform_3(%arg0: i32) -> (i32, i32) {
    %c0_i32 = arith.constant 0 : i32
    %c0_i32_0 = arith.constant 0 : i32
    %c0_i32_1 = arith.constant 0 : i32
    return %c0_i32, %c0_i32_0 : i32, i32
  }
  func.func @transform_4(%arg0: i32) -> (i32, i32) {
    %c0_i32 = arith.constant 0 : i32
    %c0_i32_0 = arith.constant 0 : i32
    %c0_i32_1 = arith.constant 0 : i32
    return %c0_i32, %c0_i32_0 : i32, i32
  }
  func.func @transform_5(%arg0: i32) -> (i32, i32) {
    %c0_i32 = arith.constant 0 : i32
    %c0_i32_0 = arith.constant 0 : i32
    return %arg0, %c0_i32 : i32, i32
  }
}

</mosaic_0001>

<sc_bundles>
// kernel: kernel.6.cloned.1.call-start
scs
__scs_entry_jumppad:
0x0: {  	(pc) =	sbr.rel $0x88, $3  }
0x1: {  	(tag) =	ssettag $0x0;
	lr =	simm.s32 $0x1  }
0x2: {  	[smem:$0x3F9A] =	sst lr;
	_ =	strace $0xD0000000  }
0x3: {  	_ = 	snop  }
0x4: {  	_ = 	snop  }
0x5: {  	_ = 	snop  }
0x6: {  	_ = 	snop  }
0x7: {  	_ = 	snop  }
__scs_overlays_trampoline_lowered:
0x8: {  	[smem:$0x3FA9] =	sst s0  }
0x9: {  	[smem:$0x3FAA] =	sst s1  }
0xa: {  	[smem:$0x3FAB] =	sst s2  }
0xb: {  	[smem:$0x3FAC] =	sst s3  }
0xc: {  	[smem:$0x3FAD] =	sst s4  }
0xd: {  	[smem:$0x3FAE] =	sst s5  }
0xe: {  	[smem:$0x3FAF] =	sst s6  }
0xf: {  	[smem:$0x3FB0] =	sst s7  }
0x10: {  	[smem:$0x3FB1] =	sst s8  }
0x11: {  	[smem:$0x3FB2] =	sst s9;
	s0 =	simm.s32 @!p0 $0x0  }
0x12: {  	s1 =	sld [smem:$0x3F98];
	s0 =	simm.s32 @p0 $0x1  }
0x13: {  	[smem:$0x3FB3] =	sst s0;
	s0 =	simm.s32 @!p1 $0x0  }
0x14: {  	s2 =	sld [smem:$0x3F97];
	s0 =	simm.s32 @p1 $0x1  }
0x15: {  	[smem:$0x3FB4] =	sst s0;
	s0 =	simm.s32 @!p2 $0x0  }
0x16: {  	s3 =	sld [smem:$0x3FDB];
	s0 =	simm.s32 @p2 $0x1  }
0x17: {  	s4 =	simm.s32 $0x1BF5;
	[smem:$0x3FB6] =	sst s0  }
0x18: {  	s0 =	sld [smem:$0x3F99];
	_ =	swait.ge [sflag:s4], $0x0  }
0x19: {  	s7 =	sld [smem:$0x3F9A]  }
0x1a: {  	s8 =	sadd.s32 $0xFFFFE003, lr  }
0x1b: {  	s9 =	sadd.s32 $0xFFFFFEF7, lr;
	s5 =	simm.s32 $0xFFFFFFFF;
	p2 =	slt.u32 s8, $0xFFFFF086  }
0x1c: {  	p1 =	slt.u32 s9, $0xF7A;
	s5 =	simm.s32 @!p2 $0x0  }
0x1d: {  	s5 =	simm.s32 @p1 $0x1;
	p0 =	seq.s32 s7, s2  }
0x1e: {  	s7 =	smul.u32 @!p0 $0xF7A, s2;
	p2 =	seq.s32 @!p0 s5, $0x0  }
0x1f: {  	s9 =	smul.u32 $0xF7A, s1;
	s8 =	simm.s32 @!p0 $0x1BF5;
	p2 =	por !p2, p0  }
0x20: {  	[sflag:s8] =	ssyncset.s32 @!p0 $0xFFFFF086;
	s6 =	sadd.s32 @!p0 s3, s7;
	s7 =	simm.s32 @!p0 $0x108  }
0x21: {  	s3 =	sadd.s32 s3, s9;
	s6 =	sadd.s32 @!p0 $0x88, s6;
	s7 =	simm.s32 @p2 $0x1082  }
0x22: {  	[simem:s7], [sflag:s8] =	dma.local @!p0 [hbm:s6], $0xF7A  }
0x23: {  	s9 =	sor.u32 $0xD0000000, s2;
	s6 =	simm.s32 $0x108;
	_ =	swait.ge @!p0 [sflag:s8], $0x0  }
0x24: {  	s3 =	sadd.s32 $0x88, s3;
	s6 =	simm.s32 @!p1 $0x1082;
	[sflag:s4] =	ssyncset.s32 $0xFFFFF086  }
0x25: {  	[simem:s6], [sflag:s4] =	dma.local [hbm:s3], $0xF7A  }
0x26: {  	[smem:$0x3F9A] =	sst s1;
	(tag) =	ssettag s2;
	_ =	strace s9  }
0x27: {  	s1 =	sld [smem:$0x3FAA]  }
0x28: {  	s2 =	sld [smem:$0x3FAB]  }
0x29: {  	s4 =	sld [smem:$0x3FAD]  }
0x2a: {  	p0 =	seq.s32 s5, $0x0;
	s5 =	sld [smem:$0x3FAE]  }
0x2b: {  	s6 =	sld [smem:$0x3FAF]  }
0x2c: {  	s7 =	sld [smem:$0x3FB0]  }
0x2d: {  	s3 =	simm.s32 $0x108;
	s8 =	sld [smem:$0x3FB1]  }
0x2e: {  	s3 =	simm.s32 @!p0 $0x1082;
	s9 =	sld [smem:$0x3FB2]  }
0x2f: {  	lr =	sadd.s32 s0, s3;
	s0 =	sld [smem:$0x3FA9]  }
0x30: {  	s3 =	sld [smem:$0x3FAC]  }
0x31: {  	[smem:$0x3FB5] =	sst s10  }
0x32: {  	s10 =	sld [smem:$0x3FB3];
	_ =	sdelay $0x3  }
0x33: {  	p0 =	seq.s32 s10, $0x1;
	s10 =	sld [smem:$0x3FB5];
	_ =	sdelay $0x3  }
0x34: {  	[smem:$0x3FB5] =	sst s10  }
0x35: {  	s10 =	sld [smem:$0x3FB4];
	_ =	sdelay $0x3  }
0x36: {  	p1 =	seq.s32 s10, $0x1;
	s10 =	sld [smem:$0x3FB5];
	_ =	sdelay $0x3  }
0x37: {  	[smem:$0x3FB5] =	sst s10  }
0x38: {  	s10 =	sld [smem:$0x3FB6]  }
0x39: {  	_ = 	snop;
	(pc) =	sbr.ind lr, $3  }
0x3a: {  	_ = 	snop  }
0x3b: {  	_ = 	snop  }
0x3c: {  	p2 =	seq.s32 s10, $0x1;
	s10 =	sld [smem:$0x3FB5]  }
0x3d: {  	_ =	shalt  }
0x3e: {  	_ =	shalt  }
0x3f: {  	_ =	shalt  }
0x40: {  	_ =	shalt  }
0x41: {  	_ =	shalt  }
0x42: {  	_ =	shalt  }
0x43: {  	_ =	shalt  }
0x44: {  	_ =	shalt  }
0x45: {  	_ =	shalt  }
0x46: {  	_ =	shalt  }
0x47: {  	_ =	shalt  }
0x48: {  	_ =	shalt  }
0x49: {  	_ =	shalt  }
0x4a: {  	_ =	shalt  }
0x4b: {  	_ =	shalt  }
0x4c: {  	_ =	shalt  }
0x4d: {  	_ =	shalt  }
0x4e: {  	_ =	shalt  }
0x4f: {  	_ =	shalt  }
0x50: {  	_ =	shalt  }
0x51: {  	_ =	shalt  }
0x52: {  	_ =	shalt  }
0x53: {  	_ =	shalt  }
0x54: {  	_ =	shalt  }
0x55: {  	_ =	shalt  }
0x56: {  	_ =	shalt  }
0x57: {  	_ =	shalt  }
0x58: {  	_ =	shalt  }
0x59: {  	_ =	shalt  }
0x5a: {  	_ =	shalt  }
0x5b: {  	_ =	shalt  }
0x5c: {  	_ =	shalt  }
0x5d: {  	_ =	shalt  }
0x5e: {  	_ =	shalt  }
0x5f: {  	_ =	shalt  }
0x60: {  	_ =	shalt  }
0x61: {  	_ =	shalt  }
0x62: {  	_ =	shalt  }
0x63: {  	_ =	shalt  }
0x64: {  	_ =	shalt  }
0x65: {  	_ =	shalt  }
0x66: {  	_ =	shalt  }
0x67: {  	_ =	shalt  }
0x68: {  	_ =	shalt  }
0x69: {  	_ =	shalt  }
0x6a: {  	_ =	shalt  }
0x6b: {  	_ =	shalt  }
0x6c: {  	_ =	shalt  }
0x6d: {  	_ =	shalt  }
0x6e: {  	_ =	shalt  }
0x6f: {  	_ =	shalt  }
0x70: {  	_ =	shalt  }
0x71: {  	_ =	shalt  }
0x72: {  	_ =	shalt  }
0x73: {  	_ =	shalt  }
0x74: {  	_ =	shalt  }
0x75: {  	_ =	shalt  }
0x76: {  	_ =	shalt  }
0x77: {  	_ =	shalt  }
0x78: {  	_ =	shalt  }
0x79: {  	_ =	shalt  }
0x7a: {  	_ =	shalt  }
0x7b: {  	_ =	shalt  }
0x7c: {  	_ =	shalt  }
0x7d: {  	_ =	shalt  }
0x7e: {  	_ =	shalt  }
0x7f: {  	_ =	shalt  }
0x80: {  	_ =	shalt  }
0x81: {  	_ =	shalt  }
0x82: {  	_ =	shalt  }
0x83: {  	_ =	shalt  }
0x84: {  	_ =	shalt  }
0x85: {  	_ =	shalt  }
0x86: {  	_ =	shalt  }
0x87: {  	_ =	shalt  }
.Lfunc_end0:
.L_simem_size_0:
called_computation_lowered:
.L_overlay_start_0:
0x88: {  	s2 =	sld [smem:$0x3FD9]  }
0x89: {  	s3 =	sld [smem:$0x3FFE];
	_ =	sdelay $0x1  }
0x8a: {  	s1 =	srdreg.scid  }
0x8b: {  	s0 =	sand.u32 $0x1, s1  }
0x8c: {  	s17 =	sshll.u32 s0, $0xA;
	s2 =	sadd.s32 s3, s2  }
0x8d: {  	s2 =	sadd.s32 s2, s17  }
0x8e: {  	[smem:$0x3FC1] =	sst s2  }
0x8f: {  	_ = 	snop  }
0x90: {  	s2 =	sld [smem:$0x3FD0];
	(tm) =	ssettm $0x1  }
0x91: {  	s18 =	sld [smem:$0x3FFB];
	_ =	sdelay $0x3  }
0x92: {  	_ =	strace s18  }
0x93: {  	s3 =	sld [smem:$0x3FFC];
	_ =	sdelay $0x3  }
0x94: {  	_ =	strace s3  }
0x95: {  	s3 =	sld [smem:$0x3FFD];
	_ =	sdelay $0x3  }
0x96: {  	_ =	strace s3  }
0x97: {  	_ =	strace $0x8FFFFFFF  }
0x98: {  	s19 =	sld [smem:$0x3FDB];
	_ =	sdelay $0x1  }
0x99: {  	s4 =	simm.s32 $_scs_section_size  }
0x9a: {  	s5 =	simm.s32 $_size__tile_overlayer_lowered;
	s6 =	simm.s32 $_tile_overlayer_lowered  }
0x9b: {  	s22 =	simm.s32 $0x1BFF;
	s21 =	sshll.u32 s6, $0x1;
	s3 =	sadd.s32 s4, s19  }
0x9c: {  	s7 =	simm.s32 $0x0;
	s20 =	sshll.u32 s5, $0x1;
	s5 =	sadd.s32 s21, s3  }
0x9d: {  	[timem:s7], [sflag:s22] =	dma.local [hbm:s5], s20  }
0x9e: {  	_ =	swait.ge [sflag:s22], s20  }
0x9f: {  	s4 =	ssub.s32 $0x0, s20;
	[sflag:s22] =	ssyncset.done $0x0  }
0xa0: {  	[sflag:s22] =	ssyncadd.s32 s4;
	_ =	sdelay $0x1  }
0xa1: {  	s23 =	simm.s32 $0x1B8B  }
0xa2: {  	_ =	swait.ge [sflag:s23], $0x1  }
0xa3: {  	[sflag:s23] =	ssyncset.done $0x0  }
0xa4: {  	s25 =	simm.s32 $0x1B8E;
	s24 =	sld [smem:$0x3FFE];
	[sflag:s23] =	ssyncadd.s32 $0xFFFFFFFF  }
0xa5: {  	s26 =	simm.s32 $execute0_lowered;
	[smem:$0x3FD2] =	sst s25  }
0xa6: {  	s5 =	sshll.u32 s26, $0x1;
	_ =	strace $0x80000046;
	[dreg:$0x1] =	wrdreg $0xFFFFFFFF  }
0xa7: {  	s28 =	simm.s32 $_size_execute0_lowered;
	s3 =	sadd.s32 s3, s5;
	[dreg:$0x0] =	wrdreg $0x0  }
0xa8: {  	s5 =	sshll.u32 s28, $0x1;
	[dreg:$0x2] =	wrdreg s3  }
0xa9: {  	[dreg:$0x3] =	wrdreg s5  }
0xaa: {  	[dreg:$0x4] =	wrdreg $0xC0  }
0xab: {  	_ =	task [dreg:s7], $0x5FFFF  }
0xac: {  	[dreg:$0x1] =	wrdreg $0xFFFFFFFF  }
0xad: {  	[dreg:$0x0] =	wrdreg $0x60  }
0xae: {  	[dreg:$0x2] =	wrdreg s24  }
0xaf: {  	[dreg:$0x3] =	wrdreg s2  }
0xb0: {  	[dreg:$0x4] =	wrdreg $0x188000  }
0xb1: {  	[dreg:$0x5] =	wrdreg $0x9  }
0xb2: {  	_ =	task.clear_ibuf [dreg:s7], $0x6FFFF;
	_ =	strace $0x90000046  }
0xb3: {  	s29 =	simm.s32 $0x9;
	_ =	strace $0x80000048  }
0xb4: {  	_ =	swait.ge [sflag:s29], $0x1  }
0xb5: {  	[sflag:s29] =	ssyncadd.s32 $0xFFFFFFFF  }
0xb6: {  	_ =	strace $0x90000048  }
0xb7: {  	_ =	sfence  }
0xb8: {  	s30 =	sld [smem:$0x0];
	_ =	sdelay $0x2  }
0xb9: {  	s31 =	sshll.u32 s1, $0xD;
	s1 =	sshrl.u32 s1, $0x2  }
0xba: {  	s3 =	sand.u32 $0x4000, s31;
	s1 =	sadd.s32 s1, s30  }
0xbb: {  	s0 =	sor.u32 s3, s0;
	s1 =	sshll.u32 s1, $0x11  }
0xbc: {  	s0 =	sor.u32 s1, s0  }
0xbd: {  	s0 =	sadd.s32 $0x8F2B, s0  }
0xbe: {  	[sflag:s0] =	ssyncadd.remote.s32 $0x1  }
0xbf: {  	_ =	sfence.sel $0xFFFF  }
0xc0: {  	[dreg:$0x0] =	wrdreg $0xFFFFFFFF;
	(pc) =	sbr.abs _section_cstart, $3  }
0xc1: {  	[dreg:$0x1] =	wrdreg $0xFFFFFFFF  }
0xc2: {  	_ =	task.clear_ibuf [dreg:s7], $0x2FFFF;
	_ =	strace $0x9FFFFFFF  }
0xc3: {  	(tm) =	ssettm $0x7FFFFFFF  }
tec
execute0_lowered:
.L_overlay_start_1:
0x0: {  	(tag) =	ssettag $0x1  }
0x1: {  	s0 =	rddreg [dreg:$0x0]  }
0x2: {  	s2 =	rddreg [dreg:$0x1]  }
0x3: {  	s1 =	rddreg [dreg:$0x2];
	s3 =	simm.s32 $0x0  }
0x4: {  	s5 =	srdreg.scid;
	s12 =	stileid.u32;
	s20 =	simm.s32 $0x5  }
0x5: {  	s31 =	simm.s32 $0x200;
	s28 =	simm.s32 $0xC800;
	s21 =	simm.s32 $0x280  }
0x6: {  	s15 =	simm.s32 $0x300;
	s16 =	simm.s32 $0xE800;
	[smem:$0x7FF] =	sst s3  }
0x7: {  	s3 =	sadd.s32 $0xB800, s0;
	s4 =	sadd.s32 $0x1A00, s0;
	s6 =	sadd.s32 $0x29600, s0  }
0x8: {  	s7 =	sadd.s32 $0x1F600, s0;
	s8 =	sadd.s32 $0x15600, s0;
	s10 =	smul.u32 $0x13800, s12  }
0x9: {  	s22 =	sand.u32 $0x1, s5;
	s9 =	sshll.u32 s12, $0x1;
	s13 =	smul.u32 $0x4E00, s12  }
0xa: {  	s19 =	sadd.s32 $0x4E000, s1;
	p0 =	sne.s32 s12, $0xF;
	s12 =	simm.s32 $0x0  }
0xb: {  	_ =	strace $0x80000047;
	s9 =	sor.u32 s22, s9;
	s0 =	smul.u32 $0x4E200, s22  }
0xc: {  	s5 =	ssub.s32 $0x2, s22;
	[dreg:$0x6] =	wrdreg s19;
	s23 =	smul.u32 $0x500, s9  }
0xd: {  	s11 =	sshrl.u32 s5, $0x1;
	s10 =	sshrl.u32 s10, $0x2;
	s24 =	smul.u32 $0x14, s9  }
0xe: {  	s18 =	sadd.s32 s13, s1;
	s9 =	smul.u32 $0xA000, s9;
	s5 =	ssub.s32 s5, s11  }
0xf: {  	s10 =	sadd.s32 s10, s1;
	s26 =	sadd.s32 s13, s0;
	[dreg:$0x4] =	wrdreg s18  }
0x10: {  	s0 =	sshrl.u32 s0, $0x3;
	s10 =	sadd.s32 $0x4000, s10;
	[dreg:$0x7] =	wrdreg s24  }
0x11: {  	s13 =	simm.s32 $0x2;
	s25 =	sadd.s32 s7, s23;
	[dreg:$0x5] =	wrdreg s10  }
0x12: {  	s11 =	sadd.s32 s8, s23;
	s9 =	sadd.s32 s6, s9;
	[dreg:$0x8] =	wrdreg s25  }
0x13: {  	s0 =	sadd.s32 s2, s0;
	s30 =	smax.u32 s5, $0x1;
	[dreg:$0x9] =	wrdreg s11  }
0x14: {  	s23 =	simm.s32 $0x80;
	s5 =	simm.s32 $0x1;
	[dreg:$0xa] =	wrdreg s9  }
0x15: {  	s10 =	sshrl.u32 s26, $0x3;
	s0 =	sadd.s32 $0x9C00, s0;
	[dreg:$0xd] =	wrdreg s30  }
0x16: {  	s9 =	simm.s32 $0x380;
	s29 =	sadd.s32 s2, s10;
	[dreg:$0xc] =	wrdreg s0  }
0x17: {  	v0 =	vimm.f32 $0.0e+00;
	s11 =	simm.s32 $0xF800;
	s10 =	simm.s32 $0xD800;
	[dreg:$0xb] =	wrdreg s29  }
.LBB2_1:
0x18: {  	[dreg:$0xe] =	wrdreg s12;
	s2 =	simm.s32 $0x80;
	s14 =	simm.s32 $0x0  }
.LBB2_2:
0x19: {  	p1 =	sne.s32 s2, $0xFF80;
	[tilespmem:s14+$0x8800] =	vst v0;
	s17 =	smov.u32 s2;
	s2 =	sadd.s32 $0x80, s2  }
.Ltmp0:
0x1a: {  	[tilespmem:s14+$0x8810] =	vst v0;
	(pc) =	sbr.rel @p1 .LBB2_2-.Ltmp0, $2  }
0x1b: {  	_ =	sdelay $0x2  }
0x1c: {  	s14 =	sshra.s32 s17, $0x2  }
0x1d: {  	[tilespmem:s14+$0x8800] =	vst v0  }
0x1e: {  	[tilespmem:s14+$0x8810] =	vst v0;
	s12 =	simm.s32 $0x8800  }
0x1f: {  	[spmem:s18] =	stream.linear.scatter [tilespmem:s12], [sflag:$0x5], $0x4000, $0x38;
	[tilespmem:$0x1D640] =	vst v63  }
0x20: {  	_ =	swait.ge [sflag:s20], $0x4000  }
0x21: {  	[sflag:s20] =	ssyncset.done $0x0  }
0x22: {  	s0 =	rddreg [dreg:$0x5];
	[sflag:s20] =	ssyncadd.s32 $0xFFFFC000  }
0x23: {  	[spmem:s0] =	stream.linear.scatter [tilespmem:s12], [sflag:$0x5], $0xE00, $0x38;
	[tilespmem:$0x1D640] =	vst v63  }
0x24: {  	_ =	swait.ge [sflag:s20], $0xE00  }
0x25: {  	[sflag:s20] =	ssyncset.done $0x0  }
0x26: {  	s2 =	simm.s32 @!p0 $0x8800;
	[sflag:s20] =	ssyncadd.s32 $0xFFFFF200  }
0x27: {  	[spmem:s19] =	stream.linear.scatter @!p0 [tilespmem:s2], [sflag:$0x5], $0x400, $0x38;
	[tilespmem:$0x1D640] =	vst v63  }
0x28: {  	s2 =	simm.s32 @!p0 $0x5  }
0x29: {  	_ =	swait.ge @!p0 [sflag:s2], $0x400  }
0x2a: {  	[sflag:s2] =	ssyncset.done @!p0 $0x0  }
0x2b: {  	[sflag:s2] =	ssyncadd.s32 @!p0 $0xFFFFFC00  }
0x2c: {  	[bflag:$0x0] =	sbarrier.arrive $0xFFFF  }
0x2d: {  	s14 =	simm.s32 $0x0;
	s24 =	rddreg [dreg:$0x8]  }
0x2e: {  	[tilespmem:s14], [sflag:$0x5] =	stream.linear.gather [hbm4b:s24+s14], $0x200, $0x38;
	[tilespmem:$0x1D640] =	vst v63  }
0x2f: {  	_ =	swait.ge [sflag:s20], $0x200  }
0x30: {  	[sflag:s20] =	ssyncset.done $0x0  }
0x31: {  	s26 =	simm.s32 $0x400;
	s25 =	rddreg [dreg:$0x9];
	[sflag:s20] =	ssyncadd.s32 $0xFFFFFE00  }
0x32: {  	[tilespmem:s26], [sflag:$0x5] =	stream.linear.gather [hbm4b:s25+s14], $0x200, $0x38;
	[tilespmem:$0x1D640] =	vst v63  }
0x33: {  	_ =	swait.ge [sflag:s20], $0x200  }
0x34: {  	[sflag:s20] =	ssyncset.done $0x0  }
0x35: {  	s17 =	simm.s32 $0x800;
	s29 =	rddreg [dreg:$0xa];
	[sflag:s20] =	ssyncadd.s32 $0xFFFFFE00  }
0x36: {  	[tilespmem:s17], [sflag:$0x1] =	stream.linear.gather [hbm4b:s29+s14], $0x4000, $0x38;
	[tilespmem:$0x1D640] =	vst v63  }
0x37: {  	_ = 	snop  }
0x38: {  	[tilespmem:s12], [sflag:$0x1] =	stream.indirect.gather [hbm4b:s3+s23], $0x20, s14, s23, $0xb8;
	[tilespmem:$0x1D640] =	vst v63  }
0x39: {  	s30 =	simm.s32 $0x10800  }
0x3a: {  	[tilespmem:s30], [sflag:$0x1] =	stream.indirect.gather [hbm4b:s4+s23], $0x20, s26, s23, $0xb8;
	[tilespmem:$0x1D640] =	vst v63  }
0x3b: {  	s2 =	simm.s32 $0x9800  }
0x3c: {  	[tilespmem:s2], [sflag:$0x1] =	stream.indirect.gather [hbm4b:s3+s23], $0x20, s23, s23, $0xb8;
	[tilespmem:$0x1D640] =	vst v63  }
0x3d: {  	s17 =	simm.s32 $0x11800;
	s12 =	simm.s32 $0x480  }
0x3e: {  	[tilespmem:s17], [sflag:$0x1] =	stream.indirect.gather [hbm4b:s4+s23], $0x20, s12, s23, $0xb8;
	[tilespmem:$0x1D640] =	vst v63  }
0x3f: {  	s18 =	simm.s32 $0x100;
	s19 =	simm.s32 $0xA800  }
0x40: {  	[tilespmem:s19], [sflag:$0x1] =	stream.indirect.gather [hbm4b:s3+s23], $0x20, s18, s23, $0xb8;
	[tilespmem:$0x1D640] =	vst v63  }
0x41: {  	s22 =	simm.s32 $0x500;
	s24 =	simm.s32 $0x12800  }
0x42: {  	[tilespmem:s24], [sflag:$0x1] =	stream.indirect.gather [hbm4b:s4+s23], $0x20, s22, s23, $0xb8;
	[tilespmem:$0x1D640] =	vst v63  }
0x43: {  	s25 =	simm.s32 $0x180;
	s26 =	simm.s32 $0xB800  }
0x44: {  	[tilespmem:s26], [sflag:$0x1] =	stream.indirect.gather [hbm4b:s3+s23], $0x20, s25, s23, $0xb8;
	[tilespmem:$0x1D640] =	vst v63  }
0x45: {  	s29 =	simm.s32 $0x580;
	s30 =	simm.s32 $0x13800;
	s17 =	simm.s32 $0x0  }
0x46: {  	[tilespmem:s30], [sflag:$0x1] =	stream.indirect.gather [hbm4b:s4+s23], $0x20, s29, s23, $0xb8;
	[tilespmem:$0x1D640] =	vst v63  }
.LBB2_4:
0x47: {  	p1 =	seq.s32 s17, $0x0  }
0x48: {  	s2 =	simm.s32 @!p1 $0x4  }
0x49: {  	_ =	swait.ge @!p1 [sflag:s2], $0x1000  }
0x4a: {  	[sflag:s2] =	ssyncset.done @!p1 $0x0  }
0x4b: {  	[sflag:s2] =	ssyncadd.s32 @!p1 $0xFFFFF000  }
0x4c: {  	_ =	swait.ge @!p1 [sflag:s2], $0x1000  }
0x4d: {  	[sflag:s2] =	ssyncset.done @!p1 $0x0  }
0x4e: {  	[sflag:s2] =	ssyncadd.s32 @!p1 $0xFFFFF000  }
0x4f: {  	_ =	swait.ge @!p1 [sflag:s2], $0x1000  }
0x50: {  	s18 =	sshll.u32 s17, $0x1;
	s0 =	rddreg [dreg:$0x7]  }
0x51: {  	[sflag:s2] =	ssyncset.done @!p1 $0x0;
	s18 =	sadd.s32 s0, s18  }
0x52: {  	[sflag:s2] =	ssyncadd.s32 @!p1 $0xFFFFF000;
	s22 =	sor.u32 $0x1, s18  }
0x53: {  	_ =	swait.ge @!p1 [sflag:s2], $0x1000;
	s24 =	sshll.u32 s22, $0x6  }
0x54: {  	[sflag:s2] =	ssyncset.done @!p1 $0x0;
	s24 =	sand.u32 $0x1FFFFFC0, s24  }
0x55: {  	[sflag:s2] =	ssyncadd.s32 @!p1 $0xFFFFF000;
	s26 =	sadd.s32 s7, s24  }
0x56: {  	[tilespmem:s31], [sflag:$0x5] =	stream.linear.gather [hbm4b:s26+s14], $0x200, $0x38;
	[tilespmem:$0x1D640] =	vst v63  }
0x57: {  	_ =	swait.ge [sflag:s20], $0x200  }
0x58: {  	[sflag:s20] =	ssyncset.done $0x0  }
0x59: {  	s30 =	simm.s32 $0x600;
	s29 =	sadd.s32 s8, s24;
	[sflag:s20] =	ssyncadd.s32 $0xFFFFFE00  }
0x5a: {  	[tilespmem:s30], [sflag:$0x5] =	stream.linear.gather [hbm4b:s29+s14], $0x200, $0x38;
	[tilespmem:$0x1D640] =	vst v63  }
0x5b: {  	s12 =	sshll.u32 s22, $0xB;
	_ =	swait.ge [sflag:s20], $0x200  }
0x5c: {  	s2 =	sand.u32 $0x1FFFF800, s12;
	[sflag:s20] =	ssyncset.done $0x0  }
0x5d: {  	s12 =	simm.s32 $0x4800;
	s2 =	sadd.s32 s6, s2;
	[sflag:s20] =	ssyncadd.s32 $0xFFFFFE00  }
0x5e: {  	[tilespmem:s12], [sflag:$0x2] =	stream.linear.gather [hbm4b:s2+s14], $0x4000, $0x38;
	[tilespmem:$0x1D640] =	vst v63  }
0x5f: {  	_ = 	snop  }
0x60: {  	[tilespmem:s28], [sflag:$0x2] =	stream.indirect.gather [hbm4b:s3+s23], $0x20, s31, s23, $0xb8;
	[tilespmem:$0x1D640] =	vst v63  }
0x61: {  	s19 =	simm.s32 $0x14800  }
0x62: {  	[tilespmem:s19], [sflag:$0x2] =	stream.indirect.gather [hbm4b:s4+s23], $0x20, s30, s23, $0xb8;
	[tilespmem:$0x1D640] =	vst v63  }
0x63: {  	_ = 	snop  }
0x64: {  	[tilespmem:s10], [sflag:$0x2] =	stream.indirect.gather [hbm4b:s3+s23], $0x20, s21, s23, $0xb8;
	[tilespmem:$0x1D640] =	vst v63  }
0x65: {  	s22 =	simm.s32 $0x680;
	s24 =	simm.s32 $0x15800  }
0x66: {  	[tilespmem:s24], [sflag:$0x2] =	stream.indirect.gather [hbm4b:s4+s23], $0x20, s22, s23, $0xb8;
	[tilespmem:$0x1D640] =	vst v63  }
0x67: {  	_ = 	snop  }
0x68: {  	[tilespmem:s16], [sflag:$0x2] =	stream.indirect.gather [hbm4b:s3+s23], $0x20, s15, s23, $0xb8;
	[tilespmem:$0x1D640] =	vst v63  }
0x69: {  	s25 =	simm.s32 $0x700;
	s26 =	simm.s32 $0x16800  }
0x6a: {  	[tilespmem:s26], [sflag:$0x2] =	stream.indirect.gather [hbm4b:s4+s23], $0x20, s25, s23, $0xb8;
	[tilespmem:$0x1D640] =	vst v63  }
0x6b: {  	_ = 	snop  }
0x6c: {  	[tilespmem:s11], [sflag:$0x2] =	stream.indirect.gather [hbm4b:s3+s23], $0x20, s9, s23, $0xb8;
	[tilespmem:$0x1D640] =	vst v63  }
0x6d: {  	s29 =	simm.s32 $0x780;
	s30 =	simm.s32 $0x17800  }
0x6e: {  	[tilespmem:s30], [sflag:$0x2] =	stream.indirect.gather [hbm4b:s4+s23], $0x20, s29, s23, $0xb8;
	[tilespmem:$0x1D640] =	vst v63  }
0x6f: {  	_ =	swait.ge [sflag:s5], $0x4000  }
0x70: {  	[sflag:s5] =	ssyncset.done $0x0  }
0x71: {  	[sflag:s5] =	ssyncadd.s32 $0xFFFFC000  }
0x72: {  	_ =	swait.ge [sflag:s5], $0x1000  }
0x73: {  	[sflag:s5] =	ssyncset.done $0x0  }
0x74: {  	[sflag:s5] =	ssyncadd.s32 $0xFFFFF000  }
0x75: {  	_ =	swait.ge [sflag:s5], $0x1000  }
0x76: {  	[sflag:s5] =	ssyncset.done $0x0  }
0x77: {  	[sflag:s5] =	ssyncadd.s32 $0xFFFFF000  }
0x78: {  	_ =	swait.ge [sflag:s5], $0x1000  }
0x79: {  	[sflag:s5] =	ssyncset.done $0x0  }
0x7a: {  	[sflag:s5] =	ssyncadd.s32 $0xFFFFF000  }
0x7b: {  	_ =	swait.ge [sflag:s5], $0x1000  }
0x7c: {  	[sflag:s5] =	ssyncset.done $0x0  }
0x7d: {  	[sflag:s5] =	ssyncadd.s32 $0xFFFFF000  }
0x7e: {  	_ =	swait.ge [sflag:s5], $0x1000  }
0x7f: {  	[sflag:s5] =	ssyncset.done $0x0  }
0x80: {  	[sflag:s5] =	ssyncadd.s32 $0xFFFFF000  }
0x81: {  	_ =	swait.ge [sflag:s5], $0x1000  }
0x82: {  	[sflag:s5] =	ssyncset.done $0x0  }
0x83: {  	[sflag:s5] =	ssyncadd.s32 $0xFFFFF000  }
0x84: {  	_ =	swait.ge [sflag:s5], $0x1000  }
0x85: {  	[sflag:s5] =	ssyncset.done $0x0  }
0x86: {  	[sflag:s5] =	ssyncadd.s32 $0xFFFFF000  }
0x87: {  	_ =	swait.ge [sflag:s5], $0x1000  }
0x88: {  	[sflag:s5] =	ssyncset.done $0x0  }
0x89: {  	s2 =	simm.s32 $0x0;
	[sflag:s5] =	ssyncadd.s32 $0xFFFFF000  }
.LBB2_5:
0x8a: {  	s26 =	sshll.u32 s2, $0x5  }
0x8b: {  	v1 =	vld [tilespmem:s26+$0x8800]  }
0x8c: {  	s22 =	sshll.u32 s2, $0x7;
	v2 =	vld [tilespmem:s26+$0x10800]  }
0x8d: {  	s29 =	sand.u32 $0x3FFFFF80, s22  }
0x8e: {  	v3 =	vld [tilespmem:s29+$0x800];
	_ =	sdelay $0x2  }
0x8f: {  	v1 =	vadd.f32 v2, v1;
	_ =	sdelay $0x1  }
0x90: {  	v1 =	vadd.f32 v3, v1  }
0x91: {  	v2 =	vld [tilespmem:s26+$0x8810]  }
0x92: {  	v3 =	vld [tilespmem:s26+$0x10810];
	v1 =	vmax.f32 v1, $0.0e+00  }
0x93: {  	[tilespmem:s26+$0x8800] =	vst v1  }
0x94: {  	s12 =	sor.u32 $0x1, s2;
	v1 =	vld [tilespmem:s29+$0x810]  }
0x95: {  	s25 =	sshll.u32 s12, $0x5;
	v5 =	vld [tilespmem:s26+$0x9800]  }
0x96: {  	v4 =	vld [tilespmem:s25+$0x8800]  }
0x97: {  	s22 =	sshll.u32 s12, $0x7;
	v2 =	vadd.f32 v3, v2;
	v3 =	vld [tilespmem:s25+$0x10800]  }
0x98: {  	v6 =	vld [tilespmem:s26+$0x11800];
	s24 =	sand.u32 $0x3FFFFF80, s22  }
0x99: {  	v1 =	vadd.f32 v1, v2;
	v2 =	vld [tilespmem:s24+$0x800]  }
0x9a: {  	v44 =	vld [tilespmem:s26+$0x9810]  }
0x9b: {  	v45 =	vld [tilespmem:s26+$0x11810];
	v1 =	vmax.f32 v1, $0.0e+00  }
0x9c: {  	v47 =	vld [tilespmem:s26+$0x9820];
	[tilespmem:s26+$0x8810] =	vst v1;
	v1 =	vadd.f32 v3, v4  }
0x9d: {  	v3 =	vld [tilespmem:s29+$0x820]  }
0x9e: {  	v7 =	vld [tilespmem:s26+$0xA800];
	v1 =	vadd.f32 v2, v1  }
0x9f: {  	v43 =	vld [tilespmem:s25+$0x10810]  }
0xa0: {  	v42 =	vadd.f32 v6, v5;
	v2 =	vld [tilespmem:s25+$0x8810];
	v1 =	vmax.f32 v1, $0.0e+00  }
0xa1: {  	v52 =	vld [tilespmem:s26+$0x9830];
	[tilespmem:s25+$0x8800] =	vst v1  }
0xa2: {  	v1 =	vadd.f32 v3, v42;
	v3 =	vld [tilespmem:s24+$0x810]  }
0xa3: {  	v54 =	vld [tilespmem:s26+$0xA810]  }
0xa4: {  	v55 =	vld [tilespmem:s26+$0x12810];
	v1 =	vmax.f32 v1, $0.0e+00  }
0xa5: {  	s19 =	sor.u32 $0x2, s2;
	v57 =	vld [tilespmem:s26+$0xA820];
	[tilespmem:s26+$0x9800] =	vst v1;
	v1 =	vadd.f32 v43, v2  }
0xa6: {  	s30 =	sshll.u32 s19, $0x5;
	v2 =	vld [tilespmem:s29+$0x830]  }
0xa7: {  	v46 =	vld [tilespmem:s30+$0x10800];
	v1 =	vadd.f32 v3, v1  }
0xa8: {  	s22 =	sshll.u32 s19, $0x7;
	v3 =	vld [tilespmem:s30+$0x8800]  }
0xa9: {  	v62 =	vld [tilespmem:s26+$0xB800];
	s22 =	sand.u32 $0x3FFFFF80, s22;
	v4 =	vadd.f32 v45, v44;
	v1 =	vmax.f32 v1, $0.0e+00  }
0xaa: {  	[tilespmem:s25+$0x8810] =	vst v1;
	v1 =	vld [tilespmem:s22+$0x800]  }
0xab: {  	v2 =	vadd.f32 v2, v4;
	v48 =	vld [tilespmem:s26+$0x11820]  }
0xac: {  	v15 =	vld [tilespmem:s26+$0xA830]  }
0xad: {  	v8 =	vld [tilespmem:s24+$0x820];
	v3 =	vadd.f32 v46, v3;
	v2 =	vmax.f32 v2, $0.0e+00  }
0xae: {  	[tilespmem:s26+$0x9810] =	vst v2;
	v2 =	vld [tilespmem:s26+$0x12800]  }
0xaf: {  	v50 =	vld [tilespmem:s30+$0x8810];
	v1 =	vadd.f32 v1, v3  }
0xb0: {  	v49 =	vld [tilespmem:s29+$0x840];
	v3 =	vadd.f32 v48, v47  }
0xb1: {  	v51 =	vld [tilespmem:s30+$0x10810];
	v1 =	vmax.f32 v1, $0.0e+00  }
0xb2: {  	v16 =	vld [tilespmem:s26+$0x9850];
	v3 =	vadd.f32 v8, v3;
	[tilespmem:s30+$0x8800] =	vst v1  }
0xb3: {  	v1 =	vadd.f32 v2, v7;
	v2 =	vld [tilespmem:s22+$0x810]  }
0xb4: {  	v53 =	vld [tilespmem:s26+$0x11830];
	v3 =	vmax.f32 v3, $0.0e+00  }
0xb5: {  	v10 =	vld [tilespmem:s26+$0xB820];
	v1 =	vadd.f32 v49, v1;
	[tilespmem:s26+$0x9820] =	vst v3  }
0xb6: {  	v4 =	vadd.f32 v51, v50;
	v3 =	vld [tilespmem:s24+$0x830]  }
0xb7: {  	v18 =	vld [tilespmem:s26+$0xA840];
	v1 =	vmax.f32 v1, $0.0e+00  }
0xb8: {  	v22 =	vld [tilespmem:s26+$0xA850];
	[tilespmem:s26+$0xA800] =	vst v1;
	v1 =	vadd.f32 v2, v4  }
0xb9: {  	v27 =	vld [tilespmem:s26+$0xB840];
	v56 =	vadd.f32 v53, v52  }
0xba: {  	v29 =	vld [tilespmem:s26+$0x9860];
	v1 =	vmax.f32 v1, $0.0e+00  }
0xbb: {  	v3 =	vadd.f32 v3, v56;
	[tilespmem:s30+$0x8810] =	vst v1;
	v1 =	vld [tilespmem:s26+$0x9840]  }
0xbc: {  	v59 =	vld [tilespmem:s26+$0x11840]  }
0xbd: {  	v60 =	vld [tilespmem:s26+$0x12820];
	v3 =	vmax.f32 v3, $0.0e+00  }
0xbe: {  	[tilespmem:s26+$0x9830] =	vst v3;
	v3 =	vld [tilespmem:s22+$0x820]  }
0xbf: {  	s0 =	sor.u32 $0x3, s2;
	v61 =	vld [tilespmem:s24+$0x840]  }
0xc0: {  	s12 =	sshll.u32 s0, $0x5;
	v40 =	vld [tilespmem:s26+$0x9870]  }
0xc1: {  	v19 =	vld [tilespmem:s12+$0x8800];
	v1 =	vadd.f32 v59, v1  }
0xc2: {  	v20 =	vld [tilespmem:s12+$0x10800];
	v6 =	vadd.f32 v60, v57  }
0xc3: {  	v24 =	vld [tilespmem:s12+$0x8810];
	v1 =	vadd.f32 v3, v1  }
0xc4: {  	v2 =	vld [tilespmem:s29+$0x850];
	v3 =	vadd.f32 v61, v6  }
0xc5: {  	v17 =	vld [tilespmem:s26+$0x11850];
	v1 =	vmax.f32 v1, $0.0e+00  }
0xc6: {  	v9 =	vld [tilespmem:s26+$0x12830];
	v3 =	vmax.f32 v3, $0.0e+00;
	[tilespmem:s26+$0x9840] =	vst v1  }
0xc7: {  	[tilespmem:s26+$0xA820] =	vst v3;
	v1 =	vld [tilespmem:s22+$0x830]  }
0xc8: {  	v58 =	vadd.f32 v55, v54;
	v3 =	vld [tilespmem:s24+$0x850]  }
0xc9: {  	v25 =	vld [tilespmem:s12+$0x10810]  }
0xca: {  	s25 =	sshll.u32 s0, $0x7;
	v12 =	vld [tilespmem:s26+$0x13820];
	v2 =	vadd.f32 v2, v58;
	v4 =	vadd.f32 v17, v16  }
0xcb: {  	s25 =	sand.u32 $0x3FFFFF80, s25;
	v50 =	vld [tilespmem:s26+$0xA860];
	v7 =	vadd.f32 v9, v15  }
0xcc: {  	v11 =	vld [tilespmem:s25+$0x800];
	v2 =	vmax.f32 v2, $0.0e+00;
	v1 =	vadd.f32 v1, v4  }
0xcd: {  	[tilespmem:s26+$0xA810] =	vst v2;
	v2 =	vld [tilespmem:s26+$0x13800];
	v3 =	vadd.f32 v3, v7  }
0xce: {  	v21 =	vld [tilespmem:s26+$0x12840];
	v1 =	vmax.f32 v1, $0.0e+00  }
0xcf: {  	v63 =	vld [tilespmem:s29+$0x860];
	v3 =	vmax.f32 v3, $0.0e+00;
	[tilespmem:s26+$0x9850] =	vst v1  }
0xd0: {  	v4 =	vadd.f32 v20, v19;
	[tilespmem:s26+$0xA830] =	vst v3;
	v1 =	vld [tilespmem:s22+$0x840]  }
0xd1: {  	v3 =	vld [tilespmem:s24+$0x860]  }
0xd2: {  	v51 =	vld [tilespmem:s26+$0x9880];
	v2 =	vadd.f32 v2, v62;
	v4 =	vadd.f32 v11, v4  }
0xd3: {  	v57 =	vld [tilespmem:s26+$0x98A0];
	v6 =	vadd.f32 v21, v18  }
0xd4: {  	v23 =	vadd.f32 v12, v10;
	v56 =	vld [tilespmem:s26+$0xA870];
	v2 =	vadd.f32 v63, v2;
	v4 =	vmax.f32 v4, $0.0e+00  }
0xd5: {  	v26 =	vld [tilespmem:s26+$0x12850];
	[tilespmem:s12+$0x8800] =	vst v4;
	v1 =	vadd.f32 v1, v6  }
0xd6: {  	v2 =	vmax.f32 v2, $0.0e+00;
	v4 =	vld [tilespmem:s25+$0x810];
	v3 =	vadd.f32 v3, v23  }
0xd7: {  	v28 =	vld [tilespmem:s26+$0x13840];
	[tilespmem:s26+$0xB800] =	vst v2;
	v2 =	vmax.f32 v1, $0.0e+00  }
0xd8: {  	v59 =	vld [tilespmem:s26+$0x9890];
	v3 =	vmax.f32 v3, $0.0e+00;
	[tilespmem:s26+$0xA840] =	vst v2  }
0xd9: {  	v6 =	vadd.f32 v25, v24;
	[tilespmem:s26+$0xB820] =	vst v3;
	v3 =	vld [tilespmem:s22+$0x850]  }
0xda: {  	v1 =	vld [tilespmem:s29+$0x870];
	s29 =	sor.u32 $0x4, s2  }
0xdb: {  	v16 =	vld [tilespmem:s26+$0xA8B0];
	v4 =	vadd.f32 v4, v6;
	s19 =	sshll.u32 s29, $0x5  }
0xdc: {  	v5 =	vadd.f32 v26, v22;
	v30 =	vld [tilespmem:s19+$0x8800]  }
0xdd: {  	v4 =	vmax.f32 v4, $0.0e+00;
	v31 =	vld [tilespmem:s19+$0x10800]  }
0xde: {  	v2 =	vld [tilespmem:s24+$0x870];
	[tilespmem:s12+$0x8810] =	vst v4;
	v3 =	vadd.f32 v3, v5  }
0xdf: {  	s24 =	sshll.u32 s29, $0x7;
	v32 =	vld [tilespmem:s26+$0x11860]  }
0xe0: {  	s0 =	sor.u32 $0x5, s2;
	s29 =	sand.u32 $0x3FFFFF80, s24;
	v34 =	vld [tilespmem:s25+$0x820];
	v3 =	vmax.f32 v3, $0.0e+00  }
0xe1: {  	s12 =	sshll.u32 s0, $0x5;
	[tilespmem:s26+$0xA850] =	vst v3;
	v3 =	vld [tilespmem:s29+$0x800]  }
0xe2: {  	v35 =	vld [tilespmem:s12+$0x8800]  }
0xe3: {  	v36 =	vld [tilespmem:s12+$0x10800];
	s24 =	sshll.u32 s0, $0x7  }
0xe4: {  	v21 =	vld [tilespmem:s26+$0x98B0];
	s30 =	sand.u32 $0x3FFFFF80, s24;
	v4 =	vadd.f32 v31, v30  }
0xe5: {  	v38 =	vld [tilespmem:s30+$0x800];
	v6 =	vadd.f32 v32, v29  }
0xe6: {  	v37 =	vld [tilespmem:s19+$0x8810];
	v3 =	vadd.f32 v3, v4  }
0xe7: {  	v39 =	vld [tilespmem:s19+$0x10810];
	v6 =	vadd.f32 v34, v6  }
0xe8: {  	v42 =	vld [tilespmem:s26+$0x11870];
	v5 =	vadd.f32 v36, v35;
	v3 =	vmax.f32 v3, $0.0e+00  }
0xe9: {  	v33 =	vld [tilespmem:s22+$0x860];
	[tilespmem:s19+$0x8800] =	vst v3;
	v3 =	vmax.f32 v6, $0.0e+00  }
0xea: {  	v41 =	vld [tilespmem:s29+$0x810];
	[tilespmem:s26+$0x9860] =	vst v3;
	v3 =	vadd.f32 v38, v5  }
0xeb: {  	v45 =	vld [tilespmem:s12+$0x8810]  }
0xec: {  	v47 =	vld [tilespmem:s12+$0x10810];
	v46 =	vmax.f32 v3, $0.0e+00  }
0xed: {  	v7 =	vadd.f32 v28, v27;
	v4 =	vadd.f32 v39, v37;
	v43 =	vld [tilespmem:s25+$0x830];
	[tilespmem:s12+$0x8800] =	vst v46  }
0xee: {  	v49 =	vld [tilespmem:s30+$0x810]  }
0xef: {  	v18 =	vld [tilespmem:s26+$0xB880];
	v7 =	vadd.f32 v33, v7;
	v4 =	vadd.f32 v41, v4  }
0xf0: {  	v63 =	vld [tilespmem:s26+$0xB860];
	v48 =	vadd.f32 v42, v40  }
0xf1: {  	v19 =	vld [tilespmem:s26+$0xB870];
	v44 =	vmax.f32 v7, $0.0e+00;
	v7 =	vadd.f32 v47, v45;
	v4 =	vmax.f32 v4, $0.0e+00  }
0xf2: {  	v24 =	vld [tilespmem:s26+$0xA880];
	v5 =	vadd.f32 v43, v48;
	[tilespmem:s19+$0x8810] =	vst v4  }
0xf3: {  	v52 =	vld [tilespmem:s26+$0x11880];
	v6 =	vadd.f32 v49, v7  }
0xf4: {  	v53 =	vld [tilespmem:s26+$0x12860];
	v5 =	vmax.f32 v5, $0.0e+00  }
0xf5: {  	[tilespmem:s26+$0x9870] =	vst v5;
	v54 =	vld [tilespmem:s29+$0x820];
	v6 =	vmax.f32 v6, $0.0e+00  }
0xf6: {  	v55 =	vld [tilespmem:s25+$0x840];
	[tilespmem:s12+$0x8810] =	vst v6  }
0xf7: {  	v58 =	vld [tilespmem:s26+$0x118A0]  }
0xf8: {  	v62 =	vld [tilespmem:s26+$0x12870];
	v4 =	vadd.f32 v52, v51  }
0xf9: {  	v8 =	vadd.f32 v53, v50;
	v60 =	vld [tilespmem:s30+$0x820]  }
0xfa: {  	v28 =	vld [tilespmem:s26+$0x13860];
	v4 =	vadd.f32 v54, v4  }
0xfb: {  	v20 =	vld [tilespmem:s26+$0x13870];
	v7 =	vadd.f32 v55, v8  }
0xfc: {  	v61 =	vld [tilespmem:s26+$0x11890];
	v4 =	vmax.f32 v4, $0.0e+00;
	v6 =	vadd.f32 v58, v57  }
0xfd: {  	v31 =	vld [tilespmem:s26+$0xA890];
	v7 =	vmax.f32 v7, $0.0e+00;
	[tilespmem:s26+$0x9880] =	vst v4  }
0xfe: {  	[tilespmem:s26+$0xA860] =	vst v7;
	v4 =	vld [tilespmem:s29+$0x830];
	v6 =	vadd.f32 v60, v6  }
0xff: {  	s24 =	sor.u32 $0x7, s2;
	v7 =	vld [tilespmem:s25+$0x850]  }
0x100: {  	s0 =	sshll.u32 s24, $0x5;
	v23 =	vld [tilespmem:s26+$0x118B0];
	v6 =	vmax.f32 v6, $0.0e+00  }
0x101: {  	v15 =	vld [tilespmem:s0+$0x8800];
	v5 =	vadd.f32 v61, v59;
	[tilespmem:s26+$0x98A0] =	vst v6  }
0x102: {  	v22 =	vadd.f32 v62, v56;
	v26 =	vld [tilespmem:s30+$0x830]  }
0x103: {  	v37 =	vld [tilespmem:s0+$0x10800];
	v4 =	vadd.f32 v4, v5  }
0x104: {  	v33 =	vld [tilespmem:s26+$0xA8A0];
	v25 =	vadd.f32 v7, v22  }
0x105: {  	[tilespmem:s26+$0xB840] =	vst v44;
	v27 =	vld [tilespmem:s26+$0x12880];
	v29 =	vadd.f32 v23, v21;
	v4 =	vmax.f32 v4, $0.0e+00  }
0x106: {  	v3 =	vld [tilespmem:s22+$0x870];
	s22 =	sor.u32 $0x6, s2;
	v6 =	vmax.f32 v25, $0.0e+00;
	[tilespmem:s26+$0x9890] =	vst v4  }
0x107: {  	s19 =	sshll.u32 s22, $0x5;
	[tilespmem:s26+$0xA870] =	vst v6;
	v4 =	vld [tilespmem:s29+$0x840];
	v6 =	vadd.f32 v26, v29  }
0x108: {  	v13 =	vld [tilespmem:s19+$0x8800]  }
0x109: {  	v34 =	vld [tilespmem:s26+$0x128A0];
	v6 =	vmax.f32 v6, $0.0e+00  }
0x10a: {  	v35 =	vld [tilespmem:s19+$0x10800];
	s12 =	sshll.u32 s22, $0x7;
	v5 =	vadd.f32 v27, v24;
	[tilespmem:s26+$0x98B0] =	vst v6  }
0x10b: {  	s22 =	sand.u32 $0x3FFFFF80, s12;
	s12 =	sshll.u32 s24, $0x7;
	v6 =	vld [tilespmem:s30+$0x840]  }
0x10c: {  	v36 =	vld [tilespmem:s22+$0x800];
	s12 =	sand.u32 $0x3FFFFF80, s12;
	v4 =	vadd.f32 v4, v5  }
0x10d: {  	v38 =	vld [tilespmem:s12+$0x800]  }
0x10e: {  	v44 =	vld [tilespmem:s0+$0x10810];
	v5 =	vadd.f32 v34, v33;
	v4 =	vmax.f32 v4, $0.0e+00  }
0x10f: {  	v43 =	vld [tilespmem:s0+$0x8810];
	[tilespmem:s26+$0xA880] =	vst v4;
	v4 =	vadd.f32 v35, v13  }
0x110: {  	v48 =	vld [tilespmem:s26+$0xB8A0];
	v5 =	vadd.f32 v6, v5;
	v6 =	vadd.f32 v37, v15  }
0x111: {  	v32 =	vld [tilespmem:s26+$0x12890];
	v4 =	vadd.f32 v36, v4  }
0x112: {  	v17 =	vld [tilespmem:s19+$0x8810];
	v6 =	vadd.f32 v38, v6  }
0x113: {  	v41 =	vld [tilespmem:s19+$0x10810];
	v4 =	vmax.f32 v4, $0.0e+00  }
0x114: {  	v14 =	vld [tilespmem:s29+$0x850];
	[tilespmem:s19+$0x8800] =	vst v4;
	v6 =	vmax.f32 v6, $0.0e+00  }
0x115: {  	v42 =	vld [tilespmem:s22+$0x810];
	[tilespmem:s0+$0x8800] =	vst v6  }
0x116: {  	v46 =	vld [tilespmem:s12+$0x810]  }
0x117: {  	v47 =	vld [tilespmem:s26+$0x13880]  }
0x118: {  	v39 =	vld [tilespmem:s26+$0x128B0];
	v4 =	vadd.f32 v41, v17  }
0x119: {  	v11 =	vadd.f32 v44, v43;
	v49 =	vld [tilespmem:s26+$0x138A0];
	v7 =	vadd.f32 v32, v31  }
0x11a: {  	v52 =	vld [tilespmem:s26+$0x98C0];
	v5 =	vmax.f32 v5, $0.0e+00;
	v4 =	vadd.f32 v42, v4  }
0x11b: {  	v55 =	vld [tilespmem:s26+$0x98E0];
	[tilespmem:s26+$0xA8A0] =	vst v5;
	v45 =	vadd.f32 v14, v7;
	v7 =	vadd.f32 v46, v11  }
0x11c: {  	v40 =	vld [tilespmem:s30+$0x850];
	v4 =	vmax.f32 v4, $0.0e+00  }
0x11d: {  	v30 =	vld [tilespmem:s25+$0x860];
	[tilespmem:s19+$0x8810] =	vst v4;
	v7 =	vmax.f32 v7, $0.0e+00  }
0x11e: {  	v54 =	vld [tilespmem:s26+$0x118C0];
	[tilespmem:s0+$0x8810] =	vst v7  }
0x11f: {  	v5 =	vadd.f32 v39, v16;
	v57 =	vld [tilespmem:s26+$0x118E0]  }
0x120: {  	v51 =	vadd.f32 v28, v63;
	v58 =	vld [tilespmem:s22+$0x820]  }
0x121: {  	v5 =	vadd.f32 v40, v5;
	v60 =	vld [tilespmem:s12+$0x820]  }
0x122: {  	v28 =	vld [tilespmem:s26+$0x13810];
	v4 =	vadd.f32 v30, v51  }
0x123: {  	v53 =	vadd.f32 v47, v18;
	v47 =	vld [tilespmem:s26+$0xB8C0];
	v5 =	vmax.f32 v5, $0.0e+00;
	v62 =	vadd.f32 v54, v52  }
0x124: {  	v21 =	vld [tilespmem:s26+$0x98D0];
	[tilespmem:s26+$0xA8B0] =	vst v5;
	v4 =	vmax.f32 v4, $0.0e+00;
	v7 =	vadd.f32 v57, v55  }
0x125: {  	v23 =	vld [tilespmem:s26+$0x98F0];
	[tilespmem:s26+$0xB860] =	vst v4;
	v4 =	vadd.f32 v58, v62  }
0x126: {  	v5 =	vld [tilespmem:s30+$0x860];
	v7 =	vadd.f32 v60, v7  }
0x127: {  	v22 =	vld [tilespmem:s26+$0x118D0];
	v4 =	vmax.f32 v4, $0.0e+00  }
0x128: {  	v25 =	vld [tilespmem:s26+$0x118F0];
	[tilespmem:s26+$0x98C0] =	vst v4;
	v24 =	vmax.f32 v7, $0.0e+00  }
0x129: {  	v6 =	vmax.f32 v45, $0.0e+00;
	v26 =	vld [tilespmem:s22+$0x830];
	[tilespmem:s26+$0x98E0] =	vst v24  }
0x12a: {  	[tilespmem:s26+$0xA890] =	vst v6;
	v6 =	vadd.f32 v49, v48;
	v4 =	vld [tilespmem:s12+$0x830]  }
0x12b: {  	v32 =	vld [tilespmem:s26+$0xA8E0]  }
0x12c: {  	v27 =	vld [tilespmem:s26+$0xB810];
	v5 =	vadd.f32 v5, v6;
	v6 =	vadd.f32 v22, v21  }
0x12d: {  	v29 =	vld [tilespmem:s26+$0xB830];
	v7 =	vadd.f32 v25, v23  }
0x12e: {  	v35 =	vld [tilespmem:s26+$0x13830];
	v6 =	vadd.f32 v26, v6  }
0x12f: {  	v30 =	vld [tilespmem:s26+$0xA8C0];
	v4 =	vadd.f32 v4, v7  }
0x130: {  	v31 =	vld [tilespmem:s26+$0x128C0];
	v6 =	vmax.f32 v6, $0.0e+00  }
0x131: {  	v33 =	vld [tilespmem:s26+$0x128E0];
	[tilespmem:s26+$0x98D0] =	vst v6;
	v4 =	vmax.f32 v4, $0.0e+00  }
0x132: {  	v34 =	vld [tilespmem:s22+$0x840];
	[tilespmem:s26+$0x98F0] =	vst v4  }
0x133: {  	v4 =	vld [tilespmem:s12+$0x840]  }
0x134: {  	v37 =	vld [tilespmem:s26+$0x13850]  }
0x135: {  	v36 =	vld [tilespmem:s26+$0xB850];
	v8 =	vadd.f32 v31, v30  }
0x136: {  	v39 =	vld [tilespmem:s26+$0xA8D0];
	v6 =	vadd.f32 v33, v32  }
0x137: {  	v50 =	vld [tilespmem:s29+$0x860];
	v38 =	vadd.f32 v34, v8  }
0x138: {  	v42 =	vld [tilespmem:s26+$0xA8F0];
	v4 =	vadd.f32 v4, v6  }
0x139: {  	v40 =	vld [tilespmem:s26+$0x128D0];
	v41 =	vmax.f32 v38, $0.0e+00  }
0x13a: {  	v43 =	vld [tilespmem:s26+$0x128F0];
	[tilespmem:s26+$0xA8C0] =	vst v41;
	v4 =	vmax.f32 v4, $0.0e+00  }
0x13b: {  	v44 =	vld [tilespmem:s22+$0x850];
	[tilespmem:s26+$0xA8E0] =	vst v4  }
0x13c: {  	v4 =	vld [tilespmem:s12+$0x850]  }
0x13d: {  	v45 =	vld [tilespmem:s26+$0xB890]  }
0x13e: {  	v48 =	vld [tilespmem:s26+$0x138C0];
	v8 =	vadd.f32 v40, v39  }
0x13f: {  	v56 =	vadd.f32 v50, v53;
	v50 =	vld [tilespmem:s26+$0xB8E0];
	v6 =	vadd.f32 v43, v42  }
0x140: {  	v53 =	vld [tilespmem:s26+$0x138B0];
	v46 =	vadd.f32 v44, v8  }
0x141: {  	v51 =	vld [tilespmem:s26+$0x138E0];
	v4 =	vadd.f32 v4, v6  }
0x142: {  	v59 =	vmax.f32 v56, $0.0e+00;
	v56 =	vld [tilespmem:s26+$0xB8F0];
	v49 =	vmax.f32 v46, $0.0e+00  }
0x143: {  	v11 =	vld [tilespmem:s25+$0x870];
	[tilespmem:s26+$0xA8D0] =	vst v49;
	v4 =	vmax.f32 v4, $0.0e+00  }
0x144: {  	v21 =	vld [tilespmem:s22+$0x860];
	[tilespmem:s26+$0xA8F0] =	vst v4  }
0x145: {  	v4 =	vld [tilespmem:s12+$0x860]  }
0x146: {  	v22 =	vld [tilespmem:s26+$0x13890]  }
0x147: {  	v52 =	vld [tilespmem:s26+$0xB8B0];
	v8 =	vadd.f32 v48, v47  }
0x148: {  	[tilespmem:s26+$0xB880] =	vst v59;
	v54 =	vld [tilespmem:s26+$0xB8D0];
	v6 =	vadd.f32 v51, v50  }
0x149: {  	v61 =	vmax.f32 v5, $0.0e+00;
	v5 =	vld [tilespmem:s29+$0x870];
	v8 =	vadd.f32 v21, v8  }
0x14a: {  	v13 =	vadd.f32 v28, v27;
	v55 =	vld [tilespmem:s26+$0x138D0];
	v4 =	vadd.f32 v4, v6  }
0x14b: {  	v10 =	vadd.f32 v35, v29;
	v57 =	vld [tilespmem:s26+$0x138F0];
	[tilespmem:s26+$0xB8A0] =	vst v61;
	v8 =	vmax.f32 v8, $0.0e+00  }
0x14c: {  	v1 =	vadd.f32 v1, v13;
	v12 =	vadd.f32 v37, v36;
	v63 =	vld [tilespmem:s30+$0x870];
	[tilespmem:s26+$0xB8C0] =	vst v8;
	v4 =	vmax.f32 v4, $0.0e+00  }
0x14d: {  	v2 =	vadd.f32 v2, v10;
	v58 =	vadd.f32 v20, v19;
	[tilespmem:s26+$0xB8E0] =	vst v4;
	v59 =	vld [tilespmem:s22+$0x870]  }
0x14e: {  	v1 =	vmax.f32 v1, $0.0e+00;
	v3 =	vadd.f32 v3, v12;
	v60 =	vadd.f32 v22, v45;
	v61 =	vld [tilespmem:s12+$0x870]  }
0x14f: {  	[tilespmem:s26+$0xB810] =	vst v1;
	v2 =	vmax.f32 v2, $0.0e+00;
	v1 =	vadd.f32 v11, v58;
	v7 =	vadd.f32 v53, v52  }
0x150: {  	[tilespmem:s26+$0xB830] =	vst v2;
	v3 =	vmax.f32 v3, $0.0e+00;
	v62 =	vadd.f32 v55, v54;
	v2 =	vadd.f32 v5, v60  }
0x151: {  	p1 =	slt.u32 s2, $0x78;
	[tilespmem:s26+$0xB850] =	vst v3;
	v1 =	vmax.f32 v1, $0.0e+00;
	v3 =	vadd.f32 v63, v7;
	v63 =	vadd.f32 v57, v56  }
.Ltmp1:
0x152: {  	[tilespmem:s26+$0xB870] =	vst v1;
	v2 =	vmax.f32 v2, $0.0e+00;
	v1 =	vadd.f32 v59, v62;
	(pc) =	sbr.rel @p1 .LBB2_5-.Ltmp1, $4  }
0x153: {  	[tilespmem:s26+$0xB890] =	vst v2;
	v3 =	vmax.f32 v3, $0.0e+00;
	v2 =	vadd.f32 v61, v63  }
0x154: {  	[tilespmem:s26+$0xB8B0] =	vst v3;
	v1 =	vmax.f32 v1, $0.0e+00  }
0x155: {  	s30 =	sadd.s32 $0x8, s2;
	[tilespmem:s26+$0xB8D0] =	vst v1;
	v1 =	vmax.f32 v2, $0.0e+00  }
0x156: {  	s2 =	smov.u32 s30;
	[tilespmem:s26+$0xB8F0] =	vst v1  }
0x157: {  	s0 =	simm.s32 $0x0;
	s2 =	simm.s32 $0x8800  }
0x158: {  	[spmem:s1] =	stream.indirect.scatter.add.f32 [tilespmem:s2], [sflag:$0x3], $0x20, s0, s23, $0xb8;
	[tilespmem:$0x1D640] =	vst v63  }
0x159: {  	s24 =	simm.s32 $0x9800  }
0x15a: {  	[spmem:s1] =	stream.indirect.scatter.add.f32 [tilespmem:s24], [sflag:$0x3], $0x20, s23, s23, $0xb8;
	[tilespmem:$0x1D640] =	vst v63  }
0x15b: {  	s25 =	simm.s32 $0x100;
	s26 =	simm.s32 $0xA800;
	p1 =	seq.s32 s17, $0x9  }
0x15c: {  	[spmem:s1] =	stream.indirect.scatter.add.f32 [tilespmem:s26], [sflag:$0x3], $0x20, s25, s23, $0xb8;
	[tilespmem:$0x1D640] =	vst v63  }
0x15d: {  	s29 =	simm.s32 $0x180;
	s30 =	simm.s32 $0xB800;
	s0 =	simm.s32 @!p1 $0x3  }
0x15e: {  	[spmem:s1] =	stream.indirect.scatter.add.f32 [tilespmem:s30], [sflag:$0x3], $0x20, s29, s23, $0xb8;
	[tilespmem:$0x1D640] =	vst v63  }
0x15f: {  	_ =	swait.ge @!p1 [sflag:s0], $0x1000  }
0x160: {  	[sflag:s0] =	ssyncset.done @!p1 $0x0  }
0x161: {  	[sflag:s0] =	ssyncadd.s32 @!p1 $0xFFFFF000  }
0x162: {  	_ =	swait.ge @!p1 [sflag:s0], $0x1000  }
0x163: {  	[sflag:s0] =	ssyncset.done @!p1 $0x0  }
0x164: {  	[sflag:s0] =	ssyncadd.s32 @!p1 $0xFFFFF000  }
0x165: {  	_ =	swait.ge @!p1 [sflag:s0], $0x1000  }
0x166: {  	[sflag:s0] =	ssyncset.done @!p1 $0x0  }
0x167: {  	s2 =	sadd.s32 @!p1 $0x2, s18;
	[sflag:s0] =	ssyncadd.s32 @!p1 $0xFFFFF000  }
0x168: {  	s12 =	sshll.u32 @!p1 s2, $0x6;
	_ =	swait.ge @!p1 [sflag:s0], $0x1000  }
0x169: {  	s12 =	sand.u32 @!p1 $0x1FFFFF80, s12;
	[sflag:s0] =	ssyncset.done @!p1 $0x0  }
0x16a: {  	s18 =	simm.s32 @!p1 $0x0;
	[sflag:s0] =	ssyncadd.s32 @!p1 $0xFFFFF000;
	s0 =	sadd.s32 @!p1 s7, s12  }
0x16b: {  	[tilespmem:s18], [sflag:$0x5] =	stream.linear.gather @!p1 [hbm4b:s0+s18], $0x200, $0x38;
	[tilespmem:$0x1D640] =	vst v63  }
0x16c: {  	s0 =	simm.s32 @!p1 $0x5  }
0x16d: {  	_ =	swait.ge @!p1 [sflag:s0], $0x200  }
0x16e: {  	[sflag:s0] =	ssyncset.done @!p1 $0x0  }
0x16f: {  	s19 =	simm.s32 @!p1 $0x400;
	s12 =	sadd.s32 @!p1 s8, s12;
	[sflag:s0] =	ssyncadd.s32 @!p1 $0xFFFFFE00  }
0x170: {  	[tilespmem:s19], [sflag:$0x5] =	stream.linear.gather @!p1 [hbm4b:s12+s18], $0x200, $0x38;
	[tilespmem:$0x1D640] =	vst v63  }
0x171: {  	s2 =	sshll.u32 @!p1 s2, $0xB;
	_ =	swait.ge @!p1 [sflag:s0], $0x200  }
0x172: {  	s2 =	sand.u32 @!p1 $0x1FFFF000, s2;
	[sflag:s0] =	ssyncset.done @!p1 $0x0  }
0x173: {  	[sflag:s0] =	ssyncadd.s32 @!p1 $0xFFFFFE00;
	s0 =	sadd.s32 @!p1 s6, s2;
	s2 =	simm.s32 @!p1 $0x800  }
0x174: {  	[tilespmem:s2], [sflag:$0x1] =	stream.linear.gather @!p1 [hbm4b:s0+s18], $0x4000, $0x38;
	[tilespmem:$0x1D640] =	vst v63  }
0x175: {  	s0 =	simm.s32 @!p1 $0x80;
	s2 =	simm.s32 @!p1 $0x8800  }
0x176: {  	[tilespmem:s2], [sflag:$0x1] =	stream.indirect.gather @!p1 [hbm4b:s3+s0], $0x20, s18, s0, $0xb8;
	[tilespmem:$0x1D640] =	vst v63  }
0x177: {  	s2 =	simm.s32 @!p1 $0x10800  }
0x178: {  	[tilespmem:s2], [sflag:$0x1] =	stream.indirect.gather @!p1 [hbm4b:s4+s0], $0x20, s19, s0, $0xb8;
	[tilespmem:$0x1D640] =	vst v63  }
0x179: {  	s2 =	simm.s32 @!p1 $0x9800  }
0x17a: {  	[tilespmem:s2], [sflag:$0x1] =	stream.indirect.gather @!p1 [hbm4b:s3+s0], $0x20, s0, s0, $0xb8;
	[tilespmem:$0x1D640] =	vst v63  }
0x17b: {  	s12 =	simm.s32 @!p1 $0x11800;
	s2 =	simm.s32 @!p1 $0x480  }
0x17c: {  	[tilespmem:s12], [sflag:$0x1] =	stream.indirect.gather @!p1 [hbm4b:s4+s0], $0x20, s2, s0, $0xb8;
	[tilespmem:$0x1D640] =	vst v63  }
0x17d: {  	s2 =	simm.s32 @!p1 $0x100;
	s12 =	simm.s32 @!p1 $0xA800  }
0x17e: {  	[tilespmem:s12], [sflag:$0x1] =	stream.indirect.gather @!p1 [hbm4b:s3+s0], $0x20, s2, s0, $0xb8;
	[tilespmem:$0x1D640] =	vst v63  }
0x17f: {  	s2 =	simm.s32 @!p1 $0x500;
	s12 =	simm.s32 @!p1 $0x12800  }
0x180: {  	[tilespmem:s12], [sflag:$0x1] =	stream.indirect.gather @!p1 [hbm4b:s4+s0], $0x20, s2, s0, $0xb8;
	[tilespmem:$0x1D640] =	vst v63  }
0x181: {  	s2 =	simm.s32 @!p1 $0x180;
	s12 =	simm.s32 @!p1 $0xB800  }
0x182: {  	[tilespmem:s12], [sflag:$0x1] =	stream.indirect.gather @!p1 [hbm4b:s3+s0], $0x20, s2, s0, $0xb8;
	[tilespmem:$0x1D640] =	vst v63  }
0x183: {  	s2 =	simm.s32 @!p1 $0x580;
	s12 =	simm.s32 @!p1 $0x13800  }
0x184: {  	[tilespmem:s12], [sflag:$0x1] =	stream.indirect.gather @!p1 [hbm4b:s4+s0], $0x20, s2, s0, $0xb8;
	[tilespmem:$0x1D640] =	vst v63  }
0x185: {  	_ =	swait.ge [sflag:s13], $0x4000  }
0x186: {  	[sflag:s13] =	ssyncset.done $0x0  }
0x187: {  	[sflag:s13] =	ssyncadd.s32 $0xFFFFC000  }
0x188: {  	_ =	swait.ge [sflag:s13], $0x1000  }
0x189: {  	[sflag:s13] =	ssyncset.done $0x0  }
0x18a: {  	[sflag:s13] =	ssyncadd.s32 $0xFFFFF000  }
0x18b: {  	_ =	swait.ge [sflag:s13], $0x1000  }
0x18c: {  	[sflag:s13] =	ssyncset.done $0x0  }
0x18d: {  	[sflag:s13] =	ssyncadd.s32 $0xFFFFF000  }
0x18e: {  	_ =	swait.ge [sflag:s13], $0x1000  }
0x18f: {  	[sflag:s13] =	ssyncset.done $0x0  }
0x190: {  	[sflag:s13] =	ssyncadd.s32 $0xFFFFF000  }
0x191: {  	_ =	swait.ge [sflag:s13], $0x1000  }
0x192: {  	[sflag:s13] =	ssyncset.done $0x0  }
0x193: {  	[sflag:s13] =	ssyncadd.s32 $0xFFFFF000  }
0x194: {  	_ =	swait.ge [sflag:s13], $0x1000  }
0x195: {  	[sflag:s13] =	ssyncset.done $0x0  }
0x196: {  	[sflag:s13] =	ssyncadd.s32 $0xFFFFF000  }
0x197: {  	_ =	swait.ge [sflag:s13], $0x1000  }
0x198: {  	[sflag:s13] =	ssyncset.done $0x0  }
0x199: {  	[sflag:s13] =	ssyncadd.s32 $0xFFFFF000  }
0x19a: {  	_ =	swait.ge [sflag:s13], $0x1000  }
0x19b: {  	[sflag:s13] =	ssyncset.done $0x0  }
0x19c: {  	[sflag:s13] =	ssyncadd.s32 $0xFFFFF000  }
0x19d: {  	_ =	swait.ge [sflag:s13], $0x1000  }
0x19e: {  	[sflag:s13] =	ssyncset.done $0x0  }
0x19f: {  	s2 =	simm.s32 $0x0;
	[sflag:s13] =	ssyncadd.s32 $0xFFFFF000  }
.LBB2_7:
0x1a0: {  	s18 =	sshll.u32 s2, $0x5  }
0x1a1: {  	v1 =	vld [tilespmem:s18+$0xC800]  }
0x1a2: {  	s0 =	sshll.u32 s2, $0x7;
	v2 =	vld [tilespmem:s18+$0x14800]  }
0x1a3: {  	s26 =	sand.u32 $0x3FFFFF80, s0  }
0x1a4: {  	v3 =	vld [tilespmem:s26+$0x4800];
	_ =	sdelay $0x2  }
0x1a5: {  	v1 =	vadd.f32 v2, v1;
	_ =	sdelay $0x1  }
0x1a6: {  	v1 =	vadd.f32 v3, v1  }
0x1a7: {  	v2 =	vld [tilespmem:s18+$0xC810]  }
0x1a8: {  	v3 =	vld [tilespmem:s18+$0x14810];
	v1 =	vmax.f32 v1, $0.0e+00  }
0x1a9: {  	[tilespmem:s18+$0xC800] =	vst v1  }
0x1aa: {  	s24 =	sor.u32 $0x1, s2;
	v1 =	vld [tilespmem:s26+$0x4810]  }
0x1ab: {  	s12 =	sshll.u32 s24, $0x5;
	v5 =	vld [tilespmem:s18+$0xD800]  }
0x1ac: {  	v4 =	vld [tilespmem:s12+$0xC800]  }
0x1ad: {  	s0 =	sshll.u32 s24, $0x7;
	v2 =	vadd.f32 v3, v2;
	v3 =	vld [tilespmem:s12+$0x14800]  }
0x1ae: {  	v6 =	vld [tilespmem:s18+$0x15800];
	s24 =	sand.u32 $0x3FFFFF80, s0  }
0x1af: {  	v1 =	vadd.f32 v1, v2;
	v2 =	vld [tilespmem:s24+$0x4800]  }
0x1b0: {  	v44 =	vld [tilespmem:s18+$0xD810]  }
0x1b1: {  	v45 =	vld [tilespmem:s18+$0x15810];
	v1 =	vmax.f32 v1, $0.0e+00  }
0x1b2: {  	v47 =	vld [tilespmem:s18+$0xD820];
	[tilespmem:s18+$0xC810] =	vst v1;
	v1 =	vadd.f32 v3, v4  }
0x1b3: {  	v3 =	vld [tilespmem:s26+$0x4820]  }
0x1b4: {  	v7 =	vld [tilespmem:s18+$0xE800];
	v1 =	vadd.f32 v2, v1  }
0x1b5: {  	v43 =	vld [tilespmem:s12+$0x14810]  }
0x1b6: {  	v42 =	vadd.f32 v6, v5;
	v2 =	vld [tilespmem:s12+$0xC810];
	v1 =	vmax.f32 v1, $0.0e+00  }
0x1b7: {  	v52 =	vld [tilespmem:s18+$0xD830];
	[tilespmem:s12+$0xC800] =	vst v1  }
0x1b8: {  	v1 =	vadd.f32 v3, v42;
	v3 =	vld [tilespmem:s24+$0x4810]  }
0x1b9: {  	v54 =	vld [tilespmem:s18+$0xE810]  }
0x1ba: {  	v55 =	vld [tilespmem:s18+$0x16810];
	v1 =	vmax.f32 v1, $0.0e+00  }
0x1bb: {  	s25 =	sor.u32 $0x2, s2;
	v57 =	vld [tilespmem:s18+$0xE820];
	[tilespmem:s18+$0xD800] =	vst v1;
	v1 =	vadd.f32 v43, v2  }
0x1bc: {  	s19 =	sshll.u32 s25, $0x5;
	v2 =	vld [tilespmem:s26+$0x4830]  }
0x1bd: {  	v46 =	vld [tilespmem:s19+$0x14800];
	v1 =	vadd.f32 v3, v1  }
0x1be: {  	s0 =	sshll.u32 s25, $0x7;
	v3 =	vld [tilespmem:s19+$0xC800]  }
0x1bf: {  	v62 =	vld [tilespmem:s18+$0xF800];
	s22 =	sand.u32 $0x3FFFFF80, s0;
	v4 =	vadd.f32 v45, v44;
	v1 =	vmax.f32 v1, $0.0e+00  }
0x1c0: {  	[tilespmem:s12+$0xC810] =	vst v1;
	v1 =	vld [tilespmem:s22+$0x4800]  }
0x1c1: {  	v2 =	vadd.f32 v2, v4;
	v48 =	vld [tilespmem:s18+$0x15820]  }
0x1c2: {  	v15 =	vld [tilespmem:s18+$0xE830]  }
0x1c3: {  	v8 =	vld [tilespmem:s24+$0x4820];
	v3 =	vadd.f32 v46, v3;
	v2 =	vmax.f32 v2, $0.0e+00  }
0x1c4: {  	[tilespmem:s18+$0xD810] =	vst v2;
	v2 =	vld [tilespmem:s18+$0x16800]  }
0x1c5: {  	v50 =	vld [tilespmem:s19+$0xC810];
	v1 =	vadd.f32 v1, v3  }
0x1c6: {  	v49 =	vld [tilespmem:s26+$0x4840];
	v3 =	vadd.f32 v48, v47  }
0x1c7: {  	v51 =	vld [tilespmem:s19+$0x14810];
	v1 =	vmax.f32 v1, $0.0e+00  }
0x1c8: {  	v16 =	vld [tilespmem:s18+$0xD850];
	v3 =	vadd.f32 v8, v3;
	[tilespmem:s19+$0xC800] =	vst v1  }
0x1c9: {  	v1 =	vadd.f32 v2, v7;
	v2 =	vld [tilespmem:s22+$0x4810]  }
0x1ca: {  	v53 =	vld [tilespmem:s18+$0x15830];
	v3 =	vmax.f32 v3, $0.0e+00  }
0x1cb: {  	v10 =	vld [tilespmem:s18+$0xF820];
	v1 =	vadd.f32 v49, v1;
	[tilespmem:s18+$0xD820] =	vst v3  }
0x1cc: {  	v4 =	vadd.f32 v51, v50;
	v3 =	vld [tilespmem:s24+$0x4830]  }
0x1cd: {  	v18 =	vld [tilespmem:s18+$0xE840];
	v1 =	vmax.f32 v1, $0.0e+00  }
0x1ce: {  	v22 =	vld [tilespmem:s18+$0xE850];
	[tilespmem:s18+$0xE800] =	vst v1;
	v1 =	vadd.f32 v2, v4  }
0x1cf: {  	v27 =	vld [tilespmem:s18+$0xF840];
	v56 =	vadd.f32 v53, v52  }
0x1d0: {  	v29 =	vld [tilespmem:s18+$0xD860];
	v1 =	vmax.f32 v1, $0.0e+00  }
0x1d1: {  	v3 =	vadd.f32 v3, v56;
	[tilespmem:s19+$0xC810] =	vst v1;
	v1 =	vld [tilespmem:s18+$0xD840]  }
0x1d2: {  	v59 =	vld [tilespmem:s18+$0x15840]  }
0x1d3: {  	v60 =	vld [tilespmem:s18+$0x16820];
	v3 =	vmax.f32 v3, $0.0e+00  }
0x1d4: {  	[tilespmem:s18+$0xD830] =	vst v3;
	v3 =	vld [tilespmem:s22+$0x4820]  }
0x1d5: {  	s29 =	sor.u32 $0x3, s2;
	v61 =	vld [tilespmem:s24+$0x4840]  }
0x1d6: {  	s30 =	sshll.u32 s29, $0x5;
	v40 =	vld [tilespmem:s18+$0xD870]  }
0x1d7: {  	v19 =	vld [tilespmem:s30+$0xC800];
	v1 =	vadd.f32 v59, v1  }
0x1d8: {  	v20 =	vld [tilespmem:s30+$0x14800];
	v6 =	vadd.f32 v60, v57  }
0x1d9: {  	v24 =	vld [tilespmem:s30+$0xC810];
	v1 =	vadd.f32 v3, v1  }
0x1da: {  	v2 =	vld [tilespmem:s26+$0x4850];
	v3 =	vadd.f32 v61, v6  }
0x1db: {  	v17 =	vld [tilespmem:s18+$0x15850];
	v1 =	vmax.f32 v1, $0.0e+00  }
0x1dc: {  	v9 =	vld [tilespmem:s18+$0x16830];
	v3 =	vmax.f32 v3, $0.0e+00;
	[tilespmem:s18+$0xD840] =	vst v1  }
0x1dd: {  	[tilespmem:s18+$0xE820] =	vst v3;
	v1 =	vld [tilespmem:s22+$0x4830]  }
0x1de: {  	s0 =	sshll.u32 s29, $0x7;
	v58 =	vadd.f32 v55, v54;
	v3 =	vld [tilespmem:s24+$0x4850]  }
0x1df: {  	v25 =	vld [tilespmem:s30+$0x14810];
	s25 =	sand.u32 $0x3FFFFF80, s0  }
0x1e0: {  	v11 =	vld [tilespmem:s25+$0x4800];
	v2 =	vadd.f32 v2, v58;
	v4 =	vadd.f32 v17, v16  }
0x1e1: {  	v12 =	vld [tilespmem:s18+$0x17820];
	v7 =	vadd.f32 v9, v15  }
0x1e2: {  	v50 =	vld [tilespmem:s18+$0xE860];
	v2 =	vmax.f32 v2, $0.0e+00;
	v1 =	vadd.f32 v1, v4  }
0x1e3: {  	[tilespmem:s18+$0xE810] =	vst v2;
	v2 =	vld [tilespmem:s18+$0x17800];
	v3 =	vadd.f32 v3, v7  }
0x1e4: {  	v21 =	vld [tilespmem:s18+$0x16840];
	v1 =	vmax.f32 v1, $0.0e+00  }
0x1e5: {  	v63 =	vld [tilespmem:s26+$0x4860];
	v3 =	vmax.f32 v3, $0.0e+00;
	[tilespmem:s18+$0xD850] =	vst v1  }
0x1e6: {  	v4 =	vadd.f32 v20, v19;
	[tilespmem:s18+$0xE830] =	vst v3;
	v1 =	vld [tilespmem:s22+$0x4840]  }
0x1e7: {  	v3 =	vld [tilespmem:s24+$0x4860]  }
0x1e8: {  	v51 =	vld [tilespmem:s18+$0xD880];
	v2 =	vadd.f32 v2, v62;
	v4 =	vadd.f32 v11, v4  }
0x1e9: {  	v57 =	vld [tilespmem:s18+$0xD8A0];
	v6 =	vadd.f32 v21, v18  }
0x1ea: {  	v23 =	vadd.f32 v12, v10;
	v56 =	vld [tilespmem:s18+$0xE870];
	v2 =	vadd.f32 v63, v2;
	v4 =	vmax.f32 v4, $0.0e+00  }
0x1eb: {  	v26 =	vld [tilespmem:s18+$0x16850];
	[tilespmem:s30+$0xC800] =	vst v4;
	v1 =	vadd.f32 v1, v6  }
0x1ec: {  	v2 =	vmax.f32 v2, $0.0e+00;
	v4 =	vld [tilespmem:s25+$0x4810];
	v3 =	vadd.f32 v3, v23  }
0x1ed: {  	v28 =	vld [tilespmem:s18+$0x17840];
	[tilespmem:s18+$0xF800] =	vst v2;
	v2 =	vmax.f32 v1, $0.0e+00  }
0x1ee: {  	v59 =	vld [tilespmem:s18+$0xD890];
	v3 =	vmax.f32 v3, $0.0e+00;
	[tilespmem:s18+$0xE840] =	vst v2  }
0x1ef: {  	v6 =	vadd.f32 v25, v24;
	[tilespmem:s18+$0xF820] =	vst v3;
	v3 =	vld [tilespmem:s22+$0x4850]  }
0x1f0: {  	v16 =	vld [tilespmem:s18+$0xE8B0]  }
0x1f1: {  	s19 =	sor.u32 $0x4, s2;
	v1 =	vld [tilespmem:s26+$0x4870];
	v4 =	vadd.f32 v4, v6  }
0x1f2: {  	v5 =	vadd.f32 v26, v22;
	v2 =	vld [tilespmem:s24+$0x4870];
	s24 =	sshll.u32 s19, $0x5  }
0x1f3: {  	v4 =	vmax.f32 v4, $0.0e+00;
	v30 =	vld [tilespmem:s24+$0xC800]  }
0x1f4: {  	[tilespmem:s30+$0xC810] =	vst v4;
	v31 =	vld [tilespmem:s24+$0x14800];
	v3 =	vadd.f32 v3, v5  }
0x1f5: {  	s0 =	sshll.u32 s19, $0x7;
	v32 =	vld [tilespmem:s18+$0x15860]  }
0x1f6: {  	s29 =	sor.u32 $0x5, s2;
	s26 =	sand.u32 $0x3FFFFF80, s0;
	v34 =	vld [tilespmem:s25+$0x4820];
	v3 =	vmax.f32 v3, $0.0e+00  }
0x1f7: {  	s30 =	sshll.u32 s29, $0x5;
	[tilespmem:s18+$0xE850] =	vst v3;
	v3 =	vld [tilespmem:s26+$0x4800]  }
0x1f8: {  	v35 =	vld [tilespmem:s30+$0xC800]  }
0x1f9: {  	s0 =	sshll.u32 s29, $0x7;
	v36 =	vld [tilespmem:s30+$0x14800]  }
0x1fa: {  	v21 =	vld [tilespmem:s18+$0xD8B0];
	s29 =	sand.u32 $0x3FFFFF80, s0;
	v4 =	vadd.f32 v31, v30  }
0x1fb: {  	v38 =	vld [tilespmem:s29+$0x4800];
	v6 =	vadd.f32 v32, v29  }
0x1fc: {  	v37 =	vld [tilespmem:s24+$0xC810];
	v3 =	vadd.f32 v3, v4  }
0x1fd: {  	v39 =	vld [tilespmem:s24+$0x14810];
	v6 =	vadd.f32 v34, v6  }
0x1fe: {  	v42 =	vld [tilespmem:s18+$0x15870];
	v5 =	vadd.f32 v36, v35;
	v3 =	vmax.f32 v3, $0.0e+00  }
0x1ff: {  	v33 =	vld [tilespmem:s22+$0x4860];
	[tilespmem:s24+$0xC800] =	vst v3;
	v3 =	vmax.f32 v6, $0.0e+00  }
0x200: {  	v41 =	vld [tilespmem:s26+$0x4810];
	[tilespmem:s18+$0xD860] =	vst v3;
	v3 =	vadd.f32 v38, v5  }
0x201: {  	v45 =	vld [tilespmem:s30+$0xC810]  }
0x202: {  	v47 =	vld [tilespmem:s30+$0x14810];
	v46 =	vmax.f32 v3, $0.0e+00  }
0x203: {  	v7 =	vadd.f32 v28, v27;
	v4 =	vadd.f32 v39, v37;
	v43 =	vld [tilespmem:s25+$0x4830];
	[tilespmem:s30+$0xC800] =	vst v46  }
0x204: {  	v49 =	vld [tilespmem:s29+$0x4810]  }
0x205: {  	v18 =	vld [tilespmem:s18+$0xF880];
	v7 =	vadd.f32 v33, v7;
	v4 =	vadd.f32 v41, v4  }
0x206: {  	v63 =	vld [tilespmem:s18+$0xF860];
	v48 =	vadd.f32 v42, v40  }
0x207: {  	v19 =	vld [tilespmem:s18+$0xF870];
	v44 =	vmax.f32 v7, $0.0e+00;
	v7 =	vadd.f32 v47, v45;
	v4 =	vmax.f32 v4, $0.0e+00  }
0x208: {  	v24 =	vld [tilespmem:s18+$0xE880];
	v5 =	vadd.f32 v43, v48;
	[tilespmem:s24+$0xC810] =	vst v4  }
0x209: {  	v52 =	vld [tilespmem:s18+$0x15880];
	v6 =	vadd.f32 v49, v7  }
0x20a: {  	v53 =	vld [tilespmem:s18+$0x16860];
	v5 =	vmax.f32 v5, $0.0e+00  }
0x20b: {  	[tilespmem:s18+$0xD870] =	vst v5;
	v54 =	vld [tilespmem:s26+$0x4820];
	v6 =	vmax.f32 v6, $0.0e+00  }
0x20c: {  	v55 =	vld [tilespmem:s25+$0x4840];
	[tilespmem:s30+$0xC810] =	vst v6  }
0x20d: {  	v58 =	vld [tilespmem:s18+$0x158A0]  }
0x20e: {  	v62 =	vld [tilespmem:s18+$0x16870];
	v4 =	vadd.f32 v52, v51  }
0x20f: {  	s12 =	sor.u32 $0x6, s2;
	v8 =	vadd.f32 v53, v50;
	v60 =	vld [tilespmem:s29+$0x4820]  }
0x210: {  	s19 =	sshll.u32 s12, $0x5;
	v28 =	vld [tilespmem:s18+$0x17860];
	v4 =	vadd.f32 v54, v4  }
0x211: {  	v13 =	vld [tilespmem:s19+$0xC800];
	v7 =	vadd.f32 v55, v8  }
0x212: {  	v61 =	vld [tilespmem:s18+$0x15890];
	v4 =	vmax.f32 v4, $0.0e+00;
	v6 =	vadd.f32 v58, v57  }
0x213: {  	v17 =	vld [tilespmem:s19+$0xC810];
	v7 =	vmax.f32 v7, $0.0e+00;
	[tilespmem:s18+$0xD880] =	vst v4  }
0x214: {  	[tilespmem:s18+$0xE860] =	vst v7;
	v4 =	vld [tilespmem:s26+$0x4830];
	v6 =	vadd.f32 v60, v6  }
0x215: {  	v7 =	vld [tilespmem:s25+$0x4850]  }
0x216: {  	v23 =	vld [tilespmem:s18+$0x158B0];
	v6 =	vmax.f32 v6, $0.0e+00  }
0x217: {  	v20 =	vld [tilespmem:s18+$0x17870];
	v5 =	vadd.f32 v61, v59;
	[tilespmem:s18+$0xD8A0] =	vst v6  }
0x218: {  	v22 =	vadd.f32 v62, v56;
	v26 =	vld [tilespmem:s29+$0x4830]  }
0x219: {  	v35 =	vld [tilespmem:s19+$0x14800];
	v4 =	vadd.f32 v4, v5  }
0x21a: {  	v33 =	vld [tilespmem:s18+$0xE8A0];
	v25 =	vadd.f32 v7, v22  }
0x21b: {  	[tilespmem:s18+$0xF840] =	vst v44;
	v27 =	vld [tilespmem:s18+$0x16880];
	v29 =	vadd.f32 v23, v21;
	v4 =	vmax.f32 v4, $0.0e+00  }
0x21c: {  	v3 =	vld [tilespmem:s22+$0x4870];
	v6 =	vmax.f32 v25, $0.0e+00;
	[tilespmem:s18+$0xD890] =	vst v4  }
0x21d: {  	s24 =	sor.u32 $0x7, s2;
	[tilespmem:s18+$0xE870] =	vst v6;
	v4 =	vld [tilespmem:s26+$0x4840];
	v6 =	vadd.f32 v26, v29  }
0x21e: {  	s30 =	sshll.u32 s24, $0x5;
	v34 =	vld [tilespmem:s18+$0x168A0]  }
0x21f: {  	v15 =	vld [tilespmem:s30+$0xC800];
	v6 =	vmax.f32 v6, $0.0e+00  }
0x220: {  	s0 =	sshll.u32 s12, $0x7;
	v37 =	vld [tilespmem:s30+$0x14800];
	v5 =	vadd.f32 v27, v24;
	[tilespmem:s18+$0xD8B0] =	vst v6  }
0x221: {  	s22 =	sand.u32 $0x3FFFFF80, s0;
	s0 =	sshll.u32 s24, $0x7;
	v6 =	vld [tilespmem:s29+$0x4840]  }
0x222: {  	v36 =	vld [tilespmem:s22+$0x4800];
	s0 =	sand.u32 $0x3FFFFF80, s0;
	v4 =	vadd.f32 v4, v5  }
0x223: {  	v38 =	vld [tilespmem:s0+$0x4800]  }
0x224: {  	v31 =	vld [tilespmem:s18+$0xE890];
	v5 =	vadd.f32 v34, v33;
	v4 =	vmax.f32 v4, $0.0e+00  }
0x225: {  	v41 =	vld [tilespmem:s19+$0x14810];
	[tilespmem:s18+$0xE880] =	vst v4;
	v4 =	vadd.f32 v35, v13  }
0x226: {  	v48 =	vld [tilespmem:s18+$0xF8A0];
	v5 =	vadd.f32 v6, v5;
	v6 =	vadd.f32 v37, v15  }
0x227: {  	v32 =	vld [tilespmem:s18+$0x16890];
	v4 =	vadd.f32 v36, v4  }
0x228: {  	v43 =	vld [tilespmem:s30+$0xC810];
	v6 =	vadd.f32 v38, v6  }
0x229: {  	v44 =	vld [tilespmem:s30+$0x14810];
	v4 =	vmax.f32 v4, $0.0e+00  }
0x22a: {  	v14 =	vld [tilespmem:s26+$0x4850];
	[tilespmem:s19+$0xC800] =	vst v4;
	v6 =	vmax.f32 v6, $0.0e+00  }
0x22b: {  	v42 =	vld [tilespmem:s22+$0x4810];
	[tilespmem:s30+$0xC800] =	vst v6  }
0x22c: {  	v46 =	vld [tilespmem:s0+$0x4810]  }
0x22d: {  	v47 =	vld [tilespmem:s18+$0x17880]  }
0x22e: {  	v39 =	vld [tilespmem:s18+$0x168B0];
	v4 =	vadd.f32 v41, v17  }
0x22f: {  	v49 =	vld [tilespmem:s18+$0x178A0];
	v11 =	vadd.f32 v44, v43;
	v7 =	vadd.f32 v32, v31  }
0x230: {  	v52 =	vld [tilespmem:s18+$0xD8C0];
	v5 =	vmax.f32 v5, $0.0e+00;
	v4 =	vadd.f32 v42, v4  }
0x231: {  	v55 =	vld [tilespmem:s18+$0xD8E0];
	[tilespmem:s18+$0xE8A0] =	vst v5;
	v45 =	vadd.f32 v14, v7;
	v7 =	vadd.f32 v46, v11  }
0x232: {  	v40 =	vld [tilespmem:s29+$0x4850];
	v4 =	vmax.f32 v4, $0.0e+00  }
0x233: {  	v30 =	vld [tilespmem:s25+$0x4860];
	[tilespmem:s19+$0xC810] =	vst v4;
	v7 =	vmax.f32 v7, $0.0e+00  }
0x234: {  	v54 =	vld [tilespmem:s18+$0x158C0];
	[tilespmem:s30+$0xC810] =	vst v7  }
0x235: {  	v5 =	vadd.f32 v39, v16;
	v57 =	vld [tilespmem:s18+$0x158E0]  }
0x236: {  	v51 =	vadd.f32 v28, v63;
	v58 =	vld [tilespmem:s22+$0x4820]  }
0x237: {  	v5 =	vadd.f32 v40, v5;
	v60 =	vld [tilespmem:s0+$0x4820]  }
0x238: {  	v28 =	vld [tilespmem:s18+$0x17810];
	v4 =	vadd.f32 v30, v51  }
0x239: {  	v53 =	vadd.f32 v47, v18;
	v47 =	vld [tilespmem:s18+$0xF8C0];
	v5 =	vmax.f32 v5, $0.0e+00;
	v62 =	vadd.f32 v54, v52  }
0x23a: {  	v21 =	vld [tilespmem:s18+$0xD8D0];
	[tilespmem:s18+$0xE8B0] =	vst v5;
	v4 =	vmax.f32 v4, $0.0e+00;
	v7 =	vadd.f32 v57, v55  }
0x23b: {  	v23 =	vld [tilespmem:s18+$0xD8F0];
	[tilespmem:s18+$0xF860] =	vst v4;
	v4 =	vadd.f32 v58, v62  }
0x23c: {  	v5 =	vld [tilespmem:s29+$0x4860];
	v7 =	vadd.f32 v60, v7  }
0x23d: {  	v22 =	vld [tilespmem:s18+$0x158D0];
	v4 =	vmax.f32 v4, $0.0e+00  }
0x23e: {  	v25 =	vld [tilespmem:s18+$0x158F0];
	[tilespmem:s18+$0xD8C0] =	vst v4;
	v24 =	vmax.f32 v7, $0.0e+00  }
0x23f: {  	v6 =	vmax.f32 v45, $0.0e+00;
	v26 =	vld [tilespmem:s22+$0x4830];
	[tilespmem:s18+$0xD8E0] =	vst v24  }
0x240: {  	[tilespmem:s18+$0xE890] =	vst v6;
	v6 =	vadd.f32 v49, v48;
	v4 =	vld [tilespmem:s0+$0x4830]  }
0x241: {  	v32 =	vld [tilespmem:s18+$0xE8E0]  }
0x242: {  	v27 =	vld [tilespmem:s18+$0xF810];
	v5 =	vadd.f32 v5, v6;
	v6 =	vadd.f32 v22, v21  }
0x243: {  	v29 =	vld [tilespmem:s18+$0xF830];
	v7 =	vadd.f32 v25, v23  }
0x244: {  	v35 =	vld [tilespmem:s18+$0x17830];
	v6 =	vadd.f32 v26, v6  }
0x245: {  	v30 =	vld [tilespmem:s18+$0xE8C0];
	v4 =	vadd.f32 v4, v7  }
0x246: {  	v31 =	vld [tilespmem:s18+$0x168C0];
	v6 =	vmax.f32 v6, $0.0e+00  }
0x247: {  	v33 =	vld [tilespmem:s18+$0x168E0];
	[tilespmem:s18+$0xD8D0] =	vst v6;
	v4 =	vmax.f32 v4, $0.0e+00  }
0x248: {  	v34 =	vld [tilespmem:s22+$0x4840];
	[tilespmem:s18+$0xD8F0] =	vst v4  }
0x249: {  	v4 =	vld [tilespmem:s0+$0x4840]  }
0x24a: {  	v37 =	vld [tilespmem:s18+$0x17850]  }
0x24b: {  	v36 =	vld [tilespmem:s18+$0xF850];
	v8 =	vadd.f32 v31, v30  }
0x24c: {  	v39 =	vld [tilespmem:s18+$0xE8D0];
	v6 =	vadd.f32 v33, v32  }
0x24d: {  	v50 =	vld [tilespmem:s26+$0x4860];
	v38 =	vadd.f32 v34, v8  }
0x24e: {  	v42 =	vld [tilespmem:s18+$0xE8F0];
	v4 =	vadd.f32 v4, v6  }
0x24f: {  	v40 =	vld [tilespmem:s18+$0x168D0];
	v41 =	vmax.f32 v38, $0.0e+00  }
0x250: {  	v43 =	vld [tilespmem:s18+$0x168F0];
	[tilespmem:s18+$0xE8C0] =	vst v41;
	v4 =	vmax.f32 v4, $0.0e+00  }
0x251: {  	v44 =	vld [tilespmem:s22+$0x4850];
	[tilespmem:s18+$0xE8E0] =	vst v4  }
0x252: {  	v4 =	vld [tilespmem:s0+$0x4850]  }
0x253: {  	v45 =	vld [tilespmem:s18+$0xF890]  }
0x254: {  	v48 =	vld [tilespmem:s18+$0x178C0];
	v8 =	vadd.f32 v40, v39  }
0x255: {  	v56 =	vadd.f32 v50, v53;
	v50 =	vld [tilespmem:s18+$0xF8E0];
	v6 =	vadd.f32 v43, v42  }
0x256: {  	v53 =	vld [tilespmem:s18+$0x178B0];
	v46 =	vadd.f32 v44, v8  }
0x257: {  	v51 =	vld [tilespmem:s18+$0x178E0];
	v4 =	vadd.f32 v4, v6  }
0x258: {  	v59 =	vmax.f32 v56, $0.0e+00;
	v56 =	vld [tilespmem:s18+$0xF8F0];
	v49 =	vmax.f32 v46, $0.0e+00  }
0x259: {  	v11 =	vld [tilespmem:s25+$0x4870];
	[tilespmem:s18+$0xE8D0] =	vst v49;
	v4 =	vmax.f32 v4, $0.0e+00  }
0x25a: {  	v21 =	vld [tilespmem:s22+$0x4860];
	[tilespmem:s18+$0xE8F0] =	vst v4  }
0x25b: {  	v4 =	vld [tilespmem:s0+$0x4860]  }
0x25c: {  	v22 =	vld [tilespmem:s18+$0x17890]  }
0x25d: {  	v52 =	vld [tilespmem:s18+$0xF8B0];
	v8 =	vadd.f32 v48, v47  }
0x25e: {  	[tilespmem:s18+$0xF880] =	vst v59;
	v54 =	vld [tilespmem:s18+$0xF8D0];
	v6 =	vadd.f32 v51, v50  }
0x25f: {  	v61 =	vmax.f32 v5, $0.0e+00;
	v5 =	vld [tilespmem:s26+$0x4870];
	v8 =	vadd.f32 v21, v8  }
0x260: {  	v13 =	vadd.f32 v28, v27;
	v55 =	vld [tilespmem:s18+$0x178D0];
	v4 =	vadd.f32 v4, v6  }
0x261: {  	v10 =	vadd.f32 v35, v29;
	v57 =	vld [tilespmem:s18+$0x178F0];
	[tilespmem:s18+$0xF8A0] =	vst v61;
	v8 =	vmax.f32 v8, $0.0e+00  }
0x262: {  	v1 =	vadd.f32 v1, v13;
	v12 =	vadd.f32 v37, v36;
	v63 =	vld [tilespmem:s29+$0x4870];
	[tilespmem:s18+$0xF8C0] =	vst v8;
	v4 =	vmax.f32 v4, $0.0e+00  }
0x263: {  	v2 =	vadd.f32 v2, v10;
	v58 =	vadd.f32 v20, v19;
	[tilespmem:s18+$0xF8E0] =	vst v4;
	v59 =	vld [tilespmem:s22+$0x4870]  }
0x264: {  	v1 =	vmax.f32 v1, $0.0e+00;
	v3 =	vadd.f32 v3, v12;
	v60 =	vadd.f32 v22, v45;
	v61 =	vld [tilespmem:s0+$0x4870]  }
0x265: {  	[tilespmem:s18+$0xF810] =	vst v1;
	v2 =	vmax.f32 v2, $0.0e+00;
	v1 =	vadd.f32 v11, v58;
	v7 =	vadd.f32 v53, v52  }
0x266: {  	[tilespmem:s18+$0xF830] =	vst v2;
	v3 =	vmax.f32 v3, $0.0e+00;
	v62 =	vadd.f32 v55, v54;
	v2 =	vadd.f32 v5, v60  }
0x267: {  	p1 =	slt.u32 s2, $0x78;
	[tilespmem:s18+$0xF850] =	vst v3;
	v1 =	vmax.f32 v1, $0.0e+00;
	v3 =	vadd.f32 v63, v7;
	v63 =	vadd.f32 v57, v56  }
.Ltmp2:
0x268: {  	[tilespmem:s18+$0xF870] =	vst v1;
	v2 =	vmax.f32 v2, $0.0e+00;
	v1 =	vadd.f32 v59, v62;
	(pc) =	sbr.rel @p1 .LBB2_7-.Ltmp2, $4  }
0x269: {  	[tilespmem:s18+$0xF890] =	vst v2;
	v3 =	vmax.f32 v3, $0.0e+00;
	v2 =	vadd.f32 v61, v63  }
0x26a: {  	[tilespmem:s18+$0xF8B0] =	vst v3;
	v1 =	vmax.f32 v1, $0.0e+00  }
0x26b: {  	s30 =	sadd.s32 $0x8, s2;
	[tilespmem:s18+$0xF8D0] =	vst v1;
	v1 =	vmax.f32 v2, $0.0e+00  }
0x26c: {  	s2 =	smov.u32 s30;
	[tilespmem:s18+$0xF8F0] =	vst v1  }
0x26d: {  	[spmem:s1] =	stream.indirect.scatter.add.f32 [tilespmem:s28], [sflag:$0x4], $0x20, s31, s23, $0xb8;
	[tilespmem:$0x1D640] =	vst v63  }
0x26e: {  	s17 =	sadd.s32 $0x1, s17  }
0x26f: {  	p1 =	sne.s32 s17, $0xA  }
0x270: {  	[spmem:s1] =	stream.indirect.scatter.add.f32 [tilespmem:s10], [sflag:$0x4], $0x20, s21, s23, $0xb8;
	[tilespmem:$0x1D640] =	vst v63  }
.Ltmp3:
0x271: {  	_ = 	snop;
	(pc) =	sbr.rel @p1 .LBB2_4-.Ltmp3, $4  }
0x272: {  	_ = 	snop  }
0x273: {  	[spmem:s1] =	stream.indirect.scatter.add.f32 [tilespmem:s16], [sflag:$0x4], $0x20, s15, s23, $0xb8;
	[tilespmem:$0x1D640] =	vst v63  }
0x274: {  	_ = 	snop  }
0x275: {  	[spmem:s1] =	stream.indirect.scatter.add.f32 [tilespmem:s11], [sflag:$0x4], $0x20, s9, s23, $0xb8;
	[tilespmem:$0x1D640] =	vst v63  }
0x276: {  	s0 =	simm.s32 $0x3  }
0x277: {  	_ =	swait.ge [sflag:s0], $0x1000  }
0x278: {  	[sflag:s0] =	ssyncset.done $0x0  }
0x279: {  	[sflag:s0] =	ssyncadd.s32 $0xFFFFF000  }
0x27a: {  	_ =	swait.ge [sflag:s0], $0x1000  }
0x27b: {  	[sflag:s0] =	ssyncset.done $0x0  }
0x27c: {  	[sflag:s0] =	ssyncadd.s32 $0xFFFFF000  }
0x27d: {  	_ =	swait.ge [sflag:s0], $0x1000  }
0x27e: {  	[sflag:s0] =	ssyncset.done $0x0  }
0x27f: {  	[sflag:s0] =	ssyncadd.s32 $0xFFFFF000  }
0x280: {  	_ =	swait.ge [sflag:s0], $0x1000  }
0x281: {  	[sflag:s0] =	ssyncset.done $0x0  }
0x282: {  	s25 =	simm.s32 $0x4;
	[sflag:s0] =	ssyncadd.s32 $0xFFFFF000  }
0x283: {  	_ =	swait.ge [sflag:s25], $0x1000  }
0x284: {  	[sflag:s25] =	ssyncset.done $0x0  }
0x285: {  	[sflag:s25] =	ssyncadd.s32 $0xFFFFF000  }
0x286: {  	_ =	swait.ge [sflag:s25], $0x1000  }
0x287: {  	[sflag:s25] =	ssyncset.done $0x0  }
0x288: {  	[sflag:s25] =	ssyncadd.s32 $0xFFFFF000  }
0x289: {  	_ =	swait.ge [sflag:s25], $0x1000  }
0x28a: {  	[sflag:s25] =	ssyncset.done $0x0  }
0x28b: {  	[sflag:s25] =	ssyncadd.s32 $0xFFFFF000  }
0x28c: {  	_ =	swait.ge [sflag:s25], $0x1000  }
0x28d: {  	[sflag:s25] =	ssyncset.done $0x0  }
0x28e: {  	[sflag:s25] =	ssyncadd.s32 $0xFFFFF000  }
0x28f: {  	s26 =	stileid.u32;
	[bflag:$0x0] =	sbarrier.arrive $0xFFFF  }
0x290: {  	s0 =	sshll.u32 s26, $0x6;
	s18 =	rddreg [dreg:$0x4]  }
0x291: {  	s0 =	sor.u32 $0x1C05, s0;
	s12 =	rddreg [dreg:$0xb];
	s2 =	sshrl.u32 s18, $0x3  }
0x292: {  	[hbm:s12], [sflag:s0] =	dma.local [spmem:s2], $0x9C0  }
0x293: {  	_ =	swait.ge [sflag:s20], $0x9C0  }
0x294: {  	[sflag:s20] =	ssyncset.done $0x0;
	s19 =	rddreg [dreg:$0x6]  }
0x295: {  	s12 =	rddreg [dreg:$0xc];
	[sflag:s20] =	ssyncadd.s32 $0xFFFFF640;
	s2 =	sshrl.u32 @!p0 s19, $0x3  }
0x296: {  	[hbm:s12], [sflag:s0] =	dma.local @!p0 [spmem:s2], $0x40  }
0x297: {  	s0 =	simm.s32 @!p0 $0x5  }
0x298: {  	_ =	swait.ge @!p0 [sflag:s0], $0x40  }
0x299: {  	s29 =	rddreg [dreg:$0xe]  }
0x29a: {  	s30 =	rddreg [dreg:$0xd];
	s12 =	sadd.s32 $0x1, s29  }
0x29b: {  	p1 =	sne.s32 s12, s30  }
.Ltmp4:
0x29c: {  	_ = 	snop;
	(pc) =	sbr.rel @p1 .LBB2_1-.Ltmp4, $3  }
0x29d: {  	_ =	sdelay $0x1  }
0x29e: {  	[sflag:s0] =	ssyncset.done @!p0 $0x0  }
0x29f: {  	[sflag:s0] =	ssyncadd.s32 @!p0 $0xFFFFFFC0  }
0x2a0: {  	_ =	sfence.sel $0x180000  }
0x2a1: {  	[bflag:$0x0] =	sbarrier.arrive $0xFFFF  }
0x2a2: {  	_ =	strace $0x90000047  }
0x2a3: {  	s0 =	stileid.u32;
	[bflag:$0x2] =	sbarrier.arrive $0xFFFF  }
0x2a4: {  	p0 =	sne.s32 s0, $0x0;
	s0 =	rddreg [dreg:$0x3]  }
0x2a5: {  	s0 =	sadd.s32 @!p0 $0x100000, s0  }
0x2a6: {  	[sflag:s0] =	ssyncadd.tile.s32 @!p0 $0x1;
	_ =	shalt  }
.Lfunc_end2:
_tile_overlayer_lowered:
.L_overlay_start_2:
0x2a7: {  	(tag) =	ssettag $0x2  }
0x2a8: {  	s0 =	rddreg [dreg:$0x0];
	s2 =	stileid.u32  }
0x2a9: {  	s1 =	rddreg [dreg:$0x1];
	p0 =	sne.s32 s2, $0x0  }
0x2aa: {  	s3 =	rddreg [dreg:$0x2];
	[bflag:$0x3] =	sbarrier.arrive $0xFFFF;
	s2 =	simm.s32 @!p0 $0x1C05  }
0x2ab: {  	[timem:s3], [sflag:s2] =	dma.local @!p0 [hbm:s0], s1  }
0x2ac: {  	s0 =	simm.s32 @!p0 $0x5  }
0x2ad: {  	_ =	swait.ge @!p0 [sflag:s0], s1  }
0x2ae: {  	s1 =	ssub.s32 @!p0 $0x0, s1;
	[sflag:s0] =	ssyncset.done @!p0 $0x0  }
0x2af: {  	[sflag:s0] =	ssyncadd.s32 @!p0 s1  }
0x2b0: {  	[bflag:$0x3] =	sbarrier.arrive $0xFFFF  }
0x2b1: {  	_ =	shalt  }

</sc_bundles>
